<compile_context>
chip_gen: v7x
topology: tpu7x:2x2x1
jax: 0.10.2.dev20260603
libtpu: 0.0.44.dev20260713+nightly
codegen_flags: <defaults>
</compile_context>

<pallas_src>
import functools

import jax
import jax.numpy as jnp
from jax import lax
from jax.experimental import pallas as pl
from jax.experimental.pallas import tpu as pltpu
from jax.experimental.pallas import tpu_sc as plsc

N = 10000
D = 128
D_OUT = 64
E = 320000

NC = 2
NS = 16
NW = NC * NS
CHUNK = 128
NCHUNK = 80
NBUF = 2
GROUPS = NCHUNK // NBUF
EPT = CHUNK * NCHUNK
EPAD = NW * EPT
NROWS = 10112
RPT = NROWS // NS
NDEG = 12800
RPTD = NDEG // NS

@functools.cache
def _sc_kernels():
    mesh = plsc.VectorSubcoreMesh(core_axis_name="c", subcore_axis_name="s",
                                  num_cores=NC, num_subcores=NS)
    sc_deg = functools.partial(
        pl.kernel,
        out_type=jax.ShapeDtypeStruct((NC * NDEG,), jnp.float32),
        mesh=mesh,
        scratch_types=[
            pltpu.VMEM((NCHUNK, CHUNK), jnp.int32),
            pltpu.VMEM((CHUNK,), jnp.float32),
            pltpu.VMEM((CHUNK,), jnp.float32),
            pltpu.VMEM((RPTD,), jnp.float32),
            pltpu.MemorySpace.VMEM_SHARED((NDEG,), jnp.float32),
            pltpu.SemaphoreType.DMA,
        ],
    )(_sc_deg_body)
    sc_layer = functools.partial(
        pl.kernel,
        out_type=jax.ShapeDtypeStruct((NC, NROWS, D), jnp.float32),
        mesh=mesh,
        scratch_types=[
            pltpu.VMEM((NCHUNK, CHUNK), jnp.int32),
            pltpu.VMEM((2, NBUF, CHUNK), jnp.int32),
            pltpu.VMEM((NBUF, CHUNK, D), jnp.float32),
            pltpu.MemorySpace.VMEM_SHARED((NROWS, D), jnp.float32),
        ] + [pltpu.SemaphoreType.DMA] * (NBUF + 3),
    )(_sc_layer_body)
    return sc_deg, sc_layer


def _sc_deg_body(src_hbm, out_hbm, sidx, ones_v, zero_v, stage_v, acc, dsem):
    c = lax.axis_index("c")
    s = lax.axis_index("s")
    wid = c * NS + s
    for j in range(CHUNK // 16):
        ones_v[pl.ds(j * 16, 16)] = jnp.ones((16,), jnp.float32)
        zero_v[pl.ds(j * 16, 16)] = jnp.zeros((16,), jnp.float32)
    for j in range(RPTD // CHUNK):
        pltpu.sync_copy(zero_v, acc.at[pl.ds(s * RPTD + j * CHUNK, CHUNK)])
    rem = RPTD % CHUNK
    if rem:
        pltpu.sync_copy(zero_v.at[pl.ds(0, rem)],
                        acc.at[pl.ds(s * RPTD + (RPTD // CHUNK) * CHUNK, rem)])
    pltpu.sync_copy(src_hbm.at[pl.ds(wid * NCHUNK, NCHUNK)], sidx)
    plsc.subcore_barrier()

    LAG = 8

    def body(k, carry):
        pltpu.async_copy(ones_v, acc.at[sidx.at[k]], dsem, add=True)

        @pl.when(k >= LAG)
        def _():
            pltpu.make_async_copy(ones_v, acc.at[sidx.at[k - LAG]],
                                  dsem).wait()
        return carry

    lax.fori_loop(0, NCHUNK, body, 0)

    def drain(k, carry):
        pltpu.make_async_copy(ones_v, acc.at[sidx.at[k]], dsem).wait()
        return carry

    lax.fori_loop(NCHUNK - LAG, NCHUNK, drain, 0)
    plsc.subcore_barrier()
    pltpu.sync_copy(acc.at[pl.ds(s * RPTD, RPTD)], stage_v)
    pltpu.sync_copy(stage_v, out_hbm.at[pl.ds(c * NDEG + s * RPTD, RPTD)])


def _sc_layer_body(table_hbm, src_hbm, dst_hbm, zeros_hbm, out_hbm,
                   didx, sidx, rows, acc, *sems):
    c = lax.axis_index("c")
    s = lax.axis_index("s")
    wid = c * NS + s
    gsem = sems[:NBUF]
    ssem = sems[NBUF:NBUF + 2]
    zsem = sems[NBUF + 2]
    zinit = pltpu.async_copy(zeros_hbm.at[pl.ds(s * RPT, RPT)],
                             acc.at[pl.ds(s * RPT, RPT)], zsem)
    pltpu.sync_copy(dst_hbm.at[pl.ds(wid * NCHUNK, NCHUNK)], didx)

    def sidx_src(g):
        return src_hbm.at[pl.ds(wid * NCHUNK + g * NBUF, NBUF)]

    for t in range(2):
        pltpu.async_copy(sidx_src(t), sidx.at[t], ssem[t])
    for b in range(NBUF):
        pltpu.async_copy(table_hbm.at[didx.at[b]], rows.at[b], gsem[b])
    zinit.wait()
    plsc.subcore_barrier()

    def one_group(g, slot):
        k0 = g * NBUF
        pltpu.make_async_copy(sidx_src(g), sidx.at[slot], ssem[slot]).wait()
        for b in range(NBUF):
            k = k0 + b
            pltpu.make_async_copy(table_hbm.at[didx.at[b]], rows.at[b],
                                  gsem[b]).wait()
            pltpu.sync_copy(rows.at[b], acc.at[sidx.at[slot, b]], add=True)

            @pl.when(g < GROUPS - 1)
            def _():
                pltpu.async_copy(table_hbm.at[didx.at[k + NBUF]], rows.at[b],
                                 gsem[b])

        @pl.when(g < GROUPS - 2)
        def _():
            pltpu.async_copy(sidx_src(g + 2), sidx.at[slot], ssem[slot])

    def super_group(h, carry):
        one_group(2 * h, 0)
        one_group(2 * h + 1, 1)
        return carry

    lax.fori_loop(0, GROUPS // 2, super_group, 0)
    plsc.subcore_barrier()
    pltpu.sync_copy(acc.at[pl.ds(s * RPT, RPT)], out_hbm.at[c, pl.ds(s * RPT, RPT)])


def _dinv_block(deg0_ref, deg1_ref):
    deg = 1.0 + deg0_ref[...] + deg1_ref[...]
    return lax.rsqrt(deg)


def _tc_a_body(x_ref, w1_ref, deg0_ref, deg1_ref, out_ref):
    p = lax.dot_general(x_ref[...], w1_ref[...], (((1,), (1,)), ((), ())),
                        preferred_element_type=jnp.float32)
    out_ref[...] = p * _dinv_block(deg0_ref, deg1_ref)


def _tc_b_body(zp_ref, yprev_ref, deg0_ref, deg1_ref, w2_ref, out_ref):
    dinv = _dinv_block(deg0_ref, deg1_ref)
    z = zp_ref[0] + zp_ref[1] + yprev_ref[...]
    h = jnp.maximum(dinv * z, 0.0)
    out_ref[...] = lax.dot_general(dinv * h, w2_ref[...], (((1,), (1,)), ((), ())),
                                   preferred_element_type=jnp.float32)


def _tc_c_body(zp_ref, yprev_ref, deg0_ref, deg1_ref, fcw_ref, fcb_ref, out_ref,
               acc_ref):
    i = pl.program_id(0)

    @pl.when(i == 0)
    def _():
        acc_ref[...] = jnp.zeros_like(acc_ref)

    dinv = _dinv_block(deg0_ref, deg1_ref)
    z = zp_ref[0] + zp_ref[1] + yprev_ref[...]
    h = jnp.maximum(dinv * z, 0.0)
    acc_ref[...] += jnp.sum(h, axis=0, keepdims=True)

    @pl.when(i == pl.num_programs(0) - 1)
    def _():
        m = acc_ref[...] * (1.0 / N)
        out_ref[...] = lax.dot_general(m, fcw_ref[...], (((1,), (1,)), ((), ())),
                                       preferred_element_type=jnp.float32) + fcb_ref[...]


_RB = 1000


def _row_specs():
    deg_spec = pl.BlockSpec((_RB, 1), lambda i: (i, 0))
    row_spec = pl.BlockSpec((_RB, D), lambda i: (i, 0))
    z_spec = pl.BlockSpec((NC, _RB, D), lambda i: (0, i, 0))
    w_spec = pl.BlockSpec((D, D), lambda i: (0, 0))
    return deg_spec, row_spec, z_spec, w_spec


def _tc_a(x, w1, deg0, deg1):
    deg_spec, row_spec, _, w_spec = _row_specs()
    return pl.pallas_call(
        _tc_a_body,
        grid=(N // _RB,),
        in_specs=[row_spec, w_spec, deg_spec, deg_spec],
        out_specs=row_spec,
        out_shape=jax.ShapeDtypeStruct((N, D), jnp.float32),
    )(x, w1, deg0, deg1)


def _tc_b(zp, yprev, deg0, deg1, w2):
    deg_spec, row_spec, z_spec, w_spec = _row_specs()
    return pl.pallas_call(
        _tc_b_body,
        grid=(N // _RB,),
        in_specs=[z_spec, row_spec, deg_spec, deg_spec, w_spec],
        out_specs=row_spec,
        out_shape=jax.ShapeDtypeStruct((N, D), jnp.float32),
    )(zp, yprev, deg0, deg1, w2)


def _tc_c(zp, yprev, deg0, deg1, fcw, fcb):
    deg_spec, row_spec, z_spec, _ = _row_specs()
    fcw_spec = pl.BlockSpec((D_OUT * D_OUT, D), lambda i: (0, 0))
    fcb_spec = pl.BlockSpec((1, D_OUT * D_OUT), lambda i: (0, 0))
    out_spec = pl.BlockSpec((1, D_OUT * D_OUT), lambda i: (0, 0))
    return pl.pallas_call(
        _tc_c_body,
        grid=(N // _RB,),
        in_specs=[z_spec, row_spec, deg_spec, deg_spec, fcw_spec, fcb_spec],
        out_specs=out_spec,
        out_shape=jax.ShapeDtypeStruct((1, D_OUT * D_OUT), jnp.float32),
        scratch_shapes=[pltpu.VMEM((1, D), jnp.float32)],
    )(zp, yprev, deg0, deg1, fcw, fcb)


def kernel(x, edge_index, W1, W2, fcW, fcb):
    src = edge_index[0].astype(jnp.int32)
    dst = edge_index[1].astype(jnp.int32)
    npad = EPAD - E
    pad_i = jnp.arange(npad, dtype=jnp.int32)
    src_p = jnp.concatenate([src, N + pad_i % (NROWS - N)]).reshape(-1, CHUNK)
    dst_p = jnp.concatenate([dst, pad_i % N]).reshape(-1, CHUNK)

    zerosD = jnp.zeros((NROWS, D), jnp.float32)

    sc_deg, sc_layer = _sc_kernels()
    degp = sc_deg(src_p)
    deg0 = degp[0:N].reshape(N, 1)
    deg1 = degp[NDEG:NDEG + N].reshape(N, 1)
    y0 = _tc_a(x, W1, deg0, deg1)
    z1 = sc_layer(y0, src_p, dst_p, zerosD)
    y1 = _tc_b(z1, y0, deg0, deg1, W2)
    z2 = sc_layer(y1, src_p, dst_p, zerosD)
    a_flat = _tc_c(z2, y1, deg0, deg1, fcW, fcb.reshape(1, -1))
    return a_flat.reshape(D_OUT, D_OUT)

# --- scband reference (transcript-rebuilt; emitter-appended) ---
"""Pipeline reference for scband-matrix-predictor-gnn-44255343018794 (READ-ONLY COPY).

The authoritative reference and input builder live on the scoring server;
editing this copy changes nothing except your own understanding.
"""

import jax, jax.numpy as jnp
import numpy as np

N_NODES = 10000
D_IN = 128
D_HID = 128
D_OUT = 64
N_EDGES = 320000


def setup_inputs(seed: int = 0) -> dict:
    key = jax.random.key(seed)
    k1, k2, k3, k4, k5, k6 = jax.random.split(key, 6)
    x = jax.random.normal(k1, (N_NODES, D_IN), dtype=jnp.float32)
    edge_index = jax.random.randint(k2, (2, N_EDGES), 0, N_NODES, dtype=jnp.int64)
    # linear weights, torch convention [out, in]
    W1 = jax.random.normal(k3, (D_HID, D_IN), dtype=jnp.float32) * (1.0 / np.sqrt(D_IN))
    W2 = jax.random.normal(k4, (D_HID, D_HID), dtype=jnp.float32) * (1.0 / np.sqrt(D_HID))
    fcW = jax.random.normal(k5, (D_OUT * D_OUT, D_HID), dtype=jnp.float32) * (1.0 / np.sqrt(D_HID))
    fcb = jax.random.normal(k6, (D_OUT * D_OUT,), dtype=jnp.float32) * 0.01
    return {"x": x, "edge_index": edge_index, "W1": W1, "W2": W2, "fcW": fcW, "fcb": fcb}


def _gcn_layer(node_features, src, dst, W):
    n = node_features.shape[0]
    deg = jnp.zeros((n,), dtype=node_features.dtype).at[src].add(1.0)
    dinv = jnp.where(deg > 0, deg ** -0.5, 0.0)
    norm = dinv[src] * dinv[dst]
    edge_messages = node_features[dst] * norm[:, None]
    agg = jnp.zeros_like(node_features).at[src].add(edge_messages)
    return agg @ W.T


def reference(x, edge_index, W1, W2, fcW, fcb):
    n = x.shape[0]
    loops = jnp.arange(n, dtype=edge_index.dtype)
    src = jnp.concatenate([edge_index[0], loops])
    dst = jnp.concatenate([edge_index[1], loops])
    h = jax.nn.relu(_gcn_layer(x, src, dst, W1))
    h = jax.nn.relu(_gcn_layer(h, src, dst, W2))
    A_flat = h.mean(axis=0) @ fcW.T + fcb
    return A_flat.reshape(D_OUT, D_OUT)

if __name__ == "__main__":
    import jax
    _d = setup_inputs()
    print(jax.jit(kernel)(*tuple(_d.values())))

</pallas_src>

<mosaic_0001>
#map = affine_map<(d0, d1) -> (0, 0)>
#map1 = affine_map<(d0, d1) -> (0)>
module attributes {stable_mosaic.version = 14 : i64} {
  func.func @_sc_deg_body(%arg0: i32, %arg1: i32, %arg2: memref<2560x128xi32, #tpu.memory_space<hbm>>, %arg3: memref<25600xf32, #tpu.memory_space<hbm>>, %arg4: memref<80x128xi32, #tpu.memory_space<vmem>>, %arg5: memref<128xf32, #tpu.memory_space<vmem>>, %arg6: memref<128xf32, #tpu.memory_space<vmem>>, %arg7: memref<800xf32, #tpu.memory_space<vmem>>, %arg8: memref<12800xf32, #tpu.memory_space<vmem_shared>>, %arg9: memref<!tpu.dma_semaphore, #tpu.memory_space<semaphore_mem>>) attributes {dimension_semantics = [#tpu.dimension_semantics<core_parallel>, #tpu.dimension_semantics<subcore_parallel>], iteration_bounds = array<i64: 2, 16>, scalar_prefetch = 0 : i64, scratch_operands = 6 : i64, tpu.core_type = #tpu.core_type<sc_vector_subcore>, window_params = [{transform_indices = #map}, {transform_indices = #map1}]} {
    %mul3A = arith.constant 16 : i32
    %mul3A_0 = arith.muli %arg0, %mul3A : i32
    %add3A = arith.addi %mul3A_0, %arg1 : i32
    %broadcast_in_dim3A = arith.constant 1.000000e+00 : f32
    %broadcast_in_dim3A_1 = vector.broadcast %broadcast_in_dim3A : f32 to vector<16xf32>
    %swap3A = arith.constant 0 : index
    %swap3A_2 = tpu.vector_load %arg5[%swap3A] {strides = array<i32>} : memref<128xf32, #tpu.memory_space<vmem>>, vector<16xf32>,
    %swap3A_3 = vector.shape_cast %swap3A_2 : vector<16xf32> to vector<16xf32>
    %swap3A_4 = vector.shape_cast %broadcast_in_dim3A_1 : vector<16xf32> to vector<16xf32>
    tpu.vector_store %arg5[%swap3A], %swap3A_4 {strides = array<i32>} : memref<128xf32, #tpu.memory_space<vmem>>, vector<16xf32>,
    %broadcast_in_dim3A_5 = arith.constant 0.000000e+00 : f32
    %broadcast_in_dim3A_6 = vector.broadcast %broadcast_in_dim3A_5 : f32 to vector<16xf32>
    %swap3A_7 = arith.constant 0 : index
    %swap3A_8 = tpu.vector_load %arg6[%swap3A_7] {strides = array<i32>} : memref<128xf32, #tpu.memory_space<vmem>>, vector<16xf32>,
    %swap3A_9 = vector.shape_cast %swap3A_8 : vector<16xf32> to vector<16xf32>
    %swap3A_10 = vector.shape_cast %broadcast_in_dim3A_6 : vector<16xf32> to vector<16xf32>
    tpu.vector_store %arg6[%swap3A_7], %swap3A_10 {strides = array<i32>} : memref<128xf32, #tpu.memory_space<vmem>>, vector<16xf32>,
    %broadcast_in_dim3A_11 = arith.constant 1.000000e+00 : f32
    %broadcast_in_dim3A_12 = vector.broadcast %broadcast_in_dim3A_11 : f32 to vector<16xf32>
    %swap3A_13 = arith.constant 16 : index
    %swap3A_14 = tpu.vector_load %arg5[%swap3A_13] {strides = array<i32>} : memref<128xf32, #tpu.memory_space<vmem>>, vector<16xf32>,
    %swap3A_15 = vector.shape_cast %swap3A_14 : vector<16xf32> to vector<16xf32>
    %swap3A_16 = vector.shape_cast %broadcast_in_dim3A_12 : vector<16xf32> to vector<16xf32>
    tpu.vector_store %arg5[%swap3A_13], %swap3A_16 {strides = array<i32>} : memref<128xf32, #tpu.memory_space<vmem>>, vector<16xf32>,
    %broadcast_in_dim3A_17 = arith.constant 0.000000e+00 : f32
    %broadcast_in_dim3A_18 = vector.broadcast %broadcast_in_dim3A_17 : f32 to vector<16xf32>
    %swap3A_19 = arith.constant 16 : index
    %swap3A_20 = tpu.vector_load %arg6[%swap3A_19] {strides = array<i32>} : memref<128xf32, #tpu.memory_space<vmem>>, vector<16xf32>,
    %swap3A_21 = vector.shape_cast %swap3A_20 : vector<16xf32> to vector<16xf32>
    %swap3A_22 = vector.shape_cast %broadcast_in_dim3A_18 : vector<16xf32> to vector<16xf32>
    tpu.vector_store %arg6[%swap3A_19], %swap3A_22 {strides = array<i32>} : memref<128xf32, #tpu.memory_space<vmem>>, vector<16xf32>,
    %broadcast_in_dim3A_23 = arith.constant 1.000000e+00 : f32
    %broadcast_in_dim3A_24 = vector.broadcast %broadcast_in_dim3A_23 : f32 to vector<16xf32>
    %swap3A_25 = arith.constant 32 : index
    %swap3A_26 = tpu.vector_load %arg5[%swap3A_25] {strides = array<i32>} : memref<128xf32, #tpu.memory_space<vmem>>, vector<16xf32>,
    %swap3A_27 = vector.shape_cast %swap3A_26 : vector<16xf32> to vector<16xf32>
    %swap3A_28 = vector.shape_cast %broadcast_in_dim3A_24 : vector<16xf32> to vector<16xf32>
    tpu.vector_store %arg5[%swap3A_25], %swap3A_28 {strides = array<i32>} : memref<128xf32, #tpu.memory_space<vmem>>, vector<16xf32>,
    %broadcast_in_dim3A_29 = arith.constant 0.000000e+00 : f32
    %broadcast_in_dim3A_30 = vector.broadcast %broadcast_in_dim3A_29 : f32 to vector<16xf32>
    %swap3A_31 = arith.constant 32 : index
    %swap3A_32 = tpu.vector_load %arg6[%swap3A_31] {strides = array<i32>} : memref<128xf32, #tpu.memory_space<vmem>>, vector<16xf32>,
    %swap3A_33 = vector.shape_cast %swap3A_32 : vector<16xf32> to vector<16xf32>
    %swap3A_34 = vector.shape_cast %broadcast_in_dim3A_30 : vector<16xf32> to vector<16xf32>
    tpu.vector_store %arg6[%swap3A_31], %swap3A_34 {strides = array<i32>} : memref<128xf32, #tpu.memory_space<vmem>>, vector<16xf32>,
    %broadcast_in_dim3A_35 = arith.constant 1.000000e+00 : f32
    %broadcast_in_dim3A_36 = vector.broadcast %broadcast_in_dim3A_35 : f32 to vector<16xf32>
    %swap3A_37 = arith.constant 48 : index
    %swap3A_38 = tpu.vector_load %arg5[%swap3A_37] {strides = array<i32>} : memref<128xf32, #tpu.memory_space<vmem>>, vector<16xf32>,
    %swap3A_39 = vector.shape_cast %swap3A_38 : vector<16xf32> to vector<16xf32>
    %swap3A_40 = vector.shape_cast %broadcast_in_dim3A_36 : vector<16xf32> to vector<16xf32>
    tpu.vector_store %arg5[%swap3A_37], %swap3A_40 {strides = array<i32>} : memref<128xf32, #tpu.memory_space<vmem>>, vector<16xf32>,
    %broadcast_in_dim3A_41 = arith.constant 0.000000e+00 : f32
    %broadcast_in_dim3A_42 = vector.broadcast %broadcast_in_dim3A_41 : f32 to vector<16xf32>
    %swap3A_43 = arith.constant 48 : index
    %swap3A_44 = tpu.vector_load %arg6[%swap3A_43] {strides = array<i32>} : memref<128xf32, #tpu.memory_space<vmem>>, vector<16xf32>,
    %swap3A_45 = vector.shape_cast %swap3A_44 : vector<16xf32> to vector<16xf32>
    %swap3A_46 = vector.shape_cast %broadcast_in_dim3A_42 : vector<16xf32> to vector<16xf32>
    tpu.vector_store %arg6[%swap3A_43], %swap3A_46 {strides = array<i32>} : memref<128xf32, #tpu.memory_space<vmem>>, vector<16xf32>,
    %broadcast_in_dim3A_47 = arith.constant 1.000000e+00 : f32
    %broadcast_in_dim3A_48 = vector.broadcast %broadcast_in_dim3A_47 : f32 to vector<16xf32>
    %swap3A_49 = arith.constant 64 : index
    %swap3A_50 = tpu.vector_load %arg5[%swap3A_49] {strides = array<i32>} : memref<128xf32, #tpu.memory_space<vmem>>, vector<16xf32>,
    %swap3A_51 = vector.shape_cast %swap3A_50 : vector<16xf32> to vector<16xf32>
    %swap3A_52 = vector.shape_cast %broadcast_in_dim3A_48 : vector<16xf32> to vector<16xf32>
    tpu.vector_store %arg5[%swap3A_49], %swap3A_52 {strides = array<i32>} : memref<128xf32, #tpu.memory_space<vmem>>, vector<16xf32>,
    %broadcast_in_dim3A_53 = arith.constant 0.000000e+00 : f32
    %broadcast_in_dim3A_54 = vector.broadcast %broadcast_in_dim3A_53 : f32 to vector<16xf32>
    %swap3A_55 = arith.constant 64 : index
    %swap3A_56 = tpu.vector_load %arg6[%swap3A_55] {strides = array<i32>} : memref<128xf32, #tpu.memory_space<vmem>>, vector<16xf32>,
    %swap3A_57 = vector.shape_cast %swap3A_56 : vector<16xf32> to vector<16xf32>
    %swap3A_58 = vector.shape_cast %broadcast_in_dim3A_54 : vector<16xf32> to vector<16xf32>
    tpu.vector_store %arg6[%swap3A_55], %swap3A_58 {strides = array<i32>} : memref<128xf32, #tpu.memory_space<vmem>>, vector<16xf32>,
    %broadcast_in_dim3A_59 = arith.constant 1.000000e+00 : f32
    %broadcast_in_dim3A_60 = vector.broadcast %broadcast_in_dim3A_59 : f32 to vector<16xf32>
    %swap3A_61 = arith.constant 80 : index
    %swap3A_62 = tpu.vector_load %arg5[%swap3A_61] {strides = array<i32>} : memref<128xf32, #tpu.memory_space<vmem>>, vector<16xf32>,
    %swap3A_63 = vector.shape_cast %swap3A_62 : vector<16xf32> to vector<16xf32>
    %swap3A_64 = vector.shape_cast %broadcast_in_dim3A_60 : vector<16xf32> to vector<16xf32>
    tpu.vector_store %arg5[%swap3A_61], %swap3A_64 {strides = array<i32>} : memref<128xf32, #tpu.memory_space<vmem>>, vector<16xf32>,
    %broadcast_in_dim3A_65 = arith.constant 0.000000e+00 : f32
    %broadcast_in_dim3A_66 = vector.broadcast %broadcast_in_dim3A_65 : f32 to vector<16xf32>
    %swap3A_67 = arith.constant 80 : index
    %swap3A_68 = tpu.vector_load %arg6[%swap3A_67] {strides = array<i32>} : memref<128xf32, #tpu.memory_space<vmem>>, vector<16xf32>,
    %swap3A_69 = vector.shape_cast %swap3A_68 : vector<16xf32> to vector<16xf32>
    %swap3A_70 = vector.shape_cast %broadcast_in_dim3A_66 : vector<16xf32> to vector<16xf32>
    tpu.vector_store %arg6[%swap3A_67], %swap3A_70 {strides = array<i32>} : memref<128xf32, #tpu.memory_space<vmem>>, vector<16xf32>,
    %broadcast_in_dim3A_71 = arith.constant 1.000000e+00 : f32
    %broadcast_in_dim3A_72 = vector.broadcast %broadcast_in_dim3A_71 : f32 to vector<16xf32>
    %swap3A_73 = arith.constant 96 : index
    %swap3A_74 = tpu.vector_load %arg5[%swap3A_73] {strides = array<i32>} : memref<128xf32, #tpu.memory_space<vmem>>, vector<16xf32>,
    %swap3A_75 = vector.shape_cast %swap3A_74 : vector<16xf32> to vector<16xf32>
    %swap3A_76 = vector.shape_cast %broadcast_in_dim3A_72 : vector<16xf32> to vector<16xf32>
    tpu.vector_store %arg5[%swap3A_73], %swap3A_76 {strides = array<i32>} : memref<128xf32, #tpu.memory_space<vmem>>, vector<16xf32>,
    %broadcast_in_dim3A_77 = arith.constant 0.000000e+00 : f32
    %broadcast_in_dim3A_78 = vector.broadcast %broadcast_in_dim3A_77 : f32 to vector<16xf32>
    %swap3A_79 = arith.constant 96 : index
    %swap3A_80 = tpu.vector_load %arg6[%swap3A_79] {strides = array<i32>} : memref<128xf32, #tpu.memory_space<vmem>>, vector<16xf32>,
    %swap3A_81 = vector.shape_cast %swap3A_80 : vector<16xf32> to vector<16xf32>
    %swap3A_82 = vector.shape_cast %broadcast_in_dim3A_78 : vector<16xf32> to vector<16xf32>
    tpu.vector_store %arg6[%swap3A_79], %swap3A_82 {strides = array<i32>} : memref<128xf32, #tpu.memory_space<vmem>>, vector<16xf32>,
    %broadcast_in_dim3A_83 = arith.constant 1.000000e+00 : f32
    %broadcast_in_dim3A_84 = vector.broadcast %broadcast_in_dim3A_83 : f32 to vector<16xf32>
    %swap3A_85 = arith.constant 112 : index
    %swap3A_86 = tpu.vector_load %arg5[%swap3A_85] {strides = array<i32>} : memref<128xf32, #tpu.memory_space<vmem>>, vector<16xf32>,
    %swap3A_87 = vector.shape_cast %swap3A_86 : vector<16xf32> to vector<16xf32>
    %swap3A_88 = vector.shape_cast %broadcast_in_dim3A_84 : vector<16xf32> to vector<16xf32>
    tpu.vector_store %arg5[%swap3A_85], %swap3A_88 {strides = array<i32>} : memref<128xf32, #tpu.memory_space<vmem>>, vector<16xf32>,
    %broadcast_in_dim3A_89 = arith.constant 0.000000e+00 : f32
    %broadcast_in_dim3A_90 = vector.broadcast %broadcast_in_dim3A_89 : f32 to vector<16xf32>
    %swap3A_91 = arith.constant 112 : index
    %swap3A_92 = tpu.vector_load %arg6[%swap3A_91] {strides = array<i32>} : memref<128xf32, #tpu.memory_space<vmem>>, vector<16xf32>,
    %swap3A_93 = vector.shape_cast %swap3A_92 : vector<16xf32> to vector<16xf32>
    %swap3A_94 = vector.shape_cast %broadcast_in_dim3A_90 : vector<16xf32> to vector<16xf32>
    tpu.vector_store %arg6[%swap3A_91], %swap3A_94 {strides = array<i32>} : memref<128xf32, #tpu.memory_space<vmem>>, vector<16xf32>,
    %mul3A_95 = arith.constant 800 : i32
    %mul3A_96 = arith.muli %arg1, %mul3A_95 : i32
    %add3A_97 = arith.constant 0 : i32
    %add3A_98 = arith.addi %mul3A_96, %add3A_97 : i32
    "tpu.region"() ({
      %run_scoped3A = tpu.sem_alloc : memref<!tpu.dma_semaphore, #tpu.memory_space<semaphore_mem>>
      %dma_start3A = tpu.memref_slice %arg8[%add3A_98] : memref<12800xf32, #tpu.memory_space<vmem_shared>> -> memref<128xf32, #tpu.memory_space<vmem_shared>>
      %dma_start3A_144 = tpu.memref_slice %arg8[%add3A_98] : memref<12800xf32, #tpu.memory_space<vmem_shared>> -> memref<128xf32, #tpu.memory_space<vmem_shared>>
      tpu.enqueue_dma source(%arg6 : memref<128xf32, #tpu.memory_space<vmem>>) target(%dma_start3A_144 : memref<128xf32, #tpu.memory_space<vmem_shared>>) target_semaphore(%run_scoped3A : memref<!tpu.dma_semaphore, #tpu.memory_space<semaphore_mem>>)
      %dma_wait3A = tpu.memref_slice %arg8[%add3A_98] : memref<12800xf32, #tpu.memory_space<vmem_shared>> -> memref<128xf32, #tpu.memory_space<vmem_shared>>
      %dma_wait3A_145 = tpu.memref_slice %arg8[%add3A_98] : memref<12800xf32, #tpu.memory_space<vmem_shared>> -> memref<128xf32, #tpu.memory_space<vmem_shared>>
      tpu.wait_dma2 semaphore(%run_scoped3A : memref<!tpu.dma_semaphore, #tpu.memory_space<semaphore_mem>>) src(%arg6 : memref<128xf32, #tpu.memory_space<vmem>>) dst(%dma_wait3A_145 : memref<128xf32, #tpu.memory_space<vmem_shared>>)
      tpu.yield
    }) : () -> ()
    %mul3A_99 = arith.constant 800 : i32
    %mul3A_100 = arith.muli %arg1, %mul3A_99 : i32
    %add3A_101 = arith.constant 128 : i32
    %add3A_102 = arith.addi %mul3A_100, %add3A_101 : i32
    "tpu.region"() ({
      %run_scoped3A = tpu.sem_alloc : memref<!tpu.dma_semaphore, #tpu.memory_space<semaphore_mem>>
      %dma_start3A = tpu.memref_slice %arg8[%add3A_102] : memref<12800xf32, #tpu.memory_space<vmem_shared>> -> memref<128xf32, #tpu.memory_space<vmem_shared>>
      %dma_start3A_144 = tpu.memref_slice %arg8[%add3A_102] : memref<12800xf32, #tpu.memory_space<vmem_shared>> -> memref<128xf32, #tpu.memory_space<vmem_shared>>
      tpu.enqueue_dma source(%arg6 : memref<128xf32, #tpu.memory_space<vmem>>) target(%dma_start3A_144 : memref<128xf32, #tpu.memory_space<vmem_shared>>) target_semaphore(%run_scoped3A : memref<!tpu.dma_semaphore, #tpu.memory_space<semaphore_mem>>)
      %dma_wait3A = tpu.memref_slice %arg8[%add3A_102] : memref<12800xf32, #tpu.memory_space<vmem_shared>> -> memref<128xf32, #tpu.memory_space<vmem_shared>>
      %dma_wait3A_145 = tpu.memref_slice %arg8[%add3A_102] : memref<12800xf32, #tpu.memory_space<vmem_shared>> -> memref<128xf32, #tpu.memory_space<vmem_shared>>
      tpu.wait_dma2 semaphore(%run_scoped3A : memref<!tpu.dma_semaphore, #tpu.memory_space<semaphore_mem>>) src(%arg6 : memref<128xf32, #tpu.memory_space<vmem>>) dst(%dma_wait3A_145 : memref<128xf32, #tpu.memory_space<vmem_shared>>)
      tpu.yield
    }) : () -> ()
    %mul3A_103 = arith.constant 800 : i32
    %mul3A_104 = arith.muli %arg1, %mul3A_103 : i32
    %add3A_105 = arith.constant 256 : i32
    %add3A_106 = arith.addi %mul3A_104, %add3A_105 : i32
    "tpu.region"() ({
      %run_scoped3A = tpu.sem_alloc : memref<!tpu.dma_semaphore, #tpu.memory_space<semaphore_mem>>
      %dma_start3A = tpu.memref_slice %arg8[%add3A_106] : memref<12800xf32, #tpu.memory_space<vmem_shared>> -> memref<128xf32, #tpu.memory_space<vmem_shared>>
      %dma_start3A_144 = tpu.memref_slice %arg8[%add3A_106] : memref<12800xf32, #tpu.memory_space<vmem_shared>> -> memref<128xf32, #tpu.memory_space<vmem_shared>>
      tpu.enqueue_dma source(%arg6 : memref<128xf32, #tpu.memory_space<vmem>>) target(%dma_start3A_144 : memref<128xf32, #tpu.memory_space<vmem_shared>>) target_semaphore(%run_scoped3A : memref<!tpu.dma_semaphore, #tpu.memory_space<semaphore_mem>>)
      %dma_wait3A = tpu.memref_slice %arg8[%add3A_106] : memref<12800xf32, #tpu.memory_space<vmem_shared>> -> memref<128xf32, #tpu.memory_space<vmem_shared>>
      %dma_wait3A_145 = tpu.memref_slice %arg8[%add3A_106] : memref<12800xf32, #tpu.memory_space<vmem_shared>> -> memref<128xf32, #tpu.memory_space<vmem_shared>>
      tpu.wait_dma2 semaphore(%run_scoped3A : memref<!tpu.dma_semaphore, #tpu.memory_space<semaphore_mem>>) src(%arg6 : memref<128xf32, #tpu.memory_space<vmem>>) dst(%dma_wait3A_145 : memref<128xf32, #tpu.memory_space<vmem_shared>>)
      tpu.yield
    }) : () -> ()
    %mul3A_107 = arith.constant 800 : i32
    %mul3A_108 = arith.muli %arg1, %mul3A_107 : i32
    %add3A_109 = arith.constant 384 : i32
    %add3A_110 = arith.addi %mul3A_108, %add3A_109 : i32
    "tpu.region"() ({
      %run_scoped3A = tpu.sem_alloc : memref<!tpu.dma_semaphore, #tpu.memory_space<semaphore_mem>>
      %dma_start3A = tpu.memref_slice %arg8[%add3A_110] : memref<12800xf32, #tpu.memory_space<vmem_shared>> -> memref<128xf32, #tpu.memory_space<vmem_shared>>
      %dma_start3A_144 = tpu.memref_slice %arg8[%add3A_110] : memref<12800xf32, #tpu.memory_space<vmem_shared>> -> memref<128xf32, #tpu.memory_space<vmem_shared>>
      tpu.enqueue_dma source(%arg6 : memref<128xf32, #tpu.memory_space<vmem>>) target(%dma_start3A_144 : memref<128xf32, #tpu.memory_space<vmem_shared>>) target_semaphore(%run_scoped3A : memref<!tpu.dma_semaphore, #tpu.memory_space<semaphore_mem>>)
      %dma_wait3A = tpu.memref_slice %arg8[%add3A_110] : memref<12800xf32, #tpu.memory_space<vmem_shared>> -> memref<128xf32, #tpu.memory_space<vmem_shared>>
      %dma_wait3A_145 = tpu.memref_slice %arg8[%add3A_110] : memref<12800xf32, #tpu.memory_space<vmem_shared>> -> memref<128xf32, #tpu.memory_space<vmem_shared>>
      tpu.wait_dma2 semaphore(%run_scoped3A : memref<!tpu.dma_semaphore, #tpu.memory_space<semaphore_mem>>) src(%arg6 : memref<128xf32, #tpu.memory_space<vmem>>) dst(%dma_wait3A_145 : memref<128xf32, #tpu.memory_space<vmem_shared>>)
      tpu.yield
    }) : () -> ()
    %mul3A_111 = arith.constant 800 : i32
    %mul3A_112 = arith.muli %arg1, %mul3A_111 : i32
    %add3A_113 = arith.constant 512 : i32
    %add3A_114 = arith.addi %mul3A_112, %add3A_113 : i32
    "tpu.region"() ({
      %run_scoped3A = tpu.sem_alloc : memref<!tpu.dma_semaphore, #tpu.memory_space<semaphore_mem>>
      %dma_start3A = tpu.memref_slice %arg8[%add3A_114] : memref<12800xf32, #tpu.memory_space<vmem_shared>> -> memref<128xf32, #tpu.memory_space<vmem_shared>>
      %dma_start3A_144 = tpu.memref_slice %arg8[%add3A_114] : memref<12800xf32, #tpu.memory_space<vmem_shared>> -> memref<128xf32, #tpu.memory_space<vmem_shared>>
      tpu.enqueue_dma source(%arg6 : memref<128xf32, #tpu.memory_space<vmem>>) target(%dma_start3A_144 : memref<128xf32, #tpu.memory_space<vmem_shared>>) target_semaphore(%run_scoped3A : memref<!tpu.dma_semaphore, #tpu.memory_space<semaphore_mem>>)
      %dma_wait3A = tpu.memref_slice %arg8[%add3A_114] : memref<12800xf32, #tpu.memory_space<vmem_shared>> -> memref<128xf32, #tpu.memory_space<vmem_shared>>
      %dma_wait3A_145 = tpu.memref_slice %arg8[%add3A_114] : memref<12800xf32, #tpu.memory_space<vmem_shared>> -> memref<128xf32, #tpu.memory_space<vmem_shared>>
      tpu.wait_dma2 semaphore(%run_scoped3A : memref<!tpu.dma_semaphore, #tpu.memory_space<semaphore_mem>>) src(%arg6 : memref<128xf32, #tpu.memory_space<vmem>>) dst(%dma_wait3A_145 : memref<128xf32, #tpu.memory_space<vmem_shared>>)
      tpu.yield
    }) : () -> ()
    %mul3A_115 = arith.constant 800 : i32
    %mul3A_116 = arith.muli %arg1, %mul3A_115 : i32
    %add3A_117 = arith.constant 640 : i32
    %add3A_118 = arith.addi %mul3A_116, %add3A_117 : i32
    "tpu.region"() ({
      %run_scoped3A = tpu.sem_alloc : memref<!tpu.dma_semaphore, #tpu.memory_space<semaphore_mem>>
      %dma_start3A = tpu.memref_slice %arg8[%add3A_118] : memref<12800xf32, #tpu.memory_space<vmem_shared>> -> memref<128xf32, #tpu.memory_space<vmem_shared>>
      %dma_start3A_144 = tpu.memref_slice %arg8[%add3A_118] : memref<12800xf32, #tpu.memory_space<vmem_shared>> -> memref<128xf32, #tpu.memory_space<vmem_shared>>
      tpu.enqueue_dma source(%arg6 : memref<128xf32, #tpu.memory_space<vmem>>) target(%dma_start3A_144 : memref<128xf32, #tpu.memory_space<vmem_shared>>) target_semaphore(%run_scoped3A : memref<!tpu.dma_semaphore, #tpu.memory_space<semaphore_mem>>)
      %dma_wait3A = tpu.memref_slice %arg8[%add3A_118] : memref<12800xf32, #tpu.memory_space<vmem_shared>> -> memref<128xf32, #tpu.memory_space<vmem_shared>>
      %dma_wait3A_145 = tpu.memref_slice %arg8[%add3A_118] : memref<12800xf32, #tpu.memory_space<vmem_shared>> -> memref<128xf32, #tpu.memory_space<vmem_shared>>
      tpu.wait_dma2 semaphore(%run_scoped3A : memref<!tpu.dma_semaphore, #tpu.memory_space<semaphore_mem>>) src(%arg6 : memref<128xf32, #tpu.memory_space<vmem>>) dst(%dma_wait3A_145 : memref<128xf32, #tpu.memory_space<vmem_shared>>)
      tpu.yield
    }) : () -> ()
    %mul3A_119 = arith.constant 800 : i32
    %mul3A_120 = arith.muli %arg1, %mul3A_119 : i32
    %add3A_121 = arith.constant 768 : i32
    %add3A_122 = arith.addi %mul3A_120, %add3A_121 : i32
    "tpu.region"() ({
      %run_scoped3A = tpu.sem_alloc : memref<!tpu.dma_semaphore, #tpu.memory_space<semaphore_mem>>
      %dma_start3A = arith.constant 0 : i32
      %dma_start3A_144 = tpu.memref_slice %arg6[%dma_start3A] : memref<128xf32, #tpu.memory_space<vmem>> -> memref<32xf32, #tpu.memory_space<vmem>>
      %dma_start3A_145 = tpu.memref_slice %arg8[%add3A_122] : memref<12800xf32, #tpu.memory_space<vmem_shared>> -> memref<32xf32, #tpu.memory_space<vmem_shared>>
      %dma_start3A_146 = tpu.memref_slice %arg8[%add3A_122] : memref<12800xf32, #tpu.memory_space<vmem_shared>> -> memref<32xf32, #tpu.memory_space<vmem_shared>>
      %dma_start3A_147 = arith.constant 0 : i32
      %dma_start3A_148 = tpu.memref_slice %arg6[%dma_start3A_147] : memref<128xf32, #tpu.memory_space<vmem>> -> memref<32xf32, #tpu.memory_space<vmem>>
      tpu.enqueue_dma source(%dma_start3A_148 : memref<32xf32, #tpu.memory_space<vmem>>) target(%dma_start3A_146 : memref<32xf32, #tpu.memory_space<vmem_shared>>) target_semaphore(%run_scoped3A : memref<!tpu.dma_semaphore, #tpu.memory_space<semaphore_mem>>)
      %dma_wait3A = arith.constant 0 : i32
      %dma_wait3A_149 = tpu.memref_slice %arg6[%dma_wait3A] : memref<128xf32, #tpu.memory_space<vmem>> -> memref<32xf32, #tpu.memory_space<vmem>>
      %dma_wait3A_150 = tpu.memref_slice %arg8[%add3A_122] : memref<12800xf32, #tpu.memory_space<vmem_shared>> -> memref<32xf32, #tpu.memory_space<vmem_shared>>
      %dma_wait3A_151 = tpu.memref_slice %arg8[%add3A_122] : memref<12800xf32, #tpu.memory_space<vmem_shared>> -> memref<32xf32, #tpu.memory_space<vmem_shared>>
      %dma_wait3A_152 = arith.constant 0 : i32
      %dma_wait3A_153 = tpu.memref_slice %arg6[%dma_wait3A_152] : memref<128xf32, #tpu.memory_space<vmem>> -> memref<32xf32, #tpu.memory_space<vmem>>
      tpu.wait_dma2 semaphore(%run_scoped3A : memref<!tpu.dma_semaphore, #tpu.memory_space<semaphore_mem>>) src(%dma_wait3A_153 : memref<32xf32, #tpu.memory_space<vmem>>) dst(%dma_wait3A_151 : memref<32xf32, #tpu.memory_space<vmem_shared>>)
      tpu.yield
    }) : () -> ()
    %mul3A_123 = arith.constant 80 : i32
    %mul3A_124 = arith.muli %add3A, %mul3A_123 : i32
    "tpu.region"() ({
      %run_scoped3A = tpu.sem_alloc : memref<!tpu.dma_semaphore, #tpu.memory_space<semaphore_mem>>
      %dma_start3A = arith.constant 0 : i32
      %dma_start3A_144 = tpu.memref_slice %arg2[%mul3A_124, %dma_start3A] : memref<2560x128xi32, #tpu.memory_space<hbm>> -> memref<80x128xi32, #tpu.memory_space<hbm>>
      %dma_start3A_145 = arith.constant 0 : i32
      %dma_start3A_146 = tpu.memref_slice %arg2[%mul3A_124, %dma_start3A_145] : memref<2560x128xi32, #tpu.memory_space<hbm>> -> memref<80x128xi32, #tpu.memory_space<hbm>>
      tpu.enqueue_dma source(%dma_start3A_146 : memref<80x128xi32, #tpu.memory_space<hbm>>) target(%arg4 : memref<80x128xi32, #tpu.memory_space<vmem>>) target_semaphore(%run_scoped3A : memref<!tpu.dma_semaphore, #tpu.memory_space<semaphore_mem>>)
      %dma_wait3A = arith.constant 0 : i32
      %dma_wait3A_147 = tpu.memref_slice %arg2[%mul3A_124, %dma_wait3A] : memref<2560x128xi32, #tpu.memory_space<hbm>> -> memref<80x128xi32, #tpu.memory_space<hbm>>
      %dma_wait3A_148 = arith.constant 0 : i32
      %dma_wait3A_149 = tpu.memref_slice %arg2[%mul3A_124, %dma_wait3A_148] : memref<2560x128xi32, #tpu.memory_space<hbm>> -> memref<80x128xi32, #tpu.memory_space<hbm>>
      tpu.wait_dma2 semaphore(%run_scoped3A : memref<!tpu.dma_semaphore, #tpu.memory_space<semaphore_mem>>) src(%dma_wait3A_149 : memref<80x128xi32, #tpu.memory_space<hbm>>) dst(%arg4 : memref<80x128xi32, #tpu.memory_space<vmem>>)
      tpu.yield
    }) : () -> ()
    %barrier3A = arith.constant 0 : index
    tpu.barrier barrier_id(%barrier3A)
    %scan3A = arith.constant 0 : i32
    %scan3A_125 = arith.constant 0 : i32
    %scan3A_126 = arith.constant 80 : i32
    %scan3A_127 = arith.addi %scan3A_125, %scan3A_126 : i32
    %scan3A_128 = arith.constant 1 : i32
    scf.for %scan3A_144 = %scan3A_125 to %scan3A_127 step %scan3A_128  : i32 {
      %dma_start3A = arith.constant 0 : i32
      %dma_start3A_145 = tpu.memref_slice %arg4[%scan3A_144, %dma_start3A] : memref<80x128xi32, #tpu.memory_space<vmem>> -> memref<1x128xi32, #tpu.memory_space<vmem>>
      %dma_start3A_146 = tpu.memref_squeeze %dma_start3A_145 : memref<1x128xi32, #tpu.memory_space<vmem>> -> memref<128xi32, #tpu.memory_space<vmem>>
      %dma_start3A_147 = arith.constant 0 : i32
      %dma_start3A_148 = tpu.memref_slice %arg8[%dma_start3A_147] : memref<12800xf32, #tpu.memory_space<vmem_shared>> -> memref<12800xf32, #tpu.memory_space<vmem_shared>>
      tpu.enqueue_indirect_dma source(%arg5 : memref<128xf32, #tpu.memory_space<vmem>>) target(%dma_start3A_148 : memref<12800xf32, #tpu.memory_space<vmem_shared>>) offsets(%dma_start3A_146 : memref<128xi32, #tpu.memory_space<vmem>>) semaphore(%arg9 : memref<!tpu.dma_semaphore, #tpu.memory_space<semaphore_mem>>) {add = true}
      %ge3A = arith.constant 8 : i32
      %ge3A_149 = arith.cmpi sge, %scan3A_144, %ge3A : i32
      %convert_element_type3A = arith.extui %ge3A_149 : i1 to i32
      %cond3A = arith.constant 0 : i32
      %cond3A_150 = arith.cmpi ne, %convert_element_type3A, %cond3A : i32
      scf.if %cond3A_150 {
        %sub3A = arith.constant 8 : i32
        %sub3A_151 = arith.subi %scan3A_144, %sub3A : i32
        %dma_wait3A = arith.constant 0 : i32
        %dma_wait3A_152 = tpu.memref_slice %arg4[%sub3A_151, %dma_wait3A] : memref<80x128xi32, #tpu.memory_space<vmem>> -> memref<1x128xi32, #tpu.memory_space<vmem>>
        %dma_wait3A_153 = tpu.memref_squeeze %dma_wait3A_152 : memref<1x128xi32, #tpu.memory_space<vmem>> -> memref<128xi32, #tpu.memory_space<vmem>>
        %dma_wait3A_154 = arith.constant 0 : i32
        %dma_wait3A_155 = tpu.memref_slice %arg8[%dma_wait3A_154] : memref<12800xf32, #tpu.memory_space<vmem_shared>> -> memref<12800xf32, #tpu.memory_space<vmem_shared>>
        tpu.wait_indirect_dma semaphore(%arg9 : memref<!tpu.dma_semaphore, #tpu.memory_space<semaphore_mem>>) src(%arg5 : memref<128xf32, #tpu.memory_space<vmem>>) dst(%dma_wait3A_155 : memref<12800xf32, #tpu.memory_space<vmem_shared>>)
      } else {
      }
    }
    %scan3A_129 = arith.constant 80 : i32
    %scan3A_130 = arith.constant 0 : i32
    %scan3A_131 = arith.constant 72 : i32
    %scan3A_132 = arith.constant 8 : i32
    %scan3A_133 = arith.addi %scan3A_131, %scan3A_132 : i32
    %scan3A_134 = arith.constant 1 : i32
    scf.for %scan3A_144 = %scan3A_131 to %scan3A_133 step %scan3A_134  : i32 {
      %dma_wait3A = arith.constant 0 : i32
      %dma_wait3A_145 = tpu.memref_slice %arg4[%scan3A_144, %dma_wait3A] : memref<80x128xi32, #tpu.memory_space<vmem>> -> memref<1x128xi32, #tpu.memory_space<vmem>>
      %dma_wait3A_146 = tpu.memref_squeeze %dma_wait3A_145 : memref<1x128xi32, #tpu.memory_space<vmem>> -> memref<128xi32, #tpu.memory_space<vmem>>
      %dma_wait3A_147 = arith.constant 0 : i32
      %dma_wait3A_148 = tpu.memref_slice %arg8[%dma_wait3A_147] : memref<12800xf32, #tpu.memory_space<vmem_shared>> -> memref<12800xf32, #tpu.memory_space<vmem_shared>>
      tpu.wait_indirect_dma semaphore(%arg9 : memref<!tpu.dma_semaphore, #tpu.memory_space<semaphore_mem>>) src(%arg5 : memref<128xf32, #tpu.memory_space<vmem>>) dst(%dma_wait3A_148 : memref<12800xf32, #tpu.memory_space<vmem_shared>>)
    }
    %scan3A_135 = arith.constant 8 : i32
    %barrier3A_136 = arith.constant 0 : index
    tpu.barrier barrier_id(%barrier3A_136)
    %mul3A_137 = arith.constant 800 : i32
    %mul3A_138 = arith.muli %arg1, %mul3A_137 : i32
    "tpu.region"() ({
      %run_scoped3A = tpu.sem_alloc : memref<!tpu.dma_semaphore, #tpu.memory_space<semaphore_mem>>
      %dma_start3A = tpu.memref_slice %arg8[%mul3A_138] : memref<12800xf32, #tpu.memory_space<vmem_shared>> -> memref<800xf32, #tpu.memory_space<vmem_shared>>
      %dma_start3A_144 = tpu.memref_slice %arg8[%mul3A_138] : memref<12800xf32, #tpu.memory_space<vmem_shared>> -> memref<800xf32, #tpu.memory_space<vmem_shared>>
      tpu.enqueue_dma source(%dma_start3A_144 : memref<800xf32, #tpu.memory_space<vmem_shared>>) target(%arg7 : memref<800xf32, #tpu.memory_space<vmem>>) target_semaphore(%run_scoped3A : memref<!tpu.dma_semaphore, #tpu.memory_space<semaphore_mem>>)
      %dma_wait3A = tpu.memref_slice %arg8[%mul3A_138] : memref<12800xf32, #tpu.memory_space<vmem_shared>> -> memref<800xf32, #tpu.memory_space<vmem_shared>>
      %dma_wait3A_145 = tpu.memref_slice %arg8[%mul3A_138] : memref<12800xf32, #tpu.memory_space<vmem_shared>> -> memref<800xf32, #tpu.memory_space<vmem_shared>>
      tpu.wait_dma2 semaphore(%run_scoped3A : memref<!tpu.dma_semaphore, #tpu.memory_space<semaphore_mem>>) src(%dma_wait3A_145 : memref<800xf32, #tpu.memory_space<vmem_shared>>) dst(%arg7 : memref<800xf32, #tpu.memory_space<vmem>>)
      tpu.yield
    }) : () -> ()
    %mul3A_139 = arith.constant 12800 : i32
    %mul3A_140 = arith.muli %arg0, %mul3A_139 : i32
    %mul3A_141 = arith.constant 800 : i32
    %mul3A_142 = arith.muli %arg1, %mul3A_141 : i32
    %add3A_143 = arith.addi %mul3A_140, %mul3A_142 : i32
    "tpu.region"() ({
      %run_scoped3A = tpu.sem_alloc : memref<!tpu.dma_semaphore, #tpu.memory_space<semaphore_mem>>
      %dma_start3A = tpu.memref_slice %arg3[%add3A_143] : memref<25600xf32, #tpu.memory_space<hbm>> -> memref<800xf32, #tpu.memory_space<hbm>>
      %dma_start3A_144 = tpu.memref_slice %arg3[%add3A_143] : memref<25600xf32, #tpu.memory_space<hbm>> -> memref<800xf32, #tpu.memory_space<hbm>>
      tpu.enqueue_dma source(%arg7 : memref<800xf32, #tpu.memory_space<vmem>>) target(%dma_start3A_144 : memref<800xf32, #tpu.memory_space<hbm>>) target_semaphore(%run_scoped3A : memref<!tpu.dma_semaphore, #tpu.memory_space<semaphore_mem>>)
      %dma_wait3A = tpu.memref_slice %arg3[%add3A_143] : memref<25600xf32, #tpu.memory_space<hbm>> -> memref<800xf32, #tpu.memory_space<hbm>>
      %dma_wait3A_145 = tpu.memref_slice %arg3[%add3A_143] : memref<25600xf32, #tpu.memory_space<hbm>> -> memref<800xf32, #tpu.memory_space<hbm>>
      tpu.wait_dma2 semaphore(%run_scoped3A : memref<!tpu.dma_semaphore, #tpu.memory_space<semaphore_mem>>) src(%arg7 : memref<800xf32, #tpu.memory_space<vmem>>) dst(%dma_wait3A_145 : memref<800xf32, #tpu.memory_space<hbm>>)
      tpu.yield
    }) : () -> ()
    return
  }
}

#map = affine_map<(d0, d1) -> (0, 0)>
#map1 = affine_map<(d0, d1) -> (0, 0, 0)>
module attributes {stable_mosaic.version = 14 : i64} {
  func.func @_sc_layer_body(%arg0: i32, %arg1: i32, %arg2: memref<10000x128xf32, #tpu.memory_space<hbm>>, %arg3: memref<2560x128xi32, #tpu.memory_space<hbm>>, %arg4: memref<2560x128xi32, #tpu.memory_space<hbm>>, %arg5: memref<10112x128xf32, #tpu.memory_space<hbm>>, %arg6: memref<2x10112x128xf32, #tpu.memory_space<hbm>>, %arg7: memref<80x128xi32, #tpu.memory_space<vmem>>, %arg8: memref<2x2x128xi32, #tpu.memory_space<vmem>>, %arg9: memref<2x128x128xf32, #tpu.memory_space<vmem>>, %arg10: memref<10112x128xf32, #tpu.memory_space<vmem_shared>>, %arg11: memref<!tpu.dma_semaphore, #tpu.memory_space<semaphore_mem>>, %arg12: memref<!tpu.dma_semaphore, #tpu.memory_space<semaphore_mem>>, %arg13: memref<!tpu.dma_semaphore, #tpu.memory_space<semaphore_mem>>, %arg14: memref<!tpu.dma_semaphore, #tpu.memory_space<semaphore_mem>>, %arg15: memref<!tpu.dma_semaphore, #tpu.memory_space<semaphore_mem>>) attributes {dimension_semantics = [#tpu.dimension_semantics<core_parallel>, #tpu.dimension_semantics<subcore_parallel>], iteration_bounds = array<i64: 2, 16>, scalar_prefetch = 0 : i64, scratch_operands = 9 : i64, tpu.core_type = #tpu.core_type<sc_vector_subcore>, window_params = [{transform_indices = #map}, {transform_indices = #map}, {transform_indices = #map}, {transform_indices = #map}, {transform_indices = #map1}]} {
    %mul3A = arith.constant 16 : i32
    %mul3A_0 = arith.muli %arg0, %mul3A : i32
    %add3A = arith.addi %mul3A_0, %arg1 : i32
    %mul3A_1 = arith.constant 632 : i32
    %mul3A_2 = arith.muli %arg1, %mul3A_1 : i32
    %mul3A_3 = arith.constant 632 : i32
    %mul3A_4 = arith.muli %arg1, %mul3A_3 : i32
    %dma_start3A = arith.constant 0 : i32
    %dma_start3A_5 = tpu.memref_slice %arg10[%mul3A_4, %dma_start3A] : memref<10112x128xf32, #tpu.memory_space<vmem_shared>> -> memref<632x128xf32, #tpu.memory_space<vmem_shared>>
    %dma_start3A_6 = arith.constant 0 : i32
    %dma_start3A_7 = tpu.memref_slice %arg5[%mul3A_2, %dma_start3A_6] : memref<10112x128xf32, #tpu.memory_space<hbm>> -> memref<632x128xf32, #tpu.memory_space<hbm>>
    tpu.enqueue_dma source(%dma_start3A_7 : memref<632x128xf32, #tpu.memory_space<hbm>>) target(%dma_start3A_5 : memref<632x128xf32, #tpu.memory_space<vmem_shared>>) target_semaphore(%arg15 : memref<!tpu.dma_semaphore, #tpu.memory_space<semaphore_mem>>)
    %mul3A_8 = arith.constant 80 : i32
    %mul3A_9 = arith.muli %add3A, %mul3A_8 : i32
    "tpu.region"() ({
      %run_scoped3A = tpu.sem_alloc : memref<!tpu.dma_semaphore, #tpu.memory_space<semaphore_mem>>
      %dma_start3A_81 = arith.constant 0 : i32
      %dma_start3A_82 = tpu.memref_slice %arg4[%mul3A_9, %dma_start3A_81] : memref<2560x128xi32, #tpu.memory_space<hbm>> -> memref<80x128xi32, #tpu.memory_space<hbm>>
      %dma_start3A_83 = arith.constant 0 : i32
      %dma_start3A_84 = tpu.memref_slice %arg4[%mul3A_9, %dma_start3A_83] : memref<2560x128xi32, #tpu.memory_space<hbm>> -> memref<80x128xi32, #tpu.memory_space<hbm>>
      tpu.enqueue_dma source(%dma_start3A_84 : memref<80x128xi32, #tpu.memory_space<hbm>>) target(%arg7 : memref<80x128xi32, #tpu.memory_space<vmem>>) target_semaphore(%run_scoped3A : memref<!tpu.dma_semaphore, #tpu.memory_space<semaphore_mem>>)
      %dma_wait3A_85 = arith.constant 0 : i32
      %dma_wait3A_86 = tpu.memref_slice %arg4[%mul3A_9, %dma_wait3A_85] : memref<2560x128xi32, #tpu.memory_space<hbm>> -> memref<80x128xi32, #tpu.memory_space<hbm>>
      %dma_wait3A_87 = arith.constant 0 : i32
      %dma_wait3A_88 = tpu.memref_slice %arg4[%mul3A_9, %dma_wait3A_87] : memref<2560x128xi32, #tpu.memory_space<hbm>> -> memref<80x128xi32, #tpu.memory_space<hbm>>
      tpu.wait_dma2 semaphore(%run_scoped3A : memref<!tpu.dma_semaphore, #tpu.memory_space<semaphore_mem>>) src(%dma_wait3A_88 : memref<80x128xi32, #tpu.memory_space<hbm>>) dst(%arg7 : memref<80x128xi32, #tpu.memory_space<vmem>>)
      tpu.yield
    }) : () -> ()
    %mul3A_10 = arith.constant 80 : i32
    %mul3A_11 = arith.muli %add3A, %mul3A_10 : i32
    %add3A_12 = arith.constant 0 : i32
    %add3A_13 = arith.addi %mul3A_11, %add3A_12 : i32
    %dma_start3A_14 = arith.constant 0 : i32
    %dma_start3A_15 = arith.constant 0 : i32
    %dma_start3A_16 = arith.constant 0 : i32
    %dma_start3A_17 = tpu.memref_slice %arg8[%dma_start3A_14, %dma_start3A_15, %dma_start3A_16] : memref<2x2x128xi32, #tpu.memory_space<vmem>> -> memref<1x2x128xi32, #tpu.memory_space<vmem>>
    %dma_start3A_18 = tpu.memref_squeeze %dma_start3A_17 : memref<1x2x128xi32, #tpu.memory_space<vmem>> -> memref<2x128xi32, #tpu.memory_space<vmem>>
    %dma_start3A_19 = arith.constant 0 : i32
    %dma_start3A_20 = tpu.memref_slice %arg3[%add3A_13, %dma_start3A_19] : memref<2560x128xi32, #tpu.memory_space<hbm>> -> memref<2x128xi32, #tpu.memory_space<hbm>>
    %dma_start3A_21 = arith.constant 0 : i32
    %dma_start3A_22 = arith.constant 0 : i32
    %dma_start3A_23 = tpu.memref_slice %arg8[%dma_start3A_14, %dma_start3A_21, %dma_start3A_22] : memref<2x2x128xi32, #tpu.memory_space<vmem>> -> memref<1x2x128xi32, #tpu.memory_space<vmem>>
    %dma_start3A_24 = tpu.memref_squeeze %dma_start3A_23 : memref<1x2x128xi32, #tpu.memory_space<vmem>> -> memref<2x128xi32, #tpu.memory_space<vmem>>
    %dma_start3A_25 = arith.constant 0 : i32
    %dma_start3A_26 = tpu.memref_slice %arg3[%add3A_13, %dma_start3A_25] : memref<2560x128xi32, #tpu.memory_space<hbm>> -> memref<2x128xi32, #tpu.memory_space<hbm>>
    tpu.enqueue_dma source(%dma_start3A_26 : memref<2x128xi32, #tpu.memory_space<hbm>>) target(%dma_start3A_24 : memref<2x128xi32, #tpu.memory_space<vmem>>) target_semaphore(%arg13 : memref<!tpu.dma_semaphore, #tpu.memory_space<semaphore_mem>>)
    %mul3A_27 = arith.constant 80 : i32
    %mul3A_28 = arith.muli %add3A, %mul3A_27 : i32
    %add3A_29 = arith.constant 2 : i32
    %add3A_30 = arith.addi %mul3A_28, %add3A_29 : i32
    %dma_start3A_31 = arith.constant 1 : i32
    %dma_start3A_32 = arith.constant 0 : i32
    %dma_start3A_33 = arith.constant 0 : i32
    %dma_start3A_34 = tpu.memref_slice %arg8[%dma_start3A_31, %dma_start3A_32, %dma_start3A_33] : memref<2x2x128xi32, #tpu.memory_space<vmem>> -> memref<1x2x128xi32, #tpu.memory_space<vmem>>
    %dma_start3A_35 = tpu.memref_squeeze %dma_start3A_34 : memref<1x2x128xi32, #tpu.memory_space<vmem>> -> memref<2x128xi32, #tpu.memory_space<vmem>>
    %dma_start3A_36 = arith.constant 0 : i32
    %dma_start3A_37 = tpu.memref_slice %arg3[%add3A_30, %dma_start3A_36] : memref<2560x128xi32, #tpu.memory_space<hbm>> -> memref<2x128xi32, #tpu.memory_space<hbm>>
    %dma_start3A_38 = arith.constant 0 : i32
    %dma_start3A_39 = arith.constant 0 : i32
    %dma_start3A_40 = tpu.memref_slice %arg8[%dma_start3A_31, %dma_start3A_38, %dma_start3A_39] : memref<2x2x128xi32, #tpu.memory_space<vmem>> -> memref<1x2x128xi32, #tpu.memory_space<vmem>>
    %dma_start3A_41 = tpu.memref_squeeze %dma_start3A_40 : memref<1x2x128xi32, #tpu.memory_space<vmem>> -> memref<2x128xi32, #tpu.memory_space<vmem>>
    %dma_start3A_42 = arith.constant 0 : i32
    %dma_start3A_43 = tpu.memref_slice %arg3[%add3A_30, %dma_start3A_42] : memref<2560x128xi32, #tpu.memory_space<hbm>> -> memref<2x128xi32, #tpu.memory_space<hbm>>
    tpu.enqueue_dma source(%dma_start3A_43 : memref<2x128xi32, #tpu.memory_space<hbm>>) target(%dma_start3A_41 : memref<2x128xi32, #tpu.memory_space<vmem>>) target_semaphore(%arg14 : memref<!tpu.dma_semaphore, #tpu.memory_space<semaphore_mem>>)
    %dma_start3A_44 = arith.constant 0 : i32
    %dma_start3A_45 = arith.constant 0 : i32
    %dma_start3A_46 = arith.constant 0 : i32
    %dma_start3A_47 = arith.constant 0 : i32
    %dma_start3A_48 = tpu.memref_slice %arg9[%dma_start3A_45, %dma_start3A_46, %dma_start3A_47] : memref<2x128x128xf32, #tpu.memory_space<vmem>> -> memref<1x128x128xf32, #tpu.memory_space<vmem>>
    %dma_start3A_49 = tpu.memref_squeeze %dma_start3A_48 : memref<1x128x128xf32, #tpu.memory_space<vmem>> -> memref<128x128xf32, #tpu.memory_space<vmem>>
    %dma_start3A_50 = arith.constant 0 : i32
    %dma_start3A_51 = tpu.memref_slice %arg7[%dma_start3A_44, %dma_start3A_50] : memref<80x128xi32, #tpu.memory_space<vmem>> -> memref<1x128xi32, #tpu.memory_space<vmem>>
    %dma_start3A_52 = tpu.memref_squeeze %dma_start3A_51 : memref<1x128xi32, #tpu.memory_space<vmem>> -> memref<128xi32, #tpu.memory_space<vmem>>
    %dma_start3A_53 = arith.constant 0 : i32
    %dma_start3A_54 = arith.constant 0 : i32
    %dma_start3A_55 = tpu.memref_slice %arg2[%dma_start3A_53, %dma_start3A_54] : memref<10000x128xf32, #tpu.memory_space<hbm>> -> memref<10000x128xf32, #tpu.memory_space<hbm>>
    tpu.enqueue_indirect_dma source(%dma_start3A_55 : memref<10000x128xf32, #tpu.memory_space<hbm>>) target(%dma_start3A_49 : memref<128x128xf32, #tpu.memory_space<vmem>>) offsets(%dma_start3A_52 : memref<128xi32, #tpu.memory_space<vmem>>) semaphore(%arg11 : memref<!tpu.dma_semaphore, #tpu.memory_space<semaphore_mem>>)
    %dma_start3A_56 = arith.constant 1 : i32
    %dma_start3A_57 = arith.constant 1 : i32
    %dma_start3A_58 = arith.constant 0 : i32
    %dma_start3A_59 = arith.constant 0 : i32
    %dma_start3A_60 = tpu.memref_slice %arg9[%dma_start3A_57, %dma_start3A_58, %dma_start3A_59] : memref<2x128x128xf32, #tpu.memory_space<vmem>> -> memref<1x128x128xf32, #tpu.memory_space<vmem>>
    %dma_start3A_61 = tpu.memref_squeeze %dma_start3A_60 : memref<1x128x128xf32, #tpu.memory_space<vmem>> -> memref<128x128xf32, #tpu.memory_space<vmem>>
    %dma_start3A_62 = arith.constant 0 : i32
    %dma_start3A_63 = tpu.memref_slice %arg7[%dma_start3A_56, %dma_start3A_62] : memref<80x128xi32, #tpu.memory_space<vmem>> -> memref<1x128xi32, #tpu.memory_space<vmem>>
    %dma_start3A_64 = tpu.memref_squeeze %dma_start3A_63 : memref<1x128xi32, #tpu.memory_space<vmem>> -> memref<128xi32, #tpu.memory_space<vmem>>
    %dma_start3A_65 = arith.constant 0 : i32
    %dma_start3A_66 = arith.constant 0 : i32
    %dma_start3A_67 = tpu.memref_slice %arg2[%dma_start3A_65, %dma_start3A_66] : memref<10000x128xf32, #tpu.memory_space<hbm>> -> memref<10000x128xf32, #tpu.memory_space<hbm>>
    tpu.enqueue_indirect_dma source(%dma_start3A_67 : memref<10000x128xf32, #tpu.memory_space<hbm>>) target(%dma_start3A_61 : memref<128x128xf32, #tpu.memory_space<vmem>>) offsets(%dma_start3A_64 : memref<128xi32, #tpu.memory_space<vmem>>) semaphore(%arg12 : memref<!tpu.dma_semaphore, #tpu.memory_space<semaphore_mem>>)
    %dma_wait3A = arith.constant 0 : i32
    %dma_wait3A_68 = tpu.memref_slice %arg10[%mul3A_4, %dma_wait3A] : memref<10112x128xf32, #tpu.memory_space<vmem_shared>> -> memref<632x128xf32, #tpu.memory_space<vmem_shared>>
    %dma_wait3A_69 = arith.constant 0 : i32
    %dma_wait3A_70 = tpu.memref_slice %arg5[%mul3A_2, %dma_wait3A_69] : memref<10112x128xf32, #tpu.memory_space<hbm>> -> memref<632x128xf32, #tpu.memory_space<hbm>>
    tpu.wait_dma2 semaphore(%arg15 : memref<!tpu.dma_semaphore, #tpu.memory_space<semaphore_mem>>) src(%dma_wait3A_70 : memref<632x128xf32, #tpu.memory_space<hbm>>) dst(%dma_wait3A_68 : memref<632x128xf32, #tpu.memory_space<vmem_shared>>)
    %barrier3A = arith.constant 0 : index
    tpu.barrier barrier_id(%barrier3A)
    %scan3A = arith.constant 0 : i32
    %scan3A_71 = arith.constant 0 : i32
    %scan3A_72 = arith.constant 20 : i32
    %scan3A_73 = arith.addi %scan3A_71, %scan3A_72 : i32
    %scan3A_74 = arith.constant 1 : i32
    scf.for %scan3A_81 = %scan3A_71 to %scan3A_73 step %scan3A_74  : i32 {
      %mul3A_82 = arith.constant 2 : i32
      %mul3A_83 = arith.muli %mul3A_82, %scan3A_81 : i32
      %mul3A_84 = arith.constant 2 : i32
      %mul3A_85 = arith.muli %mul3A_83, %mul3A_84 : i32
      %mul3A_86 = arith.constant 80 : i32
      %mul3A_87 = arith.muli %add3A, %mul3A_86 : i32
      %mul3A_88 = arith.constant 2 : i32
      %mul3A_89 = arith.muli %mul3A_83, %mul3A_88 : i32
      %add3A_90 = arith.addi %mul3A_87, %mul3A_89 : i32
      %dma_wait3A_91 = arith.constant 0 : i32
      %dma_wait3A_92 = arith.constant 0 : i32
      %dma_wait3A_93 = arith.constant 0 : i32
      %dma_wait3A_94 = tpu.memref_slice %arg8[%dma_wait3A_91, %dma_wait3A_92, %dma_wait3A_93] : memref<2x2x128xi32, #tpu.memory_space<vmem>> -> memref<1x2x128xi32, #tpu.memory_space<vmem>>
      %dma_wait3A_95 = tpu.memref_squeeze %dma_wait3A_94 : memref<1x2x128xi32, #tpu.memory_space<vmem>> -> memref<2x128xi32, #tpu.memory_space<vmem>>
      %dma_wait3A_96 = arith.constant 0 : i32
      %dma_wait3A_97 = tpu.memref_slice %arg3[%add3A_90, %dma_wait3A_96] : memref<2560x128xi32, #tpu.memory_space<hbm>> -> memref<2x128xi32, #tpu.memory_space<hbm>>
      %dma_wait3A_98 = arith.constant 0 : i32
      %dma_wait3A_99 = arith.constant 0 : i32
      %dma_wait3A_100 = tpu.memref_slice %arg8[%dma_wait3A_91, %dma_wait3A_98, %dma_wait3A_99] : memref<2x2x128xi32, #tpu.memory_space<vmem>> -> memref<1x2x128xi32, #tpu.memory_space<vmem>>
      %dma_wait3A_101 = tpu.memref_squeeze %dma_wait3A_100 : memref<1x2x128xi32, #tpu.memory_space<vmem>> -> memref<2x128xi32, #tpu.memory_space<vmem>>
      %dma_wait3A_102 = arith.constant 0 : i32
      %dma_wait3A_103 = tpu.memref_slice %arg3[%add3A_90, %dma_wait3A_102] : memref<2560x128xi32, #tpu.memory_space<hbm>> -> memref<2x128xi32, #tpu.memory_space<hbm>>
      tpu.wait_dma2 semaphore(%arg13 : memref<!tpu.dma_semaphore, #tpu.memory_space<semaphore_mem>>) src(%dma_wait3A_103 : memref<2x128xi32, #tpu.memory_space<hbm>>) dst(%dma_wait3A_101 : memref<2x128xi32, #tpu.memory_space<vmem>>)
      %add3A_104 = arith.constant 0 : i32
      %add3A_105 = arith.addi %mul3A_85, %add3A_104 : i32
      %dma_wait3A_106 = arith.constant 0 : i32
      %dma_wait3A_107 = arith.constant 0 : i32
      %dma_wait3A_108 = arith.constant 0 : i32
      %dma_wait3A_109 = arith.constant 0 : i32
      %dma_wait3A_110 = tpu.memref_slice %arg9[%dma_wait3A_107, %dma_wait3A_108, %dma_wait3A_109] : memref<2x128x128xf32, #tpu.memory_space<vmem>> -> memref<1x128x128xf32, #tpu.memory_space<vmem>>
      %dma_wait3A_111 = tpu.memref_squeeze %dma_wait3A_110 : memref<1x128x128xf32, #tpu.memory_space<vmem>> -> memref<128x128xf32, #tpu.memory_space<vmem>>
      %dma_wait3A_112 = arith.constant 0 : i32
      %dma_wait3A_113 = tpu.memref_slice %arg7[%dma_wait3A_106, %dma_wait3A_112] : memref<80x128xi32, #tpu.memory_space<vmem>> -> memref<1x128xi32, #tpu.memory_space<vmem>>
      %dma_wait3A_114 = tpu.memref_squeeze %dma_wait3A_113 : memref<1x128xi32, #tpu.memory_space<vmem>> -> memref<128xi32, #tpu.memory_space<vmem>>
      %dma_wait3A_115 = arith.constant 0 : i32
      %dma_wait3A_116 = arith.constant 0 : i32
      %dma_wait3A_117 = tpu.memref_slice %arg2[%dma_wait3A_115, %dma_wait3A_116] : memref<10000x128xf32, #tpu.memory_space<hbm>> -> memref<10000x128xf32, #tpu.memory_space<hbm>>
      tpu.wait_indirect_dma semaphore(%arg11 : memref<!tpu.dma_semaphore, #tpu.memory_space<semaphore_mem>>) src(%dma_wait3A_117 : memref<10000x128xf32, #tpu.memory_space<hbm>>) dst(%dma_wait3A_111 : memref<128x128xf32, #tpu.memory_space<vmem>>)
      %run_scoped3A = arith.constant 0 : i32
      %run_scoped3A_118 = arith.constant 0 : i32
      %run_scoped3A_119 = arith.constant 0 : i32
      "tpu.region"() ({
        %run_scoped3A_222 = tpu.sem_alloc : memref<!tpu.dma_semaphore, #tpu.memory_space<semaphore_mem>>
        %dma_start3A_223 = arith.constant 0 : i32
        %dma_start3A_224 = arith.constant 0 : i32
        %dma_start3A_225 = tpu.memref_slice %arg9[%run_scoped3A, %dma_start3A_223, %dma_start3A_224] : memref<2x128x128xf32, #tpu.memory_space<vmem>> -> memref<1x128x128xf32, #tpu.memory_space<vmem>>
        %dma_start3A_226 = tpu.memref_squeeze %dma_start3A_225 : memref<1x128x128xf32, #tpu.memory_space<vmem>> -> memref<128x128xf32, #tpu.memory_space<vmem>>
        %dma_start3A_227 = arith.constant 0 : i32
        %dma_start3A_228 = tpu.memref_slice %arg8[%run_scoped3A_118, %run_scoped3A_119, %dma_start3A_227] : memref<2x2x128xi32, #tpu.memory_space<vmem>> -> memref<1x1x128xi32, #tpu.memory_space<vmem>>
        %dma_start3A_229 = tpu.memref_squeeze %dma_start3A_228 : memref<1x1x128xi32, #tpu.memory_space<vmem>> -> memref<128xi32, #tpu.memory_space<vmem>>
        %dma_start3A_230 = arith.constant 0 : i32
        %dma_start3A_231 = arith.constant 0 : i32
        %dma_start3A_232 = tpu.memref_slice %arg10[%dma_start3A_230, %dma_start3A_231] : memref<10112x128xf32, #tpu.memory_space<vmem_shared>> -> memref<10112x128xf32, #tpu.memory_space<vmem_shared>>
        tpu.enqueue_indirect_dma source(%dma_start3A_226 : memref<128x128xf32, #tpu.memory_space<vmem>>) target(%dma_start3A_232 : memref<10112x128xf32, #tpu.memory_space<vmem_shared>>) offsets(%dma_start3A_229 : memref<128xi32, #tpu.memory_space<vmem>>) semaphore(%run_scoped3A_222 : memref<!tpu.dma_semaphore, #tpu.memory_space<semaphore_mem>>) {add = true}
        %dma_wait3A_233 = arith.constant 0 : i32
        %dma_wait3A_234 = arith.constant 0 : i32
        %dma_wait3A_235 = tpu.memref_slice %arg9[%run_scoped3A, %dma_wait3A_233, %dma_wait3A_234] : memref<2x128x128xf32, #tpu.memory_space<vmem>> -> memref<1x128x128xf32, #tpu.memory_space<vmem>>
        %dma_wait3A_236 = tpu.memref_squeeze %dma_wait3A_235 : memref<1x128x128xf32, #tpu.memory_space<vmem>> -> memref<128x128xf32, #tpu.memory_space<vmem>>
        %dma_wait3A_237 = arith.constant 0 : i32
        %dma_wait3A_238 = tpu.memref_slice %arg8[%run_scoped3A_118, %run_scoped3A_119, %dma_wait3A_237] : memref<2x2x128xi32, #tpu.memory_space<vmem>> -> memref<1x1x128xi32, #tpu.memory_space<vmem>>
        %dma_wait3A_239 = tpu.memref_squeeze %dma_wait3A_238 : memref<1x1x128xi32, #tpu.memory_space<vmem>> -> memref<128xi32, #tpu.memory_space<vmem>>
        %dma_wait3A_240 = arith.constant 0 : i32
        %dma_wait3A_241 = arith.constant 0 : i32
        %dma_wait3A_242 = tpu.memref_slice %arg10[%dma_wait3A_240, %dma_wait3A_241] : memref<10112x128xf32, #tpu.memory_space<vmem_shared>> -> memref<10112x128xf32, #tpu.memory_space<vmem_shared>>
        tpu.wait_indirect_dma semaphore(%run_scoped3A_222 : memref<!tpu.dma_semaphore, #tpu.memory_space<semaphore_mem>>) src(%dma_wait3A_236 : memref<128x128xf32, #tpu.memory_space<vmem>>) dst(%dma_wait3A_242 : memref<10112x128xf32, #tpu.memory_space<vmem_shared>>)
        tpu.yield
      }) : () -> ()
      %lt3A = arith.constant 39 : i32
      %lt3A_120 = arith.cmpi slt, %mul3A_83, %lt3A : i32
      %convert_element_type3A = arith.extui %lt3A_120 : i1 to i32
      %cond3A = arith.constant 0 : i32
      %cond3A_121 = arith.cmpi ne, %convert_element_type3A, %cond3A : i32
      scf.if %cond3A_121 {
        %add3A_222 = arith.constant 2 : i32
        %add3A_223 = arith.addi %add3A_105, %add3A_222 : i32
        %dma_start3A_224 = arith.constant 0 : i32
        %dma_start3A_225 = arith.constant 0 : i32
        %dma_start3A_226 = arith.constant 0 : i32
        %dma_start3A_227 = tpu.memref_slice %arg9[%dma_start3A_224, %dma_start3A_225, %dma_start3A_226] : memref<2x128x128xf32, #tpu.memory_space<vmem>> -> memref<1x128x128xf32, #tpu.memory_space<vmem>>
        %dma_start3A_228 = tpu.memref_squeeze %dma_start3A_227 : memref<1x128x128xf32, #tpu.memory_space<vmem>> -> memref<128x128xf32, #tpu.memory_space<vmem>>
        %dma_start3A_229 = arith.constant 0 : i32
        %dma_start3A_230 = tpu.memref_slice %arg7[%add3A_223, %dma_start3A_229] : memref<80x128xi32, #tpu.memory_space<vmem>> -> memref<1x128xi32, #tpu.memory_space<vmem>>
        %dma_start3A_231 = tpu.memref_squeeze %dma_start3A_230 : memref<1x128xi32, #tpu.memory_space<vmem>> -> memref<128xi32, #tpu.memory_space<vmem>>
        %dma_start3A_232 = arith.constant 0 : i32
        %dma_start3A_233 = arith.constant 0 : i32
        %dma_start3A_234 = tpu.memref_slice %arg2[%dma_start3A_232, %dma_start3A_233] : memref<10000x128xf32, #tpu.memory_space<hbm>> -> memref<10000x128xf32, #tpu.memory_space<hbm>>
        tpu.enqueue_indirect_dma source(%dma_start3A_234 : memref<10000x128xf32, #tpu.memory_space<hbm>>) target(%dma_start3A_228 : memref<128x128xf32, #tpu.memory_space<vmem>>) offsets(%dma_start3A_231 : memref<128xi32, #tpu.memory_space<vmem>>) semaphore(%arg11 : memref<!tpu.dma_semaphore, #tpu.memory_space<semaphore_mem>>)
      } else {
      }
      %add3A_122 = arith.constant 1 : i32
      %add3A_123 = arith.addi %mul3A_85, %add3A_122 : i32
      %dma_wait3A_124 = arith.constant 1 : i32
      %dma_wait3A_125 = arith.constant 1 : i32
      %dma_wait3A_126 = arith.constant 0 : i32
      %dma_wait3A_127 = arith.constant 0 : i32
      %dma_wait3A_128 = tpu.memref_slice %arg9[%dma_wait3A_125, %dma_wait3A_126, %dma_wait3A_127] : memref<2x128x128xf32, #tpu.memory_space<vmem>> -> memref<1x128x128xf32, #tpu.memory_space<vmem>>
      %dma_wait3A_129 = tpu.memref_squeeze %dma_wait3A_128 : memref<1x128x128xf32, #tpu.memory_space<vmem>> -> memref<128x128xf32, #tpu.memory_space<vmem>>
      %dma_wait3A_130 = arith.constant 0 : i32
      %dma_wait3A_131 = tpu.memref_slice %arg7[%dma_wait3A_124, %dma_wait3A_130] : memref<80x128xi32, #tpu.memory_space<vmem>> -> memref<1x128xi32, #tpu.memory_space<vmem>>
      %dma_wait3A_132 = tpu.memref_squeeze %dma_wait3A_131 : memref<1x128xi32, #tpu.memory_space<vmem>> -> memref<128xi32, #tpu.memory_space<vmem>>
      %dma_wait3A_133 = arith.constant 0 : i32
      %dma_wait3A_134 = arith.constant 0 : i32
      %dma_wait3A_135 = tpu.memref_slice %arg2[%dma_wait3A_133, %dma_wait3A_134] : memref<10000x128xf32, #tpu.memory_space<hbm>> -> memref<10000x128xf32, #tpu.memory_space<hbm>>
      tpu.wait_indirect_dma semaphore(%arg12 : memref<!tpu.dma_semaphore, #tpu.memory_space<semaphore_mem>>) src(%dma_wait3A_135 : memref<10000x128xf32, #tpu.memory_space<hbm>>) dst(%dma_wait3A_129 : memref<128x128xf32, #tpu.memory_space<vmem>>)
      %run_scoped3A_136 = arith.constant 1 : i32
      %run_scoped3A_137 = arith.constant 0 : i32
      %run_scoped3A_138 = arith.constant 1 : i32
      "tpu.region"() ({
        %run_scoped3A_222 = tpu.sem_alloc : memref<!tpu.dma_semaphore, #tpu.memory_space<semaphore_mem>>
        %dma_start3A_223 = arith.constant 0 : i32
        %dma_start3A_224 = arith.constant 0 : i32
        %dma_start3A_225 = tpu.memref_slice %arg9[%run_scoped3A_136, %dma_start3A_223, %dma_start3A_224] : memref<2x128x128xf32, #tpu.memory_space<vmem>> -> memref<1x128x128xf32, #tpu.memory_space<vmem>>
        %dma_start3A_226 = tpu.memref_squeeze %dma_start3A_225 : memref<1x128x128xf32, #tpu.memory_space<vmem>> -> memref<128x128xf32, #tpu.memory_space<vmem>>
        %dma_start3A_227 = arith.constant 0 : i32
        %dma_start3A_228 = tpu.memref_slice %arg8[%run_scoped3A_137, %run_scoped3A_138, %dma_start3A_227] : memref<2x2x128xi32, #tpu.memory_space<vmem>> -> memref<1x1x128xi32, #tpu.memory_space<vmem>>
        %dma_start3A_229 = tpu.memref_squeeze %dma_start3A_228 : memref<1x1x128xi32, #tpu.memory_space<vmem>> -> memref<128xi32, #tpu.memory_space<vmem>>
        %dma_start3A_230 = arith.constant 0 : i32
        %dma_start3A_231 = arith.constant 0 : i32
        %dma_start3A_232 = tpu.memref_slice %arg10[%dma_start3A_230, %dma_start3A_231] : memref<10112x128xf32, #tpu.memory_space<vmem_shared>> -> memref<10112x128xf32, #tpu.memory_space<vmem_shared>>
        tpu.enqueue_indirect_dma source(%dma_start3A_226 : memref<128x128xf32, #tpu.memory_space<vmem>>) target(%dma_start3A_232 : memref<10112x128xf32, #tpu.memory_space<vmem_shared>>) offsets(%dma_start3A_229 : memref<128xi32, #tpu.memory_space<vmem>>) semaphore(%run_scoped3A_222 : memref<!tpu.dma_semaphore, #tpu.memory_space<semaphore_mem>>) {add = true}
        %dma_wait3A_233 = arith.constant 0 : i32
        %dma_wait3A_234 = arith.constant 0 : i32
        %dma_wait3A_235 = tpu.memref_slice %arg9[%run_scoped3A_136, %dma_wait3A_233, %dma_wait3A_234] : memref<2x128x128xf32, #tpu.memory_space<vmem>> -> memref<1x128x128xf32, #tpu.memory_space<vmem>>
        %dma_wait3A_236 = tpu.memref_squeeze %dma_wait3A_235 : memref<1x128x128xf32, #tpu.memory_space<vmem>> -> memref<128x128xf32, #tpu.memory_space<vmem>>
        %dma_wait3A_237 = arith.constant 0 : i32
        %dma_wait3A_238 = tpu.memref_slice %arg8[%run_scoped3A_137, %run_scoped3A_138, %dma_wait3A_237] : memref<2x2x128xi32, #tpu.memory_space<vmem>> -> memref<1x1x128xi32, #tpu.memory_space<vmem>>
        %dma_wait3A_239 = tpu.memref_squeeze %dma_wait3A_238 : memref<1x1x128xi32, #tpu.memory_space<vmem>> -> memref<128xi32, #tpu.memory_space<vmem>>
        %dma_wait3A_240 = arith.constant 0 : i32
        %dma_wait3A_241 = arith.constant 0 : i32
        %dma_wait3A_242 = tpu.memref_slice %arg10[%dma_wait3A_240, %dma_wait3A_241] : memref<10112x128xf32, #tpu.memory_space<vmem_shared>> -> memref<10112x128xf32, #tpu.memory_space<vmem_shared>>
        tpu.wait_indirect_dma semaphore(%run_scoped3A_222 : memref<!tpu.dma_semaphore, #tpu.memory_space<semaphore_mem>>) src(%dma_wait3A_236 : memref<128x128xf32, #tpu.memory_space<vmem>>) dst(%dma_wait3A_242 : memref<10112x128xf32, #tpu.memory_space<vmem_shared>>)
        tpu.yield
      }) : () -> ()
      %lt3A_139 = arith.constant 39 : i32
      %lt3A_140 = arith.cmpi slt, %mul3A_83, %lt3A_139 : i32
      %convert_element_type3A_141 = arith.extui %lt3A_140 : i1 to i32
      %cond3A_142 = arith.constant 0 : i32
      %cond3A_143 = arith.cmpi ne, %convert_element_type3A_141, %cond3A_142 : i32
      scf.if %cond3A_143 {
        %add3A_222 = arith.constant 2 : i32
        %add3A_223 = arith.addi %add3A_123, %add3A_222 : i32
        %dma_start3A_224 = arith.constant 1 : i32
        %dma_start3A_225 = arith.constant 0 : i32
        %dma_start3A_226 = arith.constant 0 : i32
        %dma_start3A_227 = tpu.memref_slice %arg9[%dma_start3A_224, %dma_start3A_225, %dma_start3A_226] : memref<2x128x128xf32, #tpu.memory_space<vmem>> -> memref<1x128x128xf32, #tpu.memory_space<vmem>>
        %dma_start3A_228 = tpu.memref_squeeze %dma_start3A_227 : memref<1x128x128xf32, #tpu.memory_space<vmem>> -> memref<128x128xf32, #tpu.memory_space<vmem>>
        %dma_start3A_229 = arith.constant 0 : i32
        %dma_start3A_230 = tpu.memref_slice %arg7[%add3A_223, %dma_start3A_229] : memref<80x128xi32, #tpu.memory_space<vmem>> -> memref<1x128xi32, #tpu.memory_space<vmem>>
        %dma_start3A_231 = tpu.memref_squeeze %dma_start3A_230 : memref<1x128xi32, #tpu.memory_space<vmem>> -> memref<128xi32, #tpu.memory_space<vmem>>
        %dma_start3A_232 = arith.constant 0 : i32
        %dma_start3A_233 = arith.constant 0 : i32
        %dma_start3A_234 = tpu.memref_slice %arg2[%dma_start3A_232, %dma_start3A_233] : memref<10000x128xf32, #tpu.memory_space<hbm>> -> memref<10000x128xf32, #tpu.memory_space<hbm>>
        tpu.enqueue_indirect_dma source(%dma_start3A_234 : memref<10000x128xf32, #tpu.memory_space<hbm>>) target(%dma_start3A_228 : memref<128x128xf32, #tpu.memory_space<vmem>>) offsets(%dma_start3A_231 : memref<128xi32, #tpu.memory_space<vmem>>) semaphore(%arg12 : memref<!tpu.dma_semaphore, #tpu.memory_space<semaphore_mem>>)
      } else {
      }
      %lt3A_144 = arith.constant 38 : i32
      %lt3A_145 = arith.cmpi slt, %mul3A_83, %lt3A_144 : i32
      %convert_element_type3A_146 = arith.extui %lt3A_145 : i1 to i32
      %cond3A_147 = arith.constant 0 : i32
      %cond3A_148 = arith.cmpi ne, %convert_element_type3A_146, %cond3A_147 : i32
      scf.if %cond3A_148 {
        %add3A_222 = arith.constant 2 : i32
        %add3A_223 = arith.addi %mul3A_83, %add3A_222 : i32
        %mul3A_224 = arith.constant 80 : i32
        %mul3A_225 = arith.muli %add3A, %mul3A_224 : i32
        %mul3A_226 = arith.constant 2 : i32
        %mul3A_227 = arith.muli %add3A_223, %mul3A_226 : i32
        %add3A_228 = arith.addi %mul3A_225, %mul3A_227 : i32
        %dma_start3A_229 = arith.constant 0 : i32
        %dma_start3A_230 = arith.constant 0 : i32
        %dma_start3A_231 = arith.constant 0 : i32
        %dma_start3A_232 = tpu.memref_slice %arg8[%dma_start3A_229, %dma_start3A_230, %dma_start3A_231] : memref<2x2x128xi32, #tpu.memory_space<vmem>> -> memref<1x2x128xi32, #tpu.memory_space<vmem>>
        %dma_start3A_233 = tpu.memref_squeeze %dma_start3A_232 : memref<1x2x128xi32, #tpu.memory_space<vmem>> -> memref<2x128xi32, #tpu.memory_space<vmem>>
        %dma_start3A_234 = arith.constant 0 : i32
        %dma_start3A_235 = tpu.memref_slice %arg3[%add3A_228, %dma_start3A_234] : memref<2560x128xi32, #tpu.memory_space<hbm>> -> memref<2x128xi32, #tpu.memory_space<hbm>>
        %dma_start3A_236 = arith.constant 0 : i32
        %dma_start3A_237 = arith.constant 0 : i32
        %dma_start3A_238 = tpu.memref_slice %arg8[%dma_start3A_229, %dma_start3A_236, %dma_start3A_237] : memref<2x2x128xi32, #tpu.memory_space<vmem>> -> memref<1x2x128xi32, #tpu.memory_space<vmem>>
        %dma_start3A_239 = tpu.memref_squeeze %dma_start3A_238 : memref<1x2x128xi32, #tpu.memory_space<vmem>> -> memref<2x128xi32, #tpu.memory_space<vmem>>
        %dma_start3A_240 = arith.constant 0 : i32
        %dma_start3A_241 = tpu.memref_slice %arg3[%add3A_228, %dma_start3A_240] : memref<2560x128xi32, #tpu.memory_space<hbm>> -> memref<2x128xi32, #tpu.memory_space<hbm>>
        tpu.enqueue_dma source(%dma_start3A_241 : memref<2x128xi32, #tpu.memory_space<hbm>>) target(%dma_start3A_239 : memref<2x128xi32, #tpu.memory_space<vmem>>) target_semaphore(%arg13 : memref<!tpu.dma_semaphore, #tpu.memory_space<semaphore_mem>>)
      } else {
      }
      %mul3A_149 = arith.constant 2 : i32
      %mul3A_150 = arith.muli %mul3A_149, %scan3A_81 : i32
      %add3A_151 = arith.constant 1 : i32
      %add3A_152 = arith.addi %mul3A_150, %add3A_151 : i32
      %mul3A_153 = arith.constant 2 : i32
      %mul3A_154 = arith.muli %add3A_152, %mul3A_153 : i32
      %mul3A_155 = arith.constant 80 : i32
      %mul3A_156 = arith.muli %add3A, %mul3A_155 : i32
      %mul3A_157 = arith.constant 2 : i32
      %mul3A_158 = arith.muli %add3A_152, %mul3A_157 : i32
      %add3A_159 = arith.addi %mul3A_156, %mul3A_158 : i32
      %dma_wait3A_160 = arith.constant 1 : i32
      %dma_wait3A_161 = arith.constant 0 : i32
      %dma_wait3A_162 = arith.constant 0 : i32
      %dma_wait3A_163 = tpu.memref_slice %arg8[%dma_wait3A_160, %dma_wait3A_161, %dma_wait3A_162] : memref<2x2x128xi32, #tpu.memory_space<vmem>> -> memref<1x2x128xi32, #tpu.memory_space<vmem>>
      %dma_wait3A_164 = tpu.memref_squeeze %dma_wait3A_163 : memref<1x2x128xi32, #tpu.memory_space<vmem>> -> memref<2x128xi32, #tpu.memory_space<vmem>>
      %dma_wait3A_165 = arith.constant 0 : i32
      %dma_wait3A_166 = tpu.memref_slice %arg3[%add3A_159, %dma_wait3A_165] : memref<2560x128xi32, #tpu.memory_space<hbm>> -> memref<2x128xi32, #tpu.memory_space<hbm>>
      %dma_wait3A_167 = arith.constant 0 : i32
      %dma_wait3A_168 = arith.constant 0 : i32
      %dma_wait3A_169 = tpu.memref_slice %arg8[%dma_wait3A_160, %dma_wait3A_167, %dma_wait3A_168] : memref<2x2x128xi32, #tpu.memory_space<vmem>> -> memref<1x2x128xi32, #tpu.memory_space<vmem>>
      %dma_wait3A_170 = tpu.memref_squeeze %dma_wait3A_169 : memref<1x2x128xi32, #tpu.memory_space<vmem>> -> memref<2x128xi32, #tpu.memory_space<vmem>>
      %dma_wait3A_171 = arith.constant 0 : i32
      %dma_wait3A_172 = tpu.memref_slice %arg3[%add3A_159, %dma_wait3A_171] : memref<2560x128xi32, #tpu.memory_space<hbm>> -> memref<2x128xi32, #tpu.memory_space<hbm>>
      tpu.wait_dma2 semaphore(%arg14 : memref<!tpu.dma_semaphore, #tpu.memory_space<semaphore_mem>>) src(%dma_wait3A_172 : memref<2x128xi32, #tpu.memory_space<hbm>>) dst(%dma_wait3A_170 : memref<2x128xi32, #tpu.memory_space<vmem>>)
      %add3A_173 = arith.constant 0 : i32
      %add3A_174 = arith.addi %mul3A_154, %add3A_173 : i32
      %dma_wait3A_175 = arith.constant 0 : i32
      %dma_wait3A_176 = arith.constant 0 : i32
      %dma_wait3A_177 = arith.constant 0 : i32
      %dma_wait3A_178 = arith.constant 0 : i32
      %dma_wait3A_179 = tpu.memref_slice %arg9[%dma_wait3A_176, %dma_wait3A_177, %dma_wait3A_178] : memref<2x128x128xf32, #tpu.memory_space<vmem>> -> memref<1x128x128xf32, #tpu.memory_space<vmem>>
      %dma_wait3A_180 = tpu.memref_squeeze %dma_wait3A_179 : memref<1x128x128xf32, #tpu.memory_space<vmem>> -> memref<128x128xf32, #tpu.memory_space<vmem>>
      %dma_wait3A_181 = arith.constant 0 : i32
      %dma_wait3A_182 = tpu.memref_slice %arg7[%dma_wait3A_175, %dma_wait3A_181] : memref<80x128xi32, #tpu.memory_space<vmem>> -> memref<1x128xi32, #tpu.memory_space<vmem>>
      %dma_wait3A_183 = tpu.memref_squeeze %dma_wait3A_182 : memref<1x128xi32, #tpu.memory_space<vmem>> -> memref<128xi32, #tpu.memory_space<vmem>>
      %dma_wait3A_184 = arith.constant 0 : i32
      %dma_wait3A_185 = arith.constant 0 : i32
      %dma_wait3A_186 = tpu.memref_slice %arg2[%dma_wait3A_184, %dma_wait3A_185] : memref<10000x128xf32, #tpu.memory_space<hbm>> -> memref<10000x128xf32, #tpu.memory_space<hbm>>
      tpu.wait_indirect_dma semaphore(%arg11 : memref<!tpu.dma_semaphore, #tpu.memory_space<semaphore_mem>>) src(%dma_wait3A_186 : memref<10000x128xf32, #tpu.memory_space<hbm>>) dst(%dma_wait3A_180 : memref<128x128xf32, #tpu.memory_space<vmem>>)
      %run_scoped3A_187 = arith.constant 0 : i32
      %run_scoped3A_188 = arith.constant 1 : i32
      %run_scoped3A_189 = arith.constant 0 : i32
      "tpu.region"() ({
        %run_scoped3A_222 = tpu.sem_alloc : memref<!tpu.dma_semaphore, #tpu.memory_space<semaphore_mem>>
        %dma_start3A_223 = arith.constant 0 : i32
        %dma_start3A_224 = arith.constant 0 : i32
        %dma_start3A_225 = tpu.memref_slice %arg9[%run_scoped3A_187, %dma_start3A_223, %dma_start3A_224] : memref<2x128x128xf32, #tpu.memory_space<vmem>> -> memref<1x128x128xf32, #tpu.memory_space<vmem>>
        %dma_start3A_226 = tpu.memref_squeeze %dma_start3A_225 : memref<1x128x128xf32, #tpu.memory_space<vmem>> -> memref<128x128xf32, #tpu.memory_space<vmem>>
        %dma_start3A_227 = arith.constant 0 : i32
        %dma_start3A_228 = tpu.memref_slice %arg8[%run_scoped3A_188, %run_scoped3A_189, %dma_start3A_227] : memref<2x2x128xi32, #tpu.memory_space<vmem>> -> memref<1x1x128xi32, #tpu.memory_space<vmem>>
        %dma_start3A_229 = tpu.memref_squeeze %dma_start3A_228 : memref<1x1x128xi32, #tpu.memory_space<vmem>> -> memref<128xi32, #tpu.memory_space<vmem>>
        %dma_start3A_230 = arith.constant 0 : i32
        %dma_start3A_231 = arith.constant 0 : i32
        %dma_start3A_232 = tpu.memref_slice %arg10[%dma_start3A_230, %dma_start3A_231] : memref<10112x128xf32, #tpu.memory_space<vmem_shared>> -> memref<10112x128xf32, #tpu.memory_space<vmem_shared>>
        tpu.enqueue_indirect_dma source(%dma_start3A_226 : memref<128x128xf32, #tpu.memory_space<vmem>>) target(%dma_start3A_232 : memref<10112x128xf32, #tpu.memory_space<vmem_shared>>) offsets(%dma_start3A_229 : memref<128xi32, #tpu.memory_space<vmem>>) semaphore(%run_scoped3A_222 : memref<!tpu.dma_semaphore, #tpu.memory_space<semaphore_mem>>) {add = true}
        %dma_wait3A_233 = arith.constant 0 : i32
        %dma_wait3A_234 = arith.constant 0 : i32
        %dma_wait3A_235 = tpu.memref_slice %arg9[%run_scoped3A_187, %dma_wait3A_233, %dma_wait3A_234] : memref<2x128x128xf32, #tpu.memory_space<vmem>> -> memref<1x128x128xf32, #tpu.memory_space<vmem>>
        %dma_wait3A_236 = tpu.memref_squeeze %dma_wait3A_235 : memref<1x128x128xf32, #tpu.memory_space<vmem>> -> memref<128x128xf32, #tpu.memory_space<vmem>>
        %dma_wait3A_237 = arith.constant 0 : i32
        %dma_wait3A_238 = tpu.memref_slice %arg8[%run_scoped3A_188, %run_scoped3A_189, %dma_wait3A_237] : memref<2x2x128xi32, #tpu.memory_space<vmem>> -> memref<1x1x128xi32, #tpu.memory_space<vmem>>
        %dma_wait3A_239 = tpu.memref_squeeze %dma_wait3A_238 : memref<1x1x128xi32, #tpu.memory_space<vmem>> -> memref<128xi32, #tpu.memory_space<vmem>>
        %dma_wait3A_240 = arith.constant 0 : i32
        %dma_wait3A_241 = arith.constant 0 : i32
        %dma_wait3A_242 = tpu.memref_slice %arg10[%dma_wait3A_240, %dma_wait3A_241] : memref<10112x128xf32, #tpu.memory_space<vmem_shared>> -> memref<10112x128xf32, #tpu.memory_space<vmem_shared>>
        tpu.wait_indirect_dma semaphore(%run_scoped3A_222 : memref<!tpu.dma_semaphore, #tpu.memory_space<semaphore_mem>>) src(%dma_wait3A_236 : memref<128x128xf32, #tpu.memory_space<vmem>>) dst(%dma_wait3A_242 : memref<10112x128xf32, #tpu.memory_space<vmem_shared>>)
        tpu.yield
      }) : () -> ()
      %lt3A_190 = arith.constant 39 : i32
      %lt3A_191 = arith.cmpi slt, %add3A_152, %lt3A_190 : i32
      %convert_element_type3A_192 = arith.extui %lt3A_191 : i1 to i32
      %cond3A_193 = arith.constant 0 : i32
      %cond3A_194 = arith.cmpi ne, %convert_element_type3A_192, %cond3A_193 : i32
      scf.if %cond3A_194 {
        %add3A_222 = arith.constant 2 : i32
        %add3A_223 = arith.addi %add3A_174, %add3A_222 : i32
        %dma_start3A_224 = arith.constant 0 : i32
        %dma_start3A_225 = arith.constant 0 : i32
        %dma_start3A_226 = arith.constant 0 : i32
        %dma_start3A_227 = tpu.memref_slice %arg9[%dma_start3A_224, %dma_start3A_225, %dma_start3A_226] : memref<2x128x128xf32, #tpu.memory_space<vmem>> -> memref<1x128x128xf32, #tpu.memory_space<vmem>>
        %dma_start3A_228 = tpu.memref_squeeze %dma_start3A_227 : memref<1x128x128xf32, #tpu.memory_space<vmem>> -> memref<128x128xf32, #tpu.memory_space<vmem>>
        %dma_start3A_229 = arith.constant 0 : i32
        %dma_start3A_230 = tpu.memref_slice %arg7[%add3A_223, %dma_start3A_229] : memref<80x128xi32, #tpu.memory_space<vmem>> -> memref<1x128xi32, #tpu.memory_space<vmem>>
        %dma_start3A_231 = tpu.memref_squeeze %dma_start3A_230 : memref<1x128xi32, #tpu.memory_space<vmem>> -> memref<128xi32, #tpu.memory_space<vmem>>
        %dma_start3A_232 = arith.constant 0 : i32
        %dma_start3A_233 = arith.constant 0 : i32
        %dma_start3A_234 = tpu.memref_slice %arg2[%dma_start3A_232, %dma_start3A_233] : memref<10000x128xf32, #tpu.memory_space<hbm>> -> memref<10000x128xf32, #tpu.memory_space<hbm>>
        tpu.enqueue_indirect_dma source(%dma_start3A_234 : memref<10000x128xf32, #tpu.memory_space<hbm>>) target(%dma_start3A_228 : memref<128x128xf32, #tpu.memory_space<vmem>>) offsets(%dma_start3A_231 : memref<128xi32, #tpu.memory_space<vmem>>) semaphore(%arg11 : memref<!tpu.dma_semaphore, #tpu.memory_space<semaphore_mem>>)
      } else {
      }
      %add3A_195 = arith.constant 1 : i32
      %add3A_196 = arith.addi %mul3A_154, %add3A_195 : i32
      %dma_wait3A_197 = arith.constant 1 : i32
      %dma_wait3A_198 = arith.constant 1 : i32
      %dma_wait3A_199 = arith.constant 0 : i32
      %dma_wait3A_200 = arith.constant 0 : i32
      %dma_wait3A_201 = tpu.memref_slice %arg9[%dma_wait3A_198, %dma_wait3A_199, %dma_wait3A_200] : memref<2x128x128xf32, #tpu.memory_space<vmem>> -> memref<1x128x128xf32, #tpu.memory_space<vmem>>
      %dma_wait3A_202 = tpu.memref_squeeze %dma_wait3A_201 : memref<1x128x128xf32, #tpu.memory_space<vmem>> -> memref<128x128xf32, #tpu.memory_space<vmem>>
      %dma_wait3A_203 = arith.constant 0 : i32
      %dma_wait3A_204 = tpu.memref_slice %arg7[%dma_wait3A_197, %dma_wait3A_203] : memref<80x128xi32, #tpu.memory_space<vmem>> -> memref<1x128xi32, #tpu.memory_space<vmem>>
      %dma_wait3A_205 = tpu.memref_squeeze %dma_wait3A_204 : memref<1x128xi32, #tpu.memory_space<vmem>> -> memref<128xi32, #tpu.memory_space<vmem>>
      %dma_wait3A_206 = arith.constant 0 : i32
      %dma_wait3A_207 = arith.constant 0 : i32
      %dma_wait3A_208 = tpu.memref_slice %arg2[%dma_wait3A_206, %dma_wait3A_207] : memref<10000x128xf32, #tpu.memory_space<hbm>> -> memref<10000x128xf32, #tpu.memory_space<hbm>>
      tpu.wait_indirect_dma semaphore(%arg12 : memref<!tpu.dma_semaphore, #tpu.memory_space<semaphore_mem>>) src(%dma_wait3A_208 : memref<10000x128xf32, #tpu.memory_space<hbm>>) dst(%dma_wait3A_202 : memref<128x128xf32, #tpu.memory_space<vmem>>)
      %run_scoped3A_209 = arith.constant 1 : i32
      %run_scoped3A_210 = arith.constant 1 : i32
      %run_scoped3A_211 = arith.constant 1 : i32
      "tpu.region"() ({
        %run_scoped3A_222 = tpu.sem_alloc : memref<!tpu.dma_semaphore, #tpu.memory_space<semaphore_mem>>
        %dma_start3A_223 = arith.constant 0 : i32
        %dma_start3A_224 = arith.constant 0 : i32
        %dma_start3A_225 = tpu.memref_slice %arg9[%run_scoped3A_209, %dma_start3A_223, %dma_start3A_224] : memref<2x128x128xf32, #tpu.memory_space<vmem>> -> memref<1x128x128xf32, #tpu.memory_space<vmem>>
        %dma_start3A_226 = tpu.memref_squeeze %dma_start3A_225 : memref<1x128x128xf32, #tpu.memory_space<vmem>> -> memref<128x128xf32, #tpu.memory_space<vmem>>
        %dma_start3A_227 = arith.constant 0 : i32
        %dma_start3A_228 = tpu.memref_slice %arg8[%run_scoped3A_210, %run_scoped3A_211, %dma_start3A_227] : memref<2x2x128xi32, #tpu.memory_space<vmem>> -> memref<1x1x128xi32, #tpu.memory_space<vmem>>
        %dma_start3A_229 = tpu.memref_squeeze %dma_start3A_228 : memref<1x1x128xi32, #tpu.memory_space<vmem>> -> memref<128xi32, #tpu.memory_space<vmem>>
        %dma_start3A_230 = arith.constant 0 : i32
        %dma_start3A_231 = arith.constant 0 : i32
        %dma_start3A_232 = tpu.memref_slice %arg10[%dma_start3A_230, %dma_start3A_231] : memref<10112x128xf32, #tpu.memory_space<vmem_shared>> -> memref<10112x128xf32, #tpu.memory_space<vmem_shared>>
        tpu.enqueue_indirect_dma source(%dma_start3A_226 : memref<128x128xf32, #tpu.memory_space<vmem>>) target(%dma_start3A_232 : memref<10112x128xf32, #tpu.memory_space<vmem_shared>>) offsets(%dma_start3A_229 : memref<128xi32, #tpu.memory_space<vmem>>) semaphore(%run_scoped3A_222 : memref<!tpu.dma_semaphore, #tpu.memory_space<semaphore_mem>>) {add = true}
        %dma_wait3A_233 = arith.constant 0 : i32
        %dma_wait3A_234 = arith.constant 0 : i32
        %dma_wait3A_235 = tpu.memref_slice %arg9[%run_scoped3A_209, %dma_wait3A_233, %dma_wait3A_234] : memref<2x128x128xf32, #tpu.memory_space<vmem>> -> memref<1x128x128xf32, #tpu.memory_space<vmem>>
        %dma_wait3A_236 = tpu.memref_squeeze %dma_wait3A_235 : memref<1x128x128xf32, #tpu.memory_space<vmem>> -> memref<128x128xf32, #tpu.memory_space<vmem>>
        %dma_wait3A_237 = arith.constant 0 : i32
        %dma_wait3A_238 = tpu.memref_slice %arg8[%run_scoped3A_210, %run_scoped3A_211, %dma_wait3A_237] : memref<2x2x128xi32, #tpu.memory_space<vmem>> -> memref<1x1x128xi32, #tpu.memory_space<vmem>>
        %dma_wait3A_239 = tpu.memref_squeeze %dma_wait3A_238 : memref<1x1x128xi32, #tpu.memory_space<vmem>> -> memref<128xi32, #tpu.memory_space<vmem>>
        %dma_wait3A_240 = arith.constant 0 : i32
        %dma_wait3A_241 = arith.constant 0 : i32
        %dma_wait3A_242 = tpu.memref_slice %arg10[%dma_wait3A_240, %dma_wait3A_241] : memref<10112x128xf32, #tpu.memory_space<vmem_shared>> -> memref<10112x128xf32, #tpu.memory_space<vmem_shared>>
        tpu.wait_indirect_dma semaphore(%run_scoped3A_222 : memref<!tpu.dma_semaphore, #tpu.memory_space<semaphore_mem>>) src(%dma_wait3A_236 : memref<128x128xf32, #tpu.memory_space<vmem>>) dst(%dma_wait3A_242 : memref<10112x128xf32, #tpu.memory_space<vmem_shared>>)
        tpu.yield
      }) : () -> ()
      %lt3A_212 = arith.constant 39 : i32
      %lt3A_213 = arith.cmpi slt, %add3A_152, %lt3A_212 : i32
      %convert_element_type3A_214 = arith.extui %lt3A_213 : i1 to i32
      %cond3A_215 = arith.constant 0 : i32
      %cond3A_216 = arith.cmpi ne, %convert_element_type3A_214, %cond3A_215 : i32
      scf.if %cond3A_216 {
        %add3A_222 = arith.constant 2 : i32
        %add3A_223 = arith.addi %add3A_196, %add3A_222 : i32
        %dma_start3A_224 = arith.constant 1 : i32
        %dma_start3A_225 = arith.constant 0 : i32
        %dma_start3A_226 = arith.constant 0 : i32
        %dma_start3A_227 = tpu.memref_slice %arg9[%dma_start3A_224, %dma_start3A_225, %dma_start3A_226] : memref<2x128x128xf32, #tpu.memory_space<vmem>> -> memref<1x128x128xf32, #tpu.memory_space<vmem>>
        %dma_start3A_228 = tpu.memref_squeeze %dma_start3A_227 : memref<1x128x128xf32, #tpu.memory_space<vmem>> -> memref<128x128xf32, #tpu.memory_space<vmem>>
        %dma_start3A_229 = arith.constant 0 : i32
        %dma_start3A_230 = tpu.memref_slice %arg7[%add3A_223, %dma_start3A_229] : memref<80x128xi32, #tpu.memory_space<vmem>> -> memref<1x128xi32, #tpu.memory_space<vmem>>
        %dma_start3A_231 = tpu.memref_squeeze %dma_start3A_230 : memref<1x128xi32, #tpu.memory_space<vmem>> -> memref<128xi32, #tpu.memory_space<vmem>>
        %dma_start3A_232 = arith.constant 0 : i32
        %dma_start3A_233 = arith.constant 0 : i32
        %dma_start3A_234 = tpu.memref_slice %arg2[%dma_start3A_232, %dma_start3A_233] : memref<10000x128xf32, #tpu.memory_space<hbm>> -> memref<10000x128xf32, #tpu.memory_space<hbm>>
        tpu.enqueue_indirect_dma source(%dma_start3A_234 : memref<10000x128xf32, #tpu.memory_space<hbm>>) target(%dma_start3A_228 : memref<128x128xf32, #tpu.memory_space<vmem>>) offsets(%dma_start3A_231 : memref<128xi32, #tpu.memory_space<vmem>>) semaphore(%arg12 : memref<!tpu.dma_semaphore, #tpu.memory_space<semaphore_mem>>)
      } else {
      }
      %lt3A_217 = arith.constant 38 : i32
      %lt3A_218 = arith.cmpi slt, %add3A_152, %lt3A_217 : i32
      %convert_element_type3A_219 = arith.extui %lt3A_218 : i1 to i32
      %cond3A_220 = arith.constant 0 : i32
      %cond3A_221 = arith.cmpi ne, %convert_element_type3A_219, %cond3A_220 : i32
      scf.if %cond3A_221 {
        %add3A_222 = arith.constant 2 : i32
        %add3A_223 = arith.addi %add3A_152, %add3A_222 : i32
        %mul3A_224 = arith.constant 80 : i32
        %mul3A_225 = arith.muli %add3A, %mul3A_224 : i32
        %mul3A_226 = arith.constant 2 : i32
        %mul3A_227 = arith.muli %add3A_223, %mul3A_226 : i32
        %add3A_228 = arith.addi %mul3A_225, %mul3A_227 : i32
        %dma_start3A_229 = arith.constant 1 : i32
        %dma_start3A_230 = arith.constant 0 : i32
        %dma_start3A_231 = arith.constant 0 : i32
        %dma_start3A_232 = tpu.memref_slice %arg8[%dma_start3A_229, %dma_start3A_230, %dma_start3A_231] : memref<2x2x128xi32, #tpu.memory_space<vmem>> -> memref<1x2x128xi32, #tpu.memory_space<vmem>>
        %dma_start3A_233 = tpu.memref_squeeze %dma_start3A_232 : memref<1x2x128xi32, #tpu.memory_space<vmem>> -> memref<2x128xi32, #tpu.memory_space<vmem>>
        %dma_start3A_234 = arith.constant 0 : i32
        %dma_start3A_235 = tpu.memref_slice %arg3[%add3A_228, %dma_start3A_234] : memref<2560x128xi32, #tpu.memory_space<hbm>> -> memref<2x128xi32, #tpu.memory_space<hbm>>
        %dma_start3A_236 = arith.constant 0 : i32
        %dma_start3A_237 = arith.constant 0 : i32
        %dma_start3A_238 = tpu.memref_slice %arg8[%dma_start3A_229, %dma_start3A_236, %dma_start3A_237] : memref<2x2x128xi32, #tpu.memory_space<vmem>> -> memref<1x2x128xi32, #tpu.memory_space<vmem>>
        %dma_start3A_239 = tpu.memref_squeeze %dma_start3A_238 : memref<1x2x128xi32, #tpu.memory_space<vmem>> -> memref<2x128xi32, #tpu.memory_space<vmem>>
        %dma_start3A_240 = arith.constant 0 : i32
        %dma_start3A_241 = tpu.memref_slice %arg3[%add3A_228, %dma_start3A_240] : memref<2560x128xi32, #tpu.memory_space<hbm>> -> memref<2x128xi32, #tpu.memory_space<hbm>>
        tpu.enqueue_dma source(%dma_start3A_241 : memref<2x128xi32, #tpu.memory_space<hbm>>) target(%dma_start3A_239 : memref<2x128xi32, #tpu.memory_space<vmem>>) target_semaphore(%arg14 : memref<!tpu.dma_semaphore, #tpu.memory_space<semaphore_mem>>)
      } else {
      }
    }
    %scan3A_75 = arith.constant 20 : i32
    %barrier3A_76 = arith.constant 0 : index
    tpu.barrier barrier_id(%barrier3A_76)
    %mul3A_77 = arith.constant 632 : i32
    %mul3A_78 = arith.muli %arg1, %mul3A_77 : i32
    %mul3A_79 = arith.constant 632 : i32
    %mul3A_80 = arith.muli %arg1, %mul3A_79 : i32
    "tpu.region"() ({
      %run_scoped3A = tpu.sem_alloc : memref<!tpu.dma_semaphore, #tpu.memory_space<semaphore_mem>>
      %dma_start3A_81 = arith.constant 0 : i32
      %dma_start3A_82 = tpu.memref_slice %arg6[%arg0, %mul3A_80, %dma_start3A_81] : memref<2x10112x128xf32, #tpu.memory_space<hbm>> -> memref<1x632x128xf32, #tpu.memory_space<hbm>>
      %dma_start3A_83 = tpu.memref_squeeze %dma_start3A_82 : memref<1x632x128xf32, #tpu.memory_space<hbm>> -> memref<632x128xf32, #tpu.memory_space<hbm>>
      %dma_start3A_84 = arith.constant 0 : i32
      %dma_start3A_85 = tpu.memref_slice %arg10[%mul3A_78, %dma_start3A_84] : memref<10112x128xf32, #tpu.memory_space<vmem_shared>> -> memref<632x128xf32, #tpu.memory_space<vmem_shared>>
      tpu.enqueue_dma source(%dma_start3A_85 : memref<632x128xf32, #tpu.memory_space<vmem_shared>>) target(%dma_start3A_83 : memref<632x128xf32, #tpu.memory_space<hbm>>) target_semaphore(%run_scoped3A : memref<!tpu.dma_semaphore, #tpu.memory_space<semaphore_mem>>)
      %dma_wait3A_86 = arith.constant 0 : i32
      %dma_wait3A_87 = tpu.memref_slice %arg6[%arg0, %mul3A_80, %dma_wait3A_86] : memref<2x10112x128xf32, #tpu.memory_space<hbm>> -> memref<1x632x128xf32, #tpu.memory_space<hbm>>
      %dma_wait3A_88 = tpu.memref_squeeze %dma_wait3A_87 : memref<1x632x128xf32, #tpu.memory_space<hbm>> -> memref<632x128xf32, #tpu.memory_space<hbm>>
      %dma_wait3A_89 = arith.constant 0 : i32
      %dma_wait3A_90 = tpu.memref_slice %arg10[%mul3A_78, %dma_wait3A_89] : memref<10112x128xf32, #tpu.memory_space<vmem_shared>> -> memref<632x128xf32, #tpu.memory_space<vmem_shared>>
      tpu.wait_dma2 semaphore(%run_scoped3A : memref<!tpu.dma_semaphore, #tpu.memory_space<semaphore_mem>>) src(%dma_wait3A_90 : memref<632x128xf32, #tpu.memory_space<vmem_shared>>) dst(%dma_wait3A_88 : memref<632x128xf32, #tpu.memory_space<hbm>>)
      tpu.yield
    }) : () -> ()
    return
  }
}

#map = affine_map<(d0, d1) -> (0, 0)>
#map1 = affine_map<(d0, d1) -> (0, 0, 0)>
module attributes {stable_mosaic.version = 14 : i64} {
  func.func @_sc_layer_body(%arg0: i32, %arg1: i32, %arg2: memref<10000x128xf32, #tpu.memory_space<hbm>>, %arg3: memref<2560x128xi32, #tpu.memory_space<hbm>>, %arg4: memref<2560x128xi32, #tpu.memory_space<hbm>>, %arg5: memref<10112x128xf32, #tpu.memory_space<hbm>>, %arg6: memref<2x10112x128xf32, #tpu.memory_space<hbm>>, %arg7: memref<80x128xi32, #tpu.memory_space<vmem>>, %arg8: memref<2x2x128xi32, #tpu.memory_space<vmem>>, %arg9: memref<2x128x128xf32, #tpu.memory_space<vmem>>, %arg10: memref<10112x128xf32, #tpu.memory_space<vmem_shared>>, %arg11: memref<!tpu.dma_semaphore, #tpu.memory_space<semaphore_mem>>, %arg12: memref<!tpu.dma_semaphore, #tpu.memory_space<semaphore_mem>>, %arg13: memref<!tpu.dma_semaphore, #tpu.memory_space<semaphore_mem>>, %arg14: memref<!tpu.dma_semaphore, #tpu.memory_space<semaphore_mem>>, %arg15: memref<!tpu.dma_semaphore, #tpu.memory_space<semaphore_mem>>) attributes {dimension_semantics = [#tpu.dimension_semantics<core_parallel>, #tpu.dimension_semantics<subcore_parallel>], iteration_bounds = array<i64: 2, 16>, scalar_prefetch = 0 : i64, scratch_operands = 9 : i64, tpu.core_type = #tpu.core_type<sc_vector_subcore>, window_params = [{transform_indices = #map}, {transform_indices = #map}, {transform_indices = #map}, {transform_indices = #map}, {transform_indices = #map1}]} {
    %mul3A = arith.constant 16 : i32
    %mul3A_0 = arith.muli %arg0, %mul3A : i32
    %add3A = arith.addi %mul3A_0, %arg1 : i32
    %mul3A_1 = arith.constant 632 : i32
    %mul3A_2 = arith.muli %arg1, %mul3A_1 : i32
    %mul3A_3 = arith.constant 632 : i32
    %mul3A_4 = arith.muli %arg1, %mul3A_3 : i32
    %dma_start3A = arith.constant 0 : i32
    %dma_start3A_5 = tpu.memref_slice %arg10[%mul3A_4, %dma_start3A] : memref<10112x128xf32, #tpu.memory_space<vmem_shared>> -> memref<632x128xf32, #tpu.memory_space<vmem_shared>>
    %dma_start3A_6 = arith.constant 0 : i32
    %dma_start3A_7 = tpu.memref_slice %arg5[%mul3A_2, %dma_start3A_6] : memref<10112x128xf32, #tpu.memory_space<hbm>> -> memref<632x128xf32, #tpu.memory_space<hbm>>
    tpu.enqueue_dma source(%dma_start3A_7 : memref<632x128xf32, #tpu.memory_space<hbm>>) target(%dma_start3A_5 : memref<632x128xf32, #tpu.memory_space<vmem_shared>>) target_semaphore(%arg15 : memref<!tpu.dma_semaphore, #tpu.memory_space<semaphore_mem>>)
    %mul3A_8 = arith.constant 80 : i32
    %mul3A_9 = arith.muli %add3A, %mul3A_8 : i32
    "tpu.region"() ({
      %run_scoped3A = tpu.sem_alloc : memref<!tpu.dma_semaphore, #tpu.memory_space<semaphore_mem>>
      %dma_start3A_81 = arith.constant 0 : i32
      %dma_start3A_82 = tpu.memref_slice %arg4[%mul3A_9, %dma_start3A_81] : memref<2560x128xi32, #tpu.memory_space<hbm>> -> memref<80x128xi32, #tpu.memory_space<hbm>>
      %dma_start3A_83 = arith.constant 0 : i32
      %dma_start3A_84 = tpu.memref_slice %arg4[%mul3A_9, %dma_start3A_83] : memref<2560x128xi32, #tpu.memory_space<hbm>> -> memref<80x128xi32, #tpu.memory_space<hbm>>
      tpu.enqueue_dma source(%dma_start3A_84 : memref<80x128xi32, #tpu.memory_space<hbm>>) target(%arg7 : memref<80x128xi32, #tpu.memory_space<vmem>>) target_semaphore(%run_scoped3A : memref<!tpu.dma_semaphore, #tpu.memory_space<semaphore_mem>>)
      %dma_wait3A_85 = arith.constant 0 : i32
      %dma_wait3A_86 = tpu.memref_slice %arg4[%mul3A_9, %dma_wait3A_85] : memref<2560x128xi32, #tpu.memory_space<hbm>> -> memref<80x128xi32, #tpu.memory_space<hbm>>
      %dma_wait3A_87 = arith.constant 0 : i32
      %dma_wait3A_88 = tpu.memref_slice %arg4[%mul3A_9, %dma_wait3A_87] : memref<2560x128xi32, #tpu.memory_space<hbm>> -> memref<80x128xi32, #tpu.memory_space<hbm>>
      tpu.wait_dma2 semaphore(%run_scoped3A : memref<!tpu.dma_semaphore, #tpu.memory_space<semaphore_mem>>) src(%dma_wait3A_88 : memref<80x128xi32, #tpu.memory_space<hbm>>) dst(%arg7 : memref<80x128xi32, #tpu.memory_space<vmem>>)
      tpu.yield
    }) : () -> ()
    %mul3A_10 = arith.constant 80 : i32
    %mul3A_11 = arith.muli %add3A, %mul3A_10 : i32
    %add3A_12 = arith.constant 0 : i32
    %add3A_13 = arith.addi %mul3A_11, %add3A_12 : i32
    %dma_start3A_14 = arith.constant 0 : i32
    %dma_start3A_15 = arith.constant 0 : i32
    %dma_start3A_16 = arith.constant 0 : i32
    %dma_start3A_17 = tpu.memref_slice %arg8[%dma_start3A_14, %dma_start3A_15, %dma_start3A_16] : memref<2x2x128xi32, #tpu.memory_space<vmem>> -> memref<1x2x128xi32, #tpu.memory_space<vmem>>
    %dma_start3A_18 = tpu.memref_squeeze %dma_start3A_17 : memref<1x2x128xi32, #tpu.memory_space<vmem>> -> memref<2x128xi32, #tpu.memory_space<vmem>>
    %dma_start3A_19 = arith.constant 0 : i32
    %dma_start3A_20 = tpu.memref_slice %arg3[%add3A_13, %dma_start3A_19] : memref<2560x128xi32, #tpu.memory_space<hbm>> -> memref<2x128xi32, #tpu.memory_space<hbm>>
    %dma_start3A_21 = arith.constant 0 : i32
    %dma_start3A_22 = arith.constant 0 : i32
    %dma_start3A_23 = tpu.memref_slice %arg8[%dma_start3A_14, %dma_start3A_21, %dma_start3A_22] : memref<2x2x128xi32, #tpu.memory_space<vmem>> -> memref<1x2x128xi32, #tpu.memory_space<vmem>>
    %dma_start3A_24 = tpu.memref_squeeze %dma_start3A_23 : memref<1x2x128xi32, #tpu.memory_space<vmem>> -> memref<2x128xi32, #tpu.memory_space<vmem>>
    %dma_start3A_25 = arith.constant 0 : i32
    %dma_start3A_26 = tpu.memref_slice %arg3[%add3A_13, %dma_start3A_25] : memref<2560x128xi32, #tpu.memory_space<hbm>> -> memref<2x128xi32, #tpu.memory_space<hbm>>
    tpu.enqueue_dma source(%dma_start3A_26 : memref<2x128xi32, #tpu.memory_space<hbm>>) target(%dma_start3A_24 : memref<2x128xi32, #tpu.memory_space<vmem>>) target_semaphore(%arg13 : memref<!tpu.dma_semaphore, #tpu.memory_space<semaphore_mem>>)
    %mul3A_27 = arith.constant 80 : i32
    %mul3A_28 = arith.muli %add3A, %mul3A_27 : i32
    %add3A_29 = arith.constant 2 : i32
    %add3A_30 = arith.addi %mul3A_28, %add3A_29 : i32
    %dma_start3A_31 = arith.constant 1 : i32
    %dma_start3A_32 = arith.constant 0 : i32
    %dma_start3A_33 = arith.constant 0 : i32
    %dma_start3A_34 = tpu.memref_slice %arg8[%dma_start3A_31, %dma_start3A_32, %dma_start3A_33] : memref<2x2x128xi32, #tpu.memory_space<vmem>> -> memref<1x2x128xi32, #tpu.memory_space<vmem>>
    %dma_start3A_35 = tpu.memref_squeeze %dma_start3A_34 : memref<1x2x128xi32, #tpu.memory_space<vmem>> -> memref<2x128xi32, #tpu.memory_space<vmem>>
    %dma_start3A_36 = arith.constant 0 : i32
    %dma_start3A_37 = tpu.memref_slice %arg3[%add3A_30, %dma_start3A_36] : memref<2560x128xi32, #tpu.memory_space<hbm>> -> memref<2x128xi32, #tpu.memory_space<hbm>>
    %dma_start3A_38 = arith.constant 0 : i32
    %dma_start3A_39 = arith.constant 0 : i32
    %dma_start3A_40 = tpu.memref_slice %arg8[%dma_start3A_31, %dma_start3A_38, %dma_start3A_39] : memref<2x2x128xi32, #tpu.memory_space<vmem>> -> memref<1x2x128xi32, #tpu.memory_space<vmem>>
    %dma_start3A_41 = tpu.memref_squeeze %dma_start3A_40 : memref<1x2x128xi32, #tpu.memory_space<vmem>> -> memref<2x128xi32, #tpu.memory_space<vmem>>
    %dma_start3A_42 = arith.constant 0 : i32
    %dma_start3A_43 = tpu.memref_slice %arg3[%add3A_30, %dma_start3A_42] : memref<2560x128xi32, #tpu.memory_space<hbm>> -> memref<2x128xi32, #tpu.memory_space<hbm>>
    tpu.enqueue_dma source(%dma_start3A_43 : memref<2x128xi32, #tpu.memory_space<hbm>>) target(%dma_start3A_41 : memref<2x128xi32, #tpu.memory_space<vmem>>) target_semaphore(%arg14 : memref<!tpu.dma_semaphore, #tpu.memory_space<semaphore_mem>>)
    %dma_start3A_44 = arith.constant 0 : i32
    %dma_start3A_45 = arith.constant 0 : i32
    %dma_start3A_46 = arith.constant 0 : i32
    %dma_start3A_47 = arith.constant 0 : i32
    %dma_start3A_48 = tpu.memref_slice %arg9[%dma_start3A_45, %dma_start3A_46, %dma_start3A_47] : memref<2x128x128xf32, #tpu.memory_space<vmem>> -> memref<1x128x128xf32, #tpu.memory_space<vmem>>
    %dma_start3A_49 = tpu.memref_squeeze %dma_start3A_48 : memref<1x128x128xf32, #tpu.memory_space<vmem>> -> memref<128x128xf32, #tpu.memory_space<vmem>>
    %dma_start3A_50 = arith.constant 0 : i32
    %dma_start3A_51 = tpu.memref_slice %arg7[%dma_start3A_44, %dma_start3A_50] : memref<80x128xi32, #tpu.memory_space<vmem>> -> memref<1x128xi32, #tpu.memory_space<vmem>>
    %dma_start3A_52 = tpu.memref_squeeze %dma_start3A_51 : memref<1x128xi32, #tpu.memory_space<vmem>> -> memref<128xi32, #tpu.memory_space<vmem>>
    %dma_start3A_53 = arith.constant 0 : i32
    %dma_start3A_54 = arith.constant 0 : i32
    %dma_start3A_55 = tpu.memref_slice %arg2[%dma_start3A_53, %dma_start3A_54] : memref<10000x128xf32, #tpu.memory_space<hbm>> -> memref<10000x128xf32, #tpu.memory_space<hbm>>
    tpu.enqueue_indirect_dma source(%dma_start3A_55 : memref<10000x128xf32, #tpu.memory_space<hbm>>) target(%dma_start3A_49 : memref<128x128xf32, #tpu.memory_space<vmem>>) offsets(%dma_start3A_52 : memref<128xi32, #tpu.memory_space<vmem>>) semaphore(%arg11 : memref<!tpu.dma_semaphore, #tpu.memory_space<semaphore_mem>>)
    %dma_start3A_56 = arith.constant 1 : i32
    %dma_start3A_57 = arith.constant 1 : i32
    %dma_start3A_58 = arith.constant 0 : i32
    %dma_start3A_59 = arith.constant 0 : i32
    %dma_start3A_60 = tpu.memref_slice %arg9[%dma_start3A_57, %dma_start3A_58, %dma_start3A_59] : memref<2x128x128xf32, #tpu.memory_space<vmem>> -> memref<1x128x128xf32, #tpu.memory_space<vmem>>
    %dma_start3A_61 = tpu.memref_squeeze %dma_start3A_60 : memref<1x128x128xf32, #tpu.memory_space<vmem>> -> memref<128x128xf32, #tpu.memory_space<vmem>>
    %dma_start3A_62 = arith.constant 0 : i32
    %dma_start3A_63 = tpu.memref_slice %arg7[%dma_start3A_56, %dma_start3A_62] : memref<80x128xi32, #tpu.memory_space<vmem>> -> memref<1x128xi32, #tpu.memory_space<vmem>>
    %dma_start3A_64 = tpu.memref_squeeze %dma_start3A_63 : memref<1x128xi32, #tpu.memory_space<vmem>> -> memref<128xi32, #tpu.memory_space<vmem>>
    %dma_start3A_65 = arith.constant 0 : i32
    %dma_start3A_66 = arith.constant 0 : i32
    %dma_start3A_67 = tpu.memref_slice %arg2[%dma_start3A_65, %dma_start3A_66] : memref<10000x128xf32, #tpu.memory_space<hbm>> -> memref<10000x128xf32, #tpu.memory_space<hbm>>
    tpu.enqueue_indirect_dma source(%dma_start3A_67 : memref<10000x128xf32, #tpu.memory_space<hbm>>) target(%dma_start3A_61 : memref<128x128xf32, #tpu.memory_space<vmem>>) offsets(%dma_start3A_64 : memref<128xi32, #tpu.memory_space<vmem>>) semaphore(%arg12 : memref<!tpu.dma_semaphore, #tpu.memory_space<semaphore_mem>>)
    %dma_wait3A = arith.constant 0 : i32
    %dma_wait3A_68 = tpu.memref_slice %arg10[%mul3A_4, %dma_wait3A] : memref<10112x128xf32, #tpu.memory_space<vmem_shared>> -> memref<632x128xf32, #tpu.memory_space<vmem_shared>>
    %dma_wait3A_69 = arith.constant 0 : i32
    %dma_wait3A_70 = tpu.memref_slice %arg5[%mul3A_2, %dma_wait3A_69] : memref<10112x128xf32, #tpu.memory_space<hbm>> -> memref<632x128xf32, #tpu.memory_space<hbm>>
    tpu.wait_dma2 semaphore(%arg15 : memref<!tpu.dma_semaphore, #tpu.memory_space<semaphore_mem>>) src(%dma_wait3A_70 : memref<632x128xf32, #tpu.memory_space<hbm>>) dst(%dma_wait3A_68 : memref<632x128xf32, #tpu.memory_space<vmem_shared>>)
    %barrier3A = arith.constant 0 : index
    tpu.barrier barrier_id(%barrier3A)
    %scan3A = arith.constant 0 : i32
    %scan3A_71 = arith.constant 0 : i32
    %scan3A_72 = arith.constant 20 : i32
    %scan3A_73 = arith.addi %scan3A_71, %scan3A_72 : i32
    %scan3A_74 = arith.constant 1 : i32
    scf.for %scan3A_81 = %scan3A_71 to %scan3A_73 step %scan3A_74  : i32 {
      %mul3A_82 = arith.constant 2 : i32
      %mul3A_83 = arith.muli %mul3A_82, %scan3A_81 : i32
      %mul3A_84 = arith.constant 2 : i32
      %mul3A_85 = arith.muli %mul3A_83, %mul3A_84 : i32
      %mul3A_86 = arith.constant 80 : i32
      %mul3A_87 = arith.muli %add3A, %mul3A_86 : i32
      %mul3A_88 = arith.constant 2 : i32
      %mul3A_89 = arith.muli %mul3A_83, %mul3A_88 : i32
      %add3A_90 = arith.addi %mul3A_87, %mul3A_89 : i32
      %dma_wait3A_91 = arith.constant 0 : i32
      %dma_wait3A_92 = arith.constant 0 : i32
      %dma_wait3A_93 = arith.constant 0 : i32
      %dma_wait3A_94 = tpu.memref_slice %arg8[%dma_wait3A_91, %dma_wait3A_92, %dma_wait3A_93] : memref<2x2x128xi32, #tpu.memory_space<vmem>> -> memref<1x2x128xi32, #tpu.memory_space<vmem>>
      %dma_wait3A_95 = tpu.memref_squeeze %dma_wait3A_94 : memref<1x2x128xi32, #tpu.memory_space<vmem>> -> memref<2x128xi32, #tpu.memory_space<vmem>>
      %dma_wait3A_96 = arith.constant 0 : i32
      %dma_wait3A_97 = tpu.memref_slice %arg3[%add3A_90, %dma_wait3A_96] : memref<2560x128xi32, #tpu.memory_space<hbm>> -> memref<2x128xi32, #tpu.memory_space<hbm>>
      %dma_wait3A_98 = arith.constant 0 : i32
      %dma_wait3A_99 = arith.constant 0 : i32
      %dma_wait3A_100 = tpu.memref_slice %arg8[%dma_wait3A_91, %dma_wait3A_98, %dma_wait3A_99] : memref<2x2x128xi32, #tpu.memory_space<vmem>> -> memref<1x2x128xi32, #tpu.memory_space<vmem>>
      %dma_wait3A_101 = tpu.memref_squeeze %dma_wait3A_100 : memref<1x2x128xi32, #tpu.memory_space<vmem>> -> memref<2x128xi32, #tpu.memory_space<vmem>>
      %dma_wait3A_102 = arith.constant 0 : i32
      %dma_wait3A_103 = tpu.memref_slice %arg3[%add3A_90, %dma_wait3A_102] : memref<2560x128xi32, #tpu.memory_space<hbm>> -> memref<2x128xi32, #tpu.memory_space<hbm>>
      tpu.wait_dma2 semaphore(%arg13 : memref<!tpu.dma_semaphore, #tpu.memory_space<semaphore_mem>>) src(%dma_wait3A_103 : memref<2x128xi32, #tpu.memory_space<hbm>>) dst(%dma_wait3A_101 : memref<2x128xi32, #tpu.memory_space<vmem>>)
      %add3A_104 = arith.constant 0 : i32
      %add3A_105 = arith.addi %mul3A_85, %add3A_104 : i32
      %dma_wait3A_106 = arith.constant 0 : i32
      %dma_wait3A_107 = arith.constant 0 : i32
      %dma_wait3A_108 = arith.constant 0 : i32
      %dma_wait3A_109 = arith.constant 0 : i32
      %dma_wait3A_110 = tpu.memref_slice %arg9[%dma_wait3A_107, %dma_wait3A_108, %dma_wait3A_109] : memref<2x128x128xf32, #tpu.memory_space<vmem>> -> memref<1x128x128xf32, #tpu.memory_space<vmem>>
      %dma_wait3A_111 = tpu.memref_squeeze %dma_wait3A_110 : memref<1x128x128xf32, #tpu.memory_space<vmem>> -> memref<128x128xf32, #tpu.memory_space<vmem>>
      %dma_wait3A_112 = arith.constant 0 : i32
      %dma_wait3A_113 = tpu.memref_slice %arg7[%dma_wait3A_106, %dma_wait3A_112] : memref<80x128xi32, #tpu.memory_space<vmem>> -> memref<1x128xi32, #tpu.memory_space<vmem>>
      %dma_wait3A_114 = tpu.memref_squeeze %dma_wait3A_113 : memref<1x128xi32, #tpu.memory_space<vmem>> -> memref<128xi32, #tpu.memory_space<vmem>>
      %dma_wait3A_115 = arith.constant 0 : i32
      %dma_wait3A_116 = arith.constant 0 : i32
      %dma_wait3A_117 = tpu.memref_slice %arg2[%dma_wait3A_115, %dma_wait3A_116] : memref<10000x128xf32, #tpu.memory_space<hbm>> -> memref<10000x128xf32, #tpu.memory_space<hbm>>
      tpu.wait_indirect_dma semaphore(%arg11 : memref<!tpu.dma_semaphore, #tpu.memory_space<semaphore_mem>>) src(%dma_wait3A_117 : memref<10000x128xf32, #tpu.memory_space<hbm>>) dst(%dma_wait3A_111 : memref<128x128xf32, #tpu.memory_space<vmem>>)
      %run_scoped3A = arith.constant 0 : i32
      %run_scoped3A_118 = arith.constant 0 : i32
      %run_scoped3A_119 = arith.constant 0 : i32
      "tpu.region"() ({
        %run_scoped3A_222 = tpu.sem_alloc : memref<!tpu.dma_semaphore, #tpu.memory_space<semaphore_mem>>
        %dma_start3A_223 = arith.constant 0 : i32
        %dma_start3A_224 = arith.constant 0 : i32
        %dma_start3A_225 = tpu.memref_slice %arg9[%run_scoped3A, %dma_start3A_223, %dma_start3A_224] : memref<2x128x128xf32, #tpu.memory_space<vmem>> -> memref<1x128x128xf32, #tpu.memory_space<vmem>>
        %dma_start3A_226 = tpu.memref_squeeze %dma_start3A_225 : memref<1x128x128xf32, #tpu.memory_space<vmem>> -> memref<128x128xf32, #tpu.memory_space<vmem>>
        %dma_start3A_227 = arith.constant 0 : i32
        %dma_start3A_228 = tpu.memref_slice %arg8[%run_scoped3A_118, %run_scoped3A_119, %dma_start3A_227] : memref<2x2x128xi32, #tpu.memory_space<vmem>> -> memref<1x1x128xi32, #tpu.memory_space<vmem>>
        %dma_start3A_229 = tpu.memref_squeeze %dma_start3A_228 : memref<1x1x128xi32, #tpu.memory_space<vmem>> -> memref<128xi32, #tpu.memory_space<vmem>>
        %dma_start3A_230 = arith.constant 0 : i32
        %dma_start3A_231 = arith.constant 0 : i32
        %dma_start3A_232 = tpu.memref_slice %arg10[%dma_start3A_230, %dma_start3A_231] : memref<10112x128xf32, #tpu.memory_space<vmem_shared>> -> memref<10112x128xf32, #tpu.memory_space<vmem_shared>>
        tpu.enqueue_indirect_dma source(%dma_start3A_226 : memref<128x128xf32, #tpu.memory_space<vmem>>) target(%dma_start3A_232 : memref<10112x128xf32, #tpu.memory_space<vmem_shared>>) offsets(%dma_start3A_229 : memref<128xi32, #tpu.memory_space<vmem>>) semaphore(%run_scoped3A_222 : memref<!tpu.dma_semaphore, #tpu.memory_space<semaphore_mem>>) {add = true}
        %dma_wait3A_233 = arith.constant 0 : i32
        %dma_wait3A_234 = arith.constant 0 : i32
        %dma_wait3A_235 = tpu.memref_slice %arg9[%run_scoped3A, %dma_wait3A_233, %dma_wait3A_234] : memref<2x128x128xf32, #tpu.memory_space<vmem>> -> memref<1x128x128xf32, #tpu.memory_space<vmem>>
        %dma_wait3A_236 = tpu.memref_squeeze %dma_wait3A_235 : memref<1x128x128xf32, #tpu.memory_space<vmem>> -> memref<128x128xf32, #tpu.memory_space<vmem>>
        %dma_wait3A_237 = arith.constant 0 : i32
        %dma_wait3A_238 = tpu.memref_slice %arg8[%run_scoped3A_118, %run_scoped3A_119, %dma_wait3A_237] : memref<2x2x128xi32, #tpu.memory_space<vmem>> -> memref<1x1x128xi32, #tpu.memory_space<vmem>>
        %dma_wait3A_239 = tpu.memref_squeeze %dma_wait3A_238 : memref<1x1x128xi32, #tpu.memory_space<vmem>> -> memref<128xi32, #tpu.memory_space<vmem>>
        %dma_wait3A_240 = arith.constant 0 : i32
        %dma_wait3A_241 = arith.constant 0 : i32
        %dma_wait3A_242 = tpu.memref_slice %arg10[%dma_wait3A_240, %dma_wait3A_241] : memref<10112x128xf32, #tpu.memory_space<vmem_shared>> -> memref<10112x128xf32, #tpu.memory_space<vmem_shared>>
        tpu.wait_indirect_dma semaphore(%run_scoped3A_222 : memref<!tpu.dma_semaphore, #tpu.memory_space<semaphore_mem>>) src(%dma_wait3A_236 : memref<128x128xf32, #tpu.memory_space<vmem>>) dst(%dma_wait3A_242 : memref<10112x128xf32, #tpu.memory_space<vmem_shared>>)
        tpu.yield
      }) : () -> ()
      %lt3A = arith.constant 39 : i32
      %lt3A_120 = arith.cmpi slt, %mul3A_83, %lt3A : i32
      %convert_element_type3A = arith.extui %lt3A_120 : i1 to i32
      %cond3A = arith.constant 0 : i32
      %cond3A_121 = arith.cmpi ne, %convert_element_type3A, %cond3A : i32
      scf.if %cond3A_121 {
        %add3A_222 = arith.constant 2 : i32
        %add3A_223 = arith.addi %add3A_105, %add3A_222 : i32
        %dma_start3A_224 = arith.constant 0 : i32
        %dma_start3A_225 = arith.constant 0 : i32
        %dma_start3A_226 = arith.constant 0 : i32
        %dma_start3A_227 = tpu.memref_slice %arg9[%dma_start3A_224, %dma_start3A_225, %dma_start3A_226] : memref<2x128x128xf32, #tpu.memory_space<vmem>> -> memref<1x128x128xf32, #tpu.memory_space<vmem>>
        %dma_start3A_228 = tpu.memref_squeeze %dma_start3A_227 : memref<1x128x128xf32, #tpu.memory_space<vmem>> -> memref<128x128xf32, #tpu.memory_space<vmem>>
        %dma_start3A_229 = arith.constant 0 : i32
        %dma_start3A_230 = tpu.memref_slice %arg7[%add3A_223, %dma_start3A_229] : memref<80x128xi32, #tpu.memory_space<vmem>> -> memref<1x128xi32, #tpu.memory_space<vmem>>
        %dma_start3A_231 = tpu.memref_squeeze %dma_start3A_230 : memref<1x128xi32, #tpu.memory_space<vmem>> -> memref<128xi32, #tpu.memory_space<vmem>>
        %dma_start3A_232 = arith.constant 0 : i32
        %dma_start3A_233 = arith.constant 0 : i32
        %dma_start3A_234 = tpu.memref_slice %arg2[%dma_start3A_232, %dma_start3A_233] : memref<10000x128xf32, #tpu.memory_space<hbm>> -> memref<10000x128xf32, #tpu.memory_space<hbm>>
        tpu.enqueue_indirect_dma source(%dma_start3A_234 : memref<10000x128xf32, #tpu.memory_space<hbm>>) target(%dma_start3A_228 : memref<128x128xf32, #tpu.memory_space<vmem>>) offsets(%dma_start3A_231 : memref<128xi32, #tpu.memory_space<vmem>>) semaphore(%arg11 : memref<!tpu.dma_semaphore, #tpu.memory_space<semaphore_mem>>)
      } else {
      }
      %add3A_122 = arith.constant 1 : i32
      %add3A_123 = arith.addi %mul3A_85, %add3A_122 : i32
      %dma_wait3A_124 = arith.constant 1 : i32
      %dma_wait3A_125 = arith.constant 1 : i32
      %dma_wait3A_126 = arith.constant 0 : i32
      %dma_wait3A_127 = arith.constant 0 : i32
      %dma_wait3A_128 = tpu.memref_slice %arg9[%dma_wait3A_125, %dma_wait3A_126, %dma_wait3A_127] : memref<2x128x128xf32, #tpu.memory_space<vmem>> -> memref<1x128x128xf32, #tpu.memory_space<vmem>>
      %dma_wait3A_129 = tpu.memref_squeeze %dma_wait3A_128 : memref<1x128x128xf32, #tpu.memory_space<vmem>> -> memref<128x128xf32, #tpu.memory_space<vmem>>
      %dma_wait3A_130 = arith.constant 0 : i32
      %dma_wait3A_131 = tpu.memref_slice %arg7[%dma_wait3A_124, %dma_wait3A_130] : memref<80x128xi32, #tpu.memory_space<vmem>> -> memref<1x128xi32, #tpu.memory_space<vmem>>
      %dma_wait3A_132 = tpu.memref_squeeze %dma_wait3A_131 : memref<1x128xi32, #tpu.memory_space<vmem>> -> memref<128xi32, #tpu.memory_space<vmem>>
      %dma_wait3A_133 = arith.constant 0 : i32
      %dma_wait3A_134 = arith.constant 0 : i32
      %dma_wait3A_135 = tpu.memref_slice %arg2[%dma_wait3A_133, %dma_wait3A_134] : memref<10000x128xf32, #tpu.memory_space<hbm>> -> memref<10000x128xf32, #tpu.memory_space<hbm>>
      tpu.wait_indirect_dma semaphore(%arg12 : memref<!tpu.dma_semaphore, #tpu.memory_space<semaphore_mem>>) src(%dma_wait3A_135 : memref<10000x128xf32, #tpu.memory_space<hbm>>) dst(%dma_wait3A_129 : memref<128x128xf32, #tpu.memory_space<vmem>>)
      %run_scoped3A_136 = arith.constant 1 : i32
      %run_scoped3A_137 = arith.constant 0 : i32
      %run_scoped3A_138 = arith.constant 1 : i32
      "tpu.region"() ({
        %run_scoped3A_222 = tpu.sem_alloc : memref<!tpu.dma_semaphore, #tpu.memory_space<semaphore_mem>>
        %dma_start3A_223 = arith.constant 0 : i32
        %dma_start3A_224 = arith.constant 0 : i32
        %dma_start3A_225 = tpu.memref_slice %arg9[%run_scoped3A_136, %dma_start3A_223, %dma_start3A_224] : memref<2x128x128xf32, #tpu.memory_space<vmem>> -> memref<1x128x128xf32, #tpu.memory_space<vmem>>
        %dma_start3A_226 = tpu.memref_squeeze %dma_start3A_225 : memref<1x128x128xf32, #tpu.memory_space<vmem>> -> memref<128x128xf32, #tpu.memory_space<vmem>>
        %dma_start3A_227 = arith.constant 0 : i32
        %dma_start3A_228 = tpu.memref_slice %arg8[%run_scoped3A_137, %run_scoped3A_138, %dma_start3A_227] : memref<2x2x128xi32, #tpu.memory_space<vmem>> -> memref<1x1x128xi32, #tpu.memory_space<vmem>>
        %dma_start3A_229 = tpu.memref_squeeze %dma_start3A_228 : memref<1x1x128xi32, #tpu.memory_space<vmem>> -> memref<128xi32, #tpu.memory_space<vmem>>
        %dma_start3A_230 = arith.constant 0 : i32
        %dma_start3A_231 = arith.constant 0 : i32
        %dma_start3A_232 = tpu.memref_slice %arg10[%dma_start3A_230, %dma_start3A_231] : memref<10112x128xf32, #tpu.memory_space<vmem_shared>> -> memref<10112x128xf32, #tpu.memory_space<vmem_shared>>
        tpu.enqueue_indirect_dma source(%dma_start3A_226 : memref<128x128xf32, #tpu.memory_space<vmem>>) target(%dma_start3A_232 : memref<10112x128xf32, #tpu.memory_space<vmem_shared>>) offsets(%dma_start3A_229 : memref<128xi32, #tpu.memory_space<vmem>>) semaphore(%run_scoped3A_222 : memref<!tpu.dma_semaphore, #tpu.memory_space<semaphore_mem>>) {add = true}
        %dma_wait3A_233 = arith.constant 0 : i32
        %dma_wait3A_234 = arith.constant 0 : i32
        %dma_wait3A_235 = tpu.memref_slice %arg9[%run_scoped3A_136, %dma_wait3A_233, %dma_wait3A_234] : memref<2x128x128xf32, #tpu.memory_space<vmem>> -> memref<1x128x128xf32, #tpu.memory_space<vmem>>
        %dma_wait3A_236 = tpu.memref_squeeze %dma_wait3A_235 : memref<1x128x128xf32, #tpu.memory_space<vmem>> -> memref<128x128xf32, #tpu.memory_space<vmem>>
        %dma_wait3A_237 = arith.constant 0 : i32
        %dma_wait3A_238 = tpu.memref_slice %arg8[%run_scoped3A_137, %run_scoped3A_138, %dma_wait3A_237] : memref<2x2x128xi32, #tpu.memory_space<vmem>> -> memref<1x1x128xi32, #tpu.memory_space<vmem>>
        %dma_wait3A_239 = tpu.memref_squeeze %dma_wait3A_238 : memref<1x1x128xi32, #tpu.memory_space<vmem>> -> memref<128xi32, #tpu.memory_space<vmem>>
        %dma_wait3A_240 = arith.constant 0 : i32
        %dma_wait3A_241 = arith.constant 0 : i32
        %dma_wait3A_242 = tpu.memref_slice %arg10[%dma_wait3A_240, %dma_wait3A_241] : memref<10112x128xf32, #tpu.memory_space<vmem_shared>> -> memref<10112x128xf32, #tpu.memory_space<vmem_shared>>
        tpu.wait_indirect_dma semaphore(%run_scoped3A_222 : memref<!tpu.dma_semaphore, #tpu.memory_space<semaphore_mem>>) src(%dma_wait3A_236 : memref<128x128xf32, #tpu.memory_space<vmem>>) dst(%dma_wait3A_242 : memref<10112x128xf32, #tpu.memory_space<vmem_shared>>)
        tpu.yield
      }) : () -> ()
      %lt3A_139 = arith.constant 39 : i32
      %lt3A_140 = arith.cmpi slt, %mul3A_83, %lt3A_139 : i32
      %convert_element_type3A_141 = arith.extui %lt3A_140 : i1 to i32
      %cond3A_142 = arith.constant 0 : i32
      %cond3A_143 = arith.cmpi ne, %convert_element_type3A_141, %cond3A_142 : i32
      scf.if %cond3A_143 {
        %add3A_222 = arith.constant 2 : i32
        %add3A_223 = arith.addi %add3A_123, %add3A_222 : i32
        %dma_start3A_224 = arith.constant 1 : i32
        %dma_start3A_225 = arith.constant 0 : i32
        %dma_start3A_226 = arith.constant 0 : i32
        %dma_start3A_227 = tpu.memref_slice %arg9[%dma_start3A_224, %dma_start3A_225, %dma_start3A_226] : memref<2x128x128xf32, #tpu.memory_space<vmem>> -> memref<1x128x128xf32, #tpu.memory_space<vmem>>
        %dma_start3A_228 = tpu.memref_squeeze %dma_start3A_227 : memref<1x128x128xf32, #tpu.memory_space<vmem>> -> memref<128x128xf32, #tpu.memory_space<vmem>>
        %dma_start3A_229 = arith.constant 0 : i32
        %dma_start3A_230 = tpu.memref_slice %arg7[%add3A_223, %dma_start3A_229] : memref<80x128xi32, #tpu.memory_space<vmem>> -> memref<1x128xi32, #tpu.memory_space<vmem>>
        %dma_start3A_231 = tpu.memref_squeeze %dma_start3A_230 : memref<1x128xi32, #tpu.memory_space<vmem>> -> memref<128xi32, #tpu.memory_space<vmem>>
        %dma_start3A_232 = arith.constant 0 : i32
        %dma_start3A_233 = arith.constant 0 : i32
        %dma_start3A_234 = tpu.memref_slice %arg2[%dma_start3A_232, %dma_start3A_233] : memref<10000x128xf32, #tpu.memory_space<hbm>> -> memref<10000x128xf32, #tpu.memory_space<hbm>>
        tpu.enqueue_indirect_dma source(%dma_start3A_234 : memref<10000x128xf32, #tpu.memory_space<hbm>>) target(%dma_start3A_228 : memref<128x128xf32, #tpu.memory_space<vmem>>) offsets(%dma_start3A_231 : memref<128xi32, #tpu.memory_space<vmem>>) semaphore(%arg12 : memref<!tpu.dma_semaphore, #tpu.memory_space<semaphore_mem>>)
      } else {
      }
      %lt3A_144 = arith.constant 38 : i32
      %lt3A_145 = arith.cmpi slt, %mul3A_83, %lt3A_144 : i32
      %convert_element_type3A_146 = arith.extui %lt3A_145 : i1 to i32
      %cond3A_147 = arith.constant 0 : i32
      %cond3A_148 = arith.cmpi ne, %convert_element_type3A_146, %cond3A_147 : i32
      scf.if %cond3A_148 {
        %add3A_222 = arith.constant 2 : i32
        %add3A_223 = arith.addi %mul3A_83, %add3A_222 : i32
        %mul3A_224 = arith.constant 80 : i32
        %mul3A_225 = arith.muli %add3A, %mul3A_224 : i32
        %mul3A_226 = arith.constant 2 : i32
        %mul3A_227 = arith.muli %add3A_223, %mul3A_226 : i32
        %add3A_228 = arith.addi %mul3A_225, %mul3A_227 : i32
        %dma_start3A_229 = arith.constant 0 : i32
        %dma_start3A_230 = arith.constant 0 : i32
        %dma_start3A_231 = arith.constant 0 : i32
        %dma_start3A_232 = tpu.memref_slice %arg8[%dma_start3A_229, %dma_start3A_230, %dma_start3A_231] : memref<2x2x128xi32, #tpu.memory_space<vmem>> -> memref<1x2x128xi32, #tpu.memory_space<vmem>>
        %dma_start3A_233 = tpu.memref_squeeze %dma_start3A_232 : memref<1x2x128xi32, #tpu.memory_space<vmem>> -> memref<2x128xi32, #tpu.memory_space<vmem>>
        %dma_start3A_234 = arith.constant 0 : i32
        %dma_start3A_235 = tpu.memref_slice %arg3[%add3A_228, %dma_start3A_234] : memref<2560x128xi32, #tpu.memory_space<hbm>> -> memref<2x128xi32, #tpu.memory_space<hbm>>
        %dma_start3A_236 = arith.constant 0 : i32
        %dma_start3A_237 = arith.constant 0 : i32
        %dma_start3A_238 = tpu.memref_slice %arg8[%dma_start3A_229, %dma_start3A_236, %dma_start3A_237] : memref<2x2x128xi32, #tpu.memory_space<vmem>> -> memref<1x2x128xi32, #tpu.memory_space<vmem>>
        %dma_start3A_239 = tpu.memref_squeeze %dma_start3A_238 : memref<1x2x128xi32, #tpu.memory_space<vmem>> -> memref<2x128xi32, #tpu.memory_space<vmem>>
        %dma_start3A_240 = arith.constant 0 : i32
        %dma_start3A_241 = tpu.memref_slice %arg3[%add3A_228, %dma_start3A_240] : memref<2560x128xi32, #tpu.memory_space<hbm>> -> memref<2x128xi32, #tpu.memory_space<hbm>>
        tpu.enqueue_dma source(%dma_start3A_241 : memref<2x128xi32, #tpu.memory_space<hbm>>) target(%dma_start3A_239 : memref<2x128xi32, #tpu.memory_space<vmem>>) target_semaphore(%arg13 : memref<!tpu.dma_semaphore, #tpu.memory_space<semaphore_mem>>)
      } else {
      }
      %mul3A_149 = arith.constant 2 : i32
      %mul3A_150 = arith.muli %mul3A_149, %scan3A_81 : i32
      %add3A_151 = arith.constant 1 : i32
      %add3A_152 = arith.addi %mul3A_150, %add3A_151 : i32
      %mul3A_153 = arith.constant 2 : i32
      %mul3A_154 = arith.muli %add3A_152, %mul3A_153 : i32
      %mul3A_155 = arith.constant 80 : i32
      %mul3A_156 = arith.muli %add3A, %mul3A_155 : i32
      %mul3A_157 = arith.constant 2 : i32
      %mul3A_158 = arith.muli %add3A_152, %mul3A_157 : i32
      %add3A_159 = arith.addi %mul3A_156, %mul3A_158 : i32
      %dma_wait3A_160 = arith.constant 1 : i32
      %dma_wait3A_161 = arith.constant 0 : i32
      %dma_wait3A_162 = arith.constant 0 : i32
      %dma_wait3A_163 = tpu.memref_slice %arg8[%dma_wait3A_160, %dma_wait3A_161, %dma_wait3A_162] : memref<2x2x128xi32, #tpu.memory_space<vmem>> -> memref<1x2x128xi32, #tpu.memory_space<vmem>>
      %dma_wait3A_164 = tpu.memref_squeeze %dma_wait3A_163 : memref<1x2x128xi32, #tpu.memory_space<vmem>> -> memref<2x128xi32, #tpu.memory_space<vmem>>
      %dma_wait3A_165 = arith.constant 0 : i32
      %dma_wait3A_166 = tpu.memref_slice %arg3[%add3A_159, %dma_wait3A_165] : memref<2560x128xi32, #tpu.memory_space<hbm>> -> memref<2x128xi32, #tpu.memory_space<hbm>>
      %dma_wait3A_167 = arith.constant 0 : i32
      %dma_wait3A_168 = arith.constant 0 : i32
      %dma_wait3A_169 = tpu.memref_slice %arg8[%dma_wait3A_160, %dma_wait3A_167, %dma_wait3A_168] : memref<2x2x128xi32, #tpu.memory_space<vmem>> -> memref<1x2x128xi32, #tpu.memory_space<vmem>>
      %dma_wait3A_170 = tpu.memref_squeeze %dma_wait3A_169 : memref<1x2x128xi32, #tpu.memory_space<vmem>> -> memref<2x128xi32, #tpu.memory_space<vmem>>
      %dma_wait3A_171 = arith.constant 0 : i32
      %dma_wait3A_172 = tpu.memref_slice %arg3[%add3A_159, %dma_wait3A_171] : memref<2560x128xi32, #tpu.memory_space<hbm>> -> memref<2x128xi32, #tpu.memory_space<hbm>>
      tpu.wait_dma2 semaphore(%arg14 : memref<!tpu.dma_semaphore, #tpu.memory_space<semaphore_mem>>) src(%dma_wait3A_172 : memref<2x128xi32, #tpu.memory_space<hbm>>) dst(%dma_wait3A_170 : memref<2x128xi32, #tpu.memory_space<vmem>>)
      %add3A_173 = arith.constant 0 : i32
      %add3A_174 = arith.addi %mul3A_154, %add3A_173 : i32
      %dma_wait3A_175 = arith.constant 0 : i32
      %dma_wait3A_176 = arith.constant 0 : i32
      %dma_wait3A_177 = arith.constant 0 : i32
      %dma_wait3A_178 = arith.constant 0 : i32
      %dma_wait3A_179 = tpu.memref_slice %arg9[%dma_wait3A_176, %dma_wait3A_177, %dma_wait3A_178] : memref<2x128x128xf32, #tpu.memory_space<vmem>> -> memref<1x128x128xf32, #tpu.memory_space<vmem>>
      %dma_wait3A_180 = tpu.memref_squeeze %dma_wait3A_179 : memref<1x128x128xf32, #tpu.memory_space<vmem>> -> memref<128x128xf32, #tpu.memory_space<vmem>>
      %dma_wait3A_181 = arith.constant 0 : i32
      %dma_wait3A_182 = tpu.memref_slice %arg7[%dma_wait3A_175, %dma_wait3A_181] : memref<80x128xi32, #tpu.memory_space<vmem>> -> memref<1x128xi32, #tpu.memory_space<vmem>>
      %dma_wait3A_183 = tpu.memref_squeeze %dma_wait3A_182 : memref<1x128xi32, #tpu.memory_space<vmem>> -> memref<128xi32, #tpu.memory_space<vmem>>
      %dma_wait3A_184 = arith.constant 0 : i32
      %dma_wait3A_185 = arith.constant 0 : i32
      %dma_wait3A_186 = tpu.memref_slice %arg2[%dma_wait3A_184, %dma_wait3A_185] : memref<10000x128xf32, #tpu.memory_space<hbm>> -> memref<10000x128xf32, #tpu.memory_space<hbm>>
      tpu.wait_indirect_dma semaphore(%arg11 : memref<!tpu.dma_semaphore, #tpu.memory_space<semaphore_mem>>) src(%dma_wait3A_186 : memref<10000x128xf32, #tpu.memory_space<hbm>>) dst(%dma_wait3A_180 : memref<128x128xf32, #tpu.memory_space<vmem>>)
      %run_scoped3A_187 = arith.constant 0 : i32
      %run_scoped3A_188 = arith.constant 1 : i32
      %run_scoped3A_189 = arith.constant 0 : i32
      "tpu.region"() ({
        %run_scoped3A_222 = tpu.sem_alloc : memref<!tpu.dma_semaphore, #tpu.memory_space<semaphore_mem>>
        %dma_start3A_223 = arith.constant 0 : i32
        %dma_start3A_224 = arith.constant 0 : i32
        %dma_start3A_225 = tpu.memref_slice %arg9[%run_scoped3A_187, %dma_start3A_223, %dma_start3A_224] : memref<2x128x128xf32, #tpu.memory_space<vmem>> -> memref<1x128x128xf32, #tpu.memory_space<vmem>>
        %dma_start3A_226 = tpu.memref_squeeze %dma_start3A_225 : memref<1x128x128xf32, #tpu.memory_space<vmem>> -> memref<128x128xf32, #tpu.memory_space<vmem>>
        %dma_start3A_227 = arith.constant 0 : i32
        %dma_start3A_228 = tpu.memref_slice %arg8[%run_scoped3A_188, %run_scoped3A_189, %dma_start3A_227] : memref<2x2x128xi32, #tpu.memory_space<vmem>> -> memref<1x1x128xi32, #tpu.memory_space<vmem>>
        %dma_start3A_229 = tpu.memref_squeeze %dma_start3A_228 : memref<1x1x128xi32, #tpu.memory_space<vmem>> -> memref<128xi32, #tpu.memory_space<vmem>>
        %dma_start3A_230 = arith.constant 0 : i32
        %dma_start3A_231 = arith.constant 0 : i32
        %dma_start3A_232 = tpu.memref_slice %arg10[%dma_start3A_230, %dma_start3A_231] : memref<10112x128xf32, #tpu.memory_space<vmem_shared>> -> memref<10112x128xf32, #tpu.memory_space<vmem_shared>>
        tpu.enqueue_indirect_dma source(%dma_start3A_226 : memref<128x128xf32, #tpu.memory_space<vmem>>) target(%dma_start3A_232 : memref<10112x128xf32, #tpu.memory_space<vmem_shared>>) offsets(%dma_start3A_229 : memref<128xi32, #tpu.memory_space<vmem>>) semaphore(%run_scoped3A_222 : memref<!tpu.dma_semaphore, #tpu.memory_space<semaphore_mem>>) {add = true}
        %dma_wait3A_233 = arith.constant 0 : i32
        %dma_wait3A_234 = arith.constant 0 : i32
        %dma_wait3A_235 = tpu.memref_slice %arg9[%run_scoped3A_187, %dma_wait3A_233, %dma_wait3A_234] : memref<2x128x128xf32, #tpu.memory_space<vmem>> -> memref<1x128x128xf32, #tpu.memory_space<vmem>>
        %dma_wait3A_236 = tpu.memref_squeeze %dma_wait3A_235 : memref<1x128x128xf32, #tpu.memory_space<vmem>> -> memref<128x128xf32, #tpu.memory_space<vmem>>
        %dma_wait3A_237 = arith.constant 0 : i32
        %dma_wait3A_238 = tpu.memref_slice %arg8[%run_scoped3A_188, %run_scoped3A_189, %dma_wait3A_237] : memref<2x2x128xi32, #tpu.memory_space<vmem>> -> memref<1x1x128xi32, #tpu.memory_space<vmem>>
        %dma_wait3A_239 = tpu.memref_squeeze %dma_wait3A_238 : memref<1x1x128xi32, #tpu.memory_space<vmem>> -> memref<128xi32, #tpu.memory_space<vmem>>
        %dma_wait3A_240 = arith.constant 0 : i32
        %dma_wait3A_241 = arith.constant 0 : i32
        %dma_wait3A_242 = tpu.memref_slice %arg10[%dma_wait3A_240, %dma_wait3A_241] : memref<10112x128xf32, #tpu.memory_space<vmem_shared>> -> memref<10112x128xf32, #tpu.memory_space<vmem_shared>>
        tpu.wait_indirect_dma semaphore(%run_scoped3A_222 : memref<!tpu.dma_semaphore, #tpu.memory_space<semaphore_mem>>) src(%dma_wait3A_236 : memref<128x128xf32, #tpu.memory_space<vmem>>) dst(%dma_wait3A_242 : memref<10112x128xf32, #tpu.memory_space<vmem_shared>>)
        tpu.yield
      }) : () -> ()
      %lt3A_190 = arith.constant 39 : i32
      %lt3A_191 = arith.cmpi slt, %add3A_152, %lt3A_190 : i32
      %convert_element_type3A_192 = arith.extui %lt3A_191 : i1 to i32
      %cond3A_193 = arith.constant 0 : i32
      %cond3A_194 = arith.cmpi ne, %convert_element_type3A_192, %cond3A_193 : i32
      scf.if %cond3A_194 {
        %add3A_222 = arith.constant 2 : i32
        %add3A_223 = arith.addi %add3A_174, %add3A_222 : i32
        %dma_start3A_224 = arith.constant 0 : i32
        %dma_start3A_225 = arith.constant 0 : i32
        %dma_start3A_226 = arith.constant 0 : i32
        %dma_start3A_227 = tpu.memref_slice %arg9[%dma_start3A_224, %dma_start3A_225, %dma_start3A_226] : memref<2x128x128xf32, #tpu.memory_space<vmem>> -> memref<1x128x128xf32, #tpu.memory_space<vmem>>
        %dma_start3A_228 = tpu.memref_squeeze %dma_start3A_227 : memref<1x128x128xf32, #tpu.memory_space<vmem>> -> memref<128x128xf32, #tpu.memory_space<vmem>>
        %dma_start3A_229 = arith.constant 0 : i32
        %dma_start3A_230 = tpu.memref_slice %arg7[%add3A_223, %dma_start3A_229] : memref<80x128xi32, #tpu.memory_space<vmem>> -> memref<1x128xi32, #tpu.memory_space<vmem>>
        %dma_start3A_231 = tpu.memref_squeeze %dma_start3A_230 : memref<1x128xi32, #tpu.memory_space<vmem>> -> memref<128xi32, #tpu.memory_space<vmem>>
        %dma_start3A_232 = arith.constant 0 : i32
        %dma_start3A_233 = arith.constant 0 : i32
        %dma_start3A_234 = tpu.memref_slice %arg2[%dma_start3A_232, %dma_start3A_233] : memref<10000x128xf32, #tpu.memory_space<hbm>> -> memref<10000x128xf32, #tpu.memory_space<hbm>>
        tpu.enqueue_indirect_dma source(%dma_start3A_234 : memref<10000x128xf32, #tpu.memory_space<hbm>>) target(%dma_start3A_228 : memref<128x128xf32, #tpu.memory_space<vmem>>) offsets(%dma_start3A_231 : memref<128xi32, #tpu.memory_space<vmem>>) semaphore(%arg11 : memref<!tpu.dma_semaphore, #tpu.memory_space<semaphore_mem>>)
      } else {
      }
      %add3A_195 = arith.constant 1 : i32
      %add3A_196 = arith.addi %mul3A_154, %add3A_195 : i32
      %dma_wait3A_197 = arith.constant 1 : i32
      %dma_wait3A_198 = arith.constant 1 : i32
      %dma_wait3A_199 = arith.constant 0 : i32
      %dma_wait3A_200 = arith.constant 0 : i32
      %dma_wait3A_201 = tpu.memref_slice %arg9[%dma_wait3A_198, %dma_wait3A_199, %dma_wait3A_200] : memref<2x128x128xf32, #tpu.memory_space<vmem>> -> memref<1x128x128xf32, #tpu.memory_space<vmem>>
      %dma_wait3A_202 = tpu.memref_squeeze %dma_wait3A_201 : memref<1x128x128xf32, #tpu.memory_space<vmem>> -> memref<128x128xf32, #tpu.memory_space<vmem>>
      %dma_wait3A_203 = arith.constant 0 : i32
      %dma_wait3A_204 = tpu.memref_slice %arg7[%dma_wait3A_197, %dma_wait3A_203] : memref<80x128xi32, #tpu.memory_space<vmem>> -> memref<1x128xi32, #tpu.memory_space<vmem>>
      %dma_wait3A_205 = tpu.memref_squeeze %dma_wait3A_204 : memref<1x128xi32, #tpu.memory_space<vmem>> -> memref<128xi32, #tpu.memory_space<vmem>>
      %dma_wait3A_206 = arith.constant 0 : i32
      %dma_wait3A_207 = arith.constant 0 : i32
      %dma_wait3A_208 = tpu.memref_slice %arg2[%dma_wait3A_206, %dma_wait3A_207] : memref<10000x128xf32, #tpu.memory_space<hbm>> -> memref<10000x128xf32, #tpu.memory_space<hbm>>
      tpu.wait_indirect_dma semaphore(%arg12 : memref<!tpu.dma_semaphore, #tpu.memory_space<semaphore_mem>>) src(%dma_wait3A_208 : memref<10000x128xf32, #tpu.memory_space<hbm>>) dst(%dma_wait3A_202 : memref<128x128xf32, #tpu.memory_space<vmem>>)
      %run_scoped3A_209 = arith.constant 1 : i32
      %run_scoped3A_210 = arith.constant 1 : i32
      %run_scoped3A_211 = arith.constant 1 : i32
      "tpu.region"() ({
        %run_scoped3A_222 = tpu.sem_alloc : memref<!tpu.dma_semaphore, #tpu.memory_space<semaphore_mem>>
        %dma_start3A_223 = arith.constant 0 : i32
        %dma_start3A_224 = arith.constant 0 : i32
        %dma_start3A_225 = tpu.memref_slice %arg9[%run_scoped3A_209, %dma_start3A_223, %dma_start3A_224] : memref<2x128x128xf32, #tpu.memory_space<vmem>> -> memref<1x128x128xf32, #tpu.memory_space<vmem>>
        %dma_start3A_226 = tpu.memref_squeeze %dma_start3A_225 : memref<1x128x128xf32, #tpu.memory_space<vmem>> -> memref<128x128xf32, #tpu.memory_space<vmem>>
        %dma_start3A_227 = arith.constant 0 : i32
        %dma_start3A_228 = tpu.memref_slice %arg8[%run_scoped3A_210, %run_scoped3A_211, %dma_start3A_227] : memref<2x2x128xi32, #tpu.memory_space<vmem>> -> memref<1x1x128xi32, #tpu.memory_space<vmem>>
        %dma_start3A_229 = tpu.memref_squeeze %dma_start3A_228 : memref<1x1x128xi32, #tpu.memory_space<vmem>> -> memref<128xi32, #tpu.memory_space<vmem>>
        %dma_start3A_230 = arith.constant 0 : i32
        %dma_start3A_231 = arith.constant 0 : i32
        %dma_start3A_232 = tpu.memref_slice %arg10[%dma_start3A_230, %dma_start3A_231] : memref<10112x128xf32, #tpu.memory_space<vmem_shared>> -> memref<10112x128xf32, #tpu.memory_space<vmem_shared>>
        tpu.enqueue_indirect_dma source(%dma_start3A_226 : memref<128x128xf32, #tpu.memory_space<vmem>>) target(%dma_start3A_232 : memref<10112x128xf32, #tpu.memory_space<vmem_shared>>) offsets(%dma_start3A_229 : memref<128xi32, #tpu.memory_space<vmem>>) semaphore(%run_scoped3A_222 : memref<!tpu.dma_semaphore, #tpu.memory_space<semaphore_mem>>) {add = true}
        %dma_wait3A_233 = arith.constant 0 : i32
        %dma_wait3A_234 = arith.constant 0 : i32
        %dma_wait3A_235 = tpu.memref_slice %arg9[%run_scoped3A_209, %dma_wait3A_233, %dma_wait3A_234] : memref<2x128x128xf32, #tpu.memory_space<vmem>> -> memref<1x128x128xf32, #tpu.memory_space<vmem>>
        %dma_wait3A_236 = tpu.memref_squeeze %dma_wait3A_235 : memref<1x128x128xf32, #tpu.memory_space<vmem>> -> memref<128x128xf32, #tpu.memory_space<vmem>>
        %dma_wait3A_237 = arith.constant 0 : i32
        %dma_wait3A_238 = tpu.memref_slice %arg8[%run_scoped3A_210, %run_scoped3A_211, %dma_wait3A_237] : memref<2x2x128xi32, #tpu.memory_space<vmem>> -> memref<1x1x128xi32, #tpu.memory_space<vmem>>
        %dma_wait3A_239 = tpu.memref_squeeze %dma_wait3A_238 : memref<1x1x128xi32, #tpu.memory_space<vmem>> -> memref<128xi32, #tpu.memory_space<vmem>>
        %dma_wait3A_240 = arith.constant 0 : i32
        %dma_wait3A_241 = arith.constant 0 : i32
        %dma_wait3A_242 = tpu.memref_slice %arg10[%dma_wait3A_240, %dma_wait3A_241] : memref<10112x128xf32, #tpu.memory_space<vmem_shared>> -> memref<10112x128xf32, #tpu.memory_space<vmem_shared>>
        tpu.wait_indirect_dma semaphore(%run_scoped3A_222 : memref<!tpu.dma_semaphore, #tpu.memory_space<semaphore_mem>>) src(%dma_wait3A_236 : memref<128x128xf32, #tpu.memory_space<vmem>>) dst(%dma_wait3A_242 : memref<10112x128xf32, #tpu.memory_space<vmem_shared>>)
        tpu.yield
      }) : () -> ()
      %lt3A_212 = arith.constant 39 : i32
      %lt3A_213 = arith.cmpi slt, %add3A_152, %lt3A_212 : i32
      %convert_element_type3A_214 = arith.extui %lt3A_213 : i1 to i32
      %cond3A_215 = arith.constant 0 : i32
      %cond3A_216 = arith.cmpi ne, %convert_element_type3A_214, %cond3A_215 : i32
      scf.if %cond3A_216 {
        %add3A_222 = arith.constant 2 : i32
        %add3A_223 = arith.addi %add3A_196, %add3A_222 : i32
        %dma_start3A_224 = arith.constant 1 : i32
        %dma_start3A_225 = arith.constant 0 : i32
        %dma_start3A_226 = arith.constant 0 : i32
        %dma_start3A_227 = tpu.memref_slice %arg9[%dma_start3A_224, %dma_start3A_225, %dma_start3A_226] : memref<2x128x128xf32, #tpu.memory_space<vmem>> -> memref<1x128x128xf32, #tpu.memory_space<vmem>>
        %dma_start3A_228 = tpu.memref_squeeze %dma_start3A_227 : memref<1x128x128xf32, #tpu.memory_space<vmem>> -> memref<128x128xf32, #tpu.memory_space<vmem>>
        %dma_start3A_229 = arith.constant 0 : i32
        %dma_start3A_230 = tpu.memref_slice %arg7[%add3A_223, %dma_start3A_229] : memref<80x128xi32, #tpu.memory_space<vmem>> -> memref<1x128xi32, #tpu.memory_space<vmem>>
        %dma_start3A_231 = tpu.memref_squeeze %dma_start3A_230 : memref<1x128xi32, #tpu.memory_space<vmem>> -> memref<128xi32, #tpu.memory_space<vmem>>
        %dma_start3A_232 = arith.constant 0 : i32
        %dma_start3A_233 = arith.constant 0 : i32
        %dma_start3A_234 = tpu.memref_slice %arg2[%dma_start3A_232, %dma_start3A_233] : memref<10000x128xf32, #tpu.memory_space<hbm>> -> memref<10000x128xf32, #tpu.memory_space<hbm>>
        tpu.enqueue_indirect_dma source(%dma_start3A_234 : memref<10000x128xf32, #tpu.memory_space<hbm>>) target(%dma_start3A_228 : memref<128x128xf32, #tpu.memory_space<vmem>>) offsets(%dma_start3A_231 : memref<128xi32, #tpu.memory_space<vmem>>) semaphore(%arg12 : memref<!tpu.dma_semaphore, #tpu.memory_space<semaphore_mem>>)
      } else {
      }
      %lt3A_217 = arith.constant 38 : i32
      %lt3A_218 = arith.cmpi slt, %add3A_152, %lt3A_217 : i32
      %convert_element_type3A_219 = arith.extui %lt3A_218 : i1 to i32
      %cond3A_220 = arith.constant 0 : i32
      %cond3A_221 = arith.cmpi ne, %convert_element_type3A_219, %cond3A_220 : i32
      scf.if %cond3A_221 {
        %add3A_222 = arith.constant 2 : i32
        %add3A_223 = arith.addi %add3A_152, %add3A_222 : i32
        %mul3A_224 = arith.constant 80 : i32
        %mul3A_225 = arith.muli %add3A, %mul3A_224 : i32
        %mul3A_226 = arith.constant 2 : i32
        %mul3A_227 = arith.muli %add3A_223, %mul3A_226 : i32
        %add3A_228 = arith.addi %mul3A_225, %mul3A_227 : i32
        %dma_start3A_229 = arith.constant 1 : i32
        %dma_start3A_230 = arith.constant 0 : i32
        %dma_start3A_231 = arith.constant 0 : i32
        %dma_start3A_232 = tpu.memref_slice %arg8[%dma_start3A_229, %dma_start3A_230, %dma_start3A_231] : memref<2x2x128xi32, #tpu.memory_space<vmem>> -> memref<1x2x128xi32, #tpu.memory_space<vmem>>
        %dma_start3A_233 = tpu.memref_squeeze %dma_start3A_232 : memref<1x2x128xi32, #tpu.memory_space<vmem>> -> memref<2x128xi32, #tpu.memory_space<vmem>>
        %dma_start3A_234 = arith.constant 0 : i32
        %dma_start3A_235 = tpu.memref_slice %arg3[%add3A_228, %dma_start3A_234] : memref<2560x128xi32, #tpu.memory_space<hbm>> -> memref<2x128xi32, #tpu.memory_space<hbm>>
        %dma_start3A_236 = arith.constant 0 : i32
        %dma_start3A_237 = arith.constant 0 : i32
        %dma_start3A_238 = tpu.memref_slice %arg8[%dma_start3A_229, %dma_start3A_236, %dma_start3A_237] : memref<2x2x128xi32, #tpu.memory_space<vmem>> -> memref<1x2x128xi32, #tpu.memory_space<vmem>>
        %dma_start3A_239 = tpu.memref_squeeze %dma_start3A_238 : memref<1x2x128xi32, #tpu.memory_space<vmem>> -> memref<2x128xi32, #tpu.memory_space<vmem>>
        %dma_start3A_240 = arith.constant 0 : i32
        %dma_start3A_241 = tpu.memref_slice %arg3[%add3A_228, %dma_start3A_240] : memref<2560x128xi32, #tpu.memory_space<hbm>> -> memref<2x128xi32, #tpu.memory_space<hbm>>
        tpu.enqueue_dma source(%dma_start3A_241 : memref<2x128xi32, #tpu.memory_space<hbm>>) target(%dma_start3A_239 : memref<2x128xi32, #tpu.memory_space<vmem>>) target_semaphore(%arg14 : memref<!tpu.dma_semaphore, #tpu.memory_space<semaphore_mem>>)
      } else {
      }
    }
    %scan3A_75 = arith.constant 20 : i32
    %barrier3A_76 = arith.constant 0 : index
    tpu.barrier barrier_id(%barrier3A_76)
    %mul3A_77 = arith.constant 632 : i32
    %mul3A_78 = arith.muli %arg1, %mul3A_77 : i32
    %mul3A_79 = arith.constant 632 : i32
    %mul3A_80 = arith.muli %arg1, %mul3A_79 : i32
    "tpu.region"() ({
      %run_scoped3A = tpu.sem_alloc : memref<!tpu.dma_semaphore, #tpu.memory_space<semaphore_mem>>
      %dma_start3A_81 = arith.constant 0 : i32
      %dma_start3A_82 = tpu.memref_slice %arg6[%arg0, %mul3A_80, %dma_start3A_81] : memref<2x10112x128xf32, #tpu.memory_space<hbm>> -> memref<1x632x128xf32, #tpu.memory_space<hbm>>
      %dma_start3A_83 = tpu.memref_squeeze %dma_start3A_82 : memref<1x632x128xf32, #tpu.memory_space<hbm>> -> memref<632x128xf32, #tpu.memory_space<hbm>>
      %dma_start3A_84 = arith.constant 0 : i32
      %dma_start3A_85 = tpu.memref_slice %arg10[%mul3A_78, %dma_start3A_84] : memref<10112x128xf32, #tpu.memory_space<vmem_shared>> -> memref<632x128xf32, #tpu.memory_space<vmem_shared>>
      tpu.enqueue_dma source(%dma_start3A_85 : memref<632x128xf32, #tpu.memory_space<vmem_shared>>) target(%dma_start3A_83 : memref<632x128xf32, #tpu.memory_space<hbm>>) target_semaphore(%run_scoped3A : memref<!tpu.dma_semaphore, #tpu.memory_space<semaphore_mem>>)
      %dma_wait3A_86 = arith.constant 0 : i32
      %dma_wait3A_87 = tpu.memref_slice %arg6[%arg0, %mul3A_80, %dma_wait3A_86] : memref<2x10112x128xf32, #tpu.memory_space<hbm>> -> memref<1x632x128xf32, #tpu.memory_space<hbm>>
      %dma_wait3A_88 = tpu.memref_squeeze %dma_wait3A_87 : memref<1x632x128xf32, #tpu.memory_space<hbm>> -> memref<632x128xf32, #tpu.memory_space<hbm>>
      %dma_wait3A_89 = arith.constant 0 : i32
      %dma_wait3A_90 = tpu.memref_slice %arg10[%mul3A_78, %dma_wait3A_89] : memref<10112x128xf32, #tpu.memory_space<vmem_shared>> -> memref<632x128xf32, #tpu.memory_space<vmem_shared>>
      tpu.wait_dma2 semaphore(%run_scoped3A : memref<!tpu.dma_semaphore, #tpu.memory_space<semaphore_mem>>) src(%dma_wait3A_90 : memref<632x128xf32, #tpu.memory_space<vmem_shared>>) dst(%dma_wait3A_88 : memref<632x128xf32, #tpu.memory_space<hbm>>)
      tpu.yield
    }) : () -> ()
    return
  }
}

module attributes {stable_mosaic.version = 14 : i64} {
  func.func @_tc_a_body(%arg0: i32, %arg1: memref<1000x128xf32, #tpu.memory_space<vmem>>, %arg2: memref<128x128xf32, #tpu.memory_space<vmem>>, %arg3: memref<1000x1xf32, #tpu.memory_space<vmem>>, %arg4: memref<1000x1xf32, #tpu.memory_space<vmem>>, %arg5: memref<1000x128xf32, #tpu.memory_space<vmem>>) attributes {dimension_semantics = [#tpu.dimension_semantics<arbitrary>], iteration_bounds = array<i64: 10>, scalar_prefetch = 0 : i64, scratch_operands = 0 : i64, tpu.core_type = #tpu.core_type<tc>, window_params = [{transform_indices = @transform_0, window_bounds = array<i64: 1000, 128>}, {pipeline_mode = #tpu.pipeline_mode<synchronous>, transform_indices = @transform_1, window_bounds = array<i64: 128, 128>}, {transform_indices = @transform_2, window_bounds = array<i64: 1000, 1>}, {transform_indices = @transform_3, window_bounds = array<i64: 1000, 1>}, {transform_indices = @transform_4, window_bounds = array<i64: 1000, 128>}]} {
    %get3A = arith.constant 0 : index
    %get3A_0 = arith.constant 0 : index
    %get3A_1 = vector.load %arg1[%get3A, %get3A_0] : memref<1000x128xf32, #tpu.memory_space<vmem>>, vector<1000x128xf32>
    %get3A_2 = arith.constant 0 : index
    %get3A_3 = arith.constant 0 : index
    %get3A_4 = vector.load %arg2[%get3A_2, %get3A_3] : memref<128x128xf32, #tpu.memory_space<vmem>>, vector<128x128xf32>
    %dot_general3A = arith.constant dense<0.000000e+00> : vector<1000x128xf32>
    %dot_general3A_5 = tpu.matmul %get3A_1, %get3A_4, %dot_general3A {dimension_numbers = #tpu.dot_dimension_numbers<[1], [1], [0], [0], [0, 0, 1, 0], [], []>, transpose_lhs_hint = false} : vector<1000x128xf32>, vector<128x128xf32>, vector<1000x128xf32> -> vector<1000x128xf32>
    %get3A_6 = arith.constant 0 : index
    %get3A_7 = arith.constant 0 : index
    %get3A_8 = vector.load %arg3[%get3A_6, %get3A_7] : memref<1000x1xf32, #tpu.memory_space<vmem>>, vector<1000x1xf32>
    %add3A = arith.constant 1.000000e+00 : f32
    %add3A_9 = vector.broadcast %add3A : f32 to vector<1000x1xf32>
    %add3A_10 = arith.addf %add3A_9, %get3A_8 : vector<1000x1xf32>
    %get3A_11 = arith.constant 0 : index
    %get3A_12 = arith.constant 0 : index
    %get3A_13 = vector.load %arg4[%get3A_11, %get3A_12] : memref<1000x1xf32, #tpu.memory_space<vmem>>, vector<1000x1xf32>
    %add3A_14 = arith.addf %add3A_10, %get3A_13 : vector<1000x1xf32>
    %rsqrt3A = math.rsqrt %add3A_14 : vector<1000x1xf32>
    %mul3A = vector.broadcast %rsqrt3A : vector<1000x1xf32> to vector<1000x128xf32>
    %mul3A_15 = arith.mulf %dot_general3A_5, %mul3A : vector<1000x128xf32>
    %swap3A = arith.constant 0 : index
    %swap3A_16 = arith.constant 0 : index
    %swap3A_17 = vector.load %arg5[%swap3A, %swap3A_16] : memref<1000x128xf32, #tpu.memory_space<vmem>>, vector<1000x128xf32>
    tpu.vector_store %arg5[%swap3A, %swap3A_16], %mul3A_15 {strides = array<i32>} : memref<1000x128xf32, #tpu.memory_space<vmem>>, vector<1000x128xf32>,
    return
  }
  func.func @transform_0(%arg0: i32) -> (i32, i32) {
    %c0_i32 = arith.constant 0 : i32
    %c0_i32_0 = arith.constant 0 : i32
    return %arg0, %c0_i32 : i32, i32
  }
  func.func @transform_1(%arg0: i32) -> (i32, i32) {
    %c0_i32 = arith.constant 0 : i32
    %c0_i32_0 = arith.constant 0 : i32
    %c0_i32_1 = arith.constant 0 : i32
    return %c0_i32, %c0_i32_0 : i32, i32
  }
  func.func @transform_2(%arg0: i32) -> (i32, i32) {
    %c0_i32 = arith.constant 0 : i32
    %c0_i32_0 = arith.constant 0 : i32
    return %arg0, %c0_i32 : i32, i32
  }
  func.func @transform_3(%arg0: i32) -> (i32, i32) {
    %c0_i32 = arith.constant 0 : i32
    %c0_i32_0 = arith.constant 0 : i32
    return %arg0, %c0_i32 : i32, i32
  }
  func.func @transform_4(%arg0: i32) -> (i32, i32) {
    %c0_i32 = arith.constant 0 : i32
    %c0_i32_0 = arith.constant 0 : i32
    return %arg0, %c0_i32 : i32, i32
  }
}

module attributes {stable_mosaic.version = 14 : i64} {
  func.func @_tc_b_body(%arg0: i32, %arg1: memref<2x1000x128xf32, #tpu.memory_space<vmem>>, %arg2: memref<1000x128xf32, #tpu.memory_space<vmem>>, %arg3: memref<1000x1xf32, #tpu.memory_space<vmem>>, %arg4: memref<1000x1xf32, #tpu.memory_space<vmem>>, %arg5: memref<128x128xf32, #tpu.memory_space<vmem>>, %arg6: memref<1000x128xf32, #tpu.memory_space<vmem>>) attributes {dimension_semantics = [#tpu.dimension_semantics<arbitrary>], iteration_bounds = array<i64: 10>, scalar_prefetch = 0 : i64, scratch_operands = 0 : i64, tpu.core_type = #tpu.core_type<tc>, window_params = [{transform_indices = @transform_0, window_bounds = array<i64: 2, 1000, 128>}, {transform_indices = @transform_1, window_bounds = array<i64: 1000, 128>}, {transform_indices = @transform_2, window_bounds = array<i64: 1000, 1>}, {transform_indices = @transform_3, window_bounds = array<i64: 1000, 1>}, {pipeline_mode = #tpu.pipeline_mode<synchronous>, transform_indices = @transform_4, window_bounds = array<i64: 128, 128>}, {transform_indices = @transform_5, window_bounds = array<i64: 1000, 128>}]} {
    %get3A = arith.constant 0 : index
    %get3A_0 = arith.constant 0 : index
    %get3A_1 = vector.load %arg3[%get3A, %get3A_0] : memref<1000x1xf32, #tpu.memory_space<vmem>>, vector<1000x1xf32>
    %add3A = arith.constant 1.000000e+00 : f32
    %add3A_2 = vector.broadcast %add3A : f32 to vector<1000x1xf32>
    %add3A_3 = arith.addf %add3A_2, %get3A_1 : vector<1000x1xf32>
    %get3A_4 = arith.constant 0 : index
    %get3A_5 = arith.constant 0 : index
    %get3A_6 = vector.load %arg4[%get3A_4, %get3A_5] : memref<1000x1xf32, #tpu.memory_space<vmem>>, vector<1000x1xf32>
    %add3A_7 = arith.addf %add3A_3, %get3A_6 : vector<1000x1xf32>
    %rsqrt3A = math.rsqrt %add3A_7 : vector<1000x1xf32>
    %get3A_8 = arith.constant 0 : index
    %get3A_9 = arith.constant 0 : index
    %get3A_10 = arith.constant 0 : index
    %get3A_11 = vector.load %arg1[%get3A_8, %get3A_9, %get3A_10] : memref<2x1000x128xf32, #tpu.memory_space<vmem>>, vector<1x1000x128xf32>
    %get3A_12 = vector.shape_cast %get3A_11 : vector<1x1000x128xf32> to vector<1000x128xf32>
    %get3A_13 = arith.constant 1 : index
    %get3A_14 = arith.constant 0 : index
    %get3A_15 = arith.constant 0 : index
    %get3A_16 = vector.load %arg1[%get3A_13, %get3A_14, %get3A_15] : memref<2x1000x128xf32, #tpu.memory_space<vmem>>, vector<1x1000x128xf32>
    %get3A_17 = vector.shape_cast %get3A_16 : vector<1x1000x128xf32> to vector<1000x128xf32>
    %add3A_18 = arith.addf %get3A_12, %get3A_17 : vector<1000x128xf32>
    %get3A_19 = arith.constant 0 : index
    %get3A_20 = arith.constant 0 : index
    %get3A_21 = vector.load %arg2[%get3A_19, %get3A_20] : memref<1000x128xf32, #tpu.memory_space<vmem>>, vector<1000x128xf32>
    %add3A_22 = arith.addf %add3A_18, %get3A_21 : vector<1000x128xf32>
    %mul3A = vector.broadcast %rsqrt3A : vector<1000x1xf32> to vector<1000x128xf32>
    %mul3A_23 = arith.mulf %mul3A, %add3A_22 : vector<1000x128xf32>
    %max3A = arith.constant 0.000000e+00 : f32
    %max3A_24 = vector.broadcast %max3A : f32 to vector<1000x128xf32>
    %max3A_25 = arith.maximumf %mul3A_23, %max3A_24 : vector<1000x128xf32>
    %mul3A_26 = vector.broadcast %rsqrt3A : vector<1000x1xf32> to vector<1000x128xf32>
    %mul3A_27 = arith.mulf %mul3A_26, %max3A_25 : vector<1000x128xf32>
    %get3A_28 = arith.constant 0 : index
    %get3A_29 = arith.constant 0 : index
    %get3A_30 = vector.load %arg5[%get3A_28, %get3A_29] : memref<128x128xf32, #tpu.memory_space<vmem>>, vector<128x128xf32>
    %dot_general3A = arith.constant dense<0.000000e+00> : vector<1000x128xf32>
    %dot_general3A_31 = tpu.matmul %mul3A_27, %get3A_30, %dot_general3A {dimension_numbers = #tpu.dot_dimension_numbers<[1], [1], [0], [0], [0, 0, 1, 0], [], []>, transpose_lhs_hint = false} : vector<1000x128xf32>, vector<128x128xf32>, vector<1000x128xf32> -> vector<1000x128xf32>
    %swap3A = arith.constant 0 : index
    %swap3A_32 = arith.constant 0 : index
    %swap3A_33 = vector.load %arg6[%swap3A, %swap3A_32] : memref<1000x128xf32, #tpu.memory_space<vmem>>, vector<1000x128xf32>
    tpu.vector_store %arg6[%swap3A, %swap3A_32], %dot_general3A_31 {strides = array<i32>} : memref<1000x128xf32, #tpu.memory_space<vmem>>, vector<1000x128xf32>,
    return
  }
  func.func @transform_0(%arg0: i32) -> (i32, i32, i32) {
    %c0_i32 = arith.constant 0 : i32
    %c0_i32_0 = arith.constant 0 : i32
    %c0_i32_1 = arith.constant 0 : i32
    return %c0_i32, %arg0, %c0_i32_0 : i32, i32, i32
  }
  func.func @transform_1(%arg0: i32) -> (i32, i32) {
    %c0_i32 = arith.constant 0 : i32
    %c0_i32_0 = arith.constant 0 : i32
    return %arg0, %c0_i32 : i32, i32
  }
  func.func @transform_2(%arg0: i32) -> (i32, i32) {
    %c0_i32 = arith.constant 0 : i32
    %c0_i32_0 = arith.constant 0 : i32
    return %arg0, %c0_i32 : i32, i32
  }
  func.func @transform_3(%arg0: i32) -> (i32, i32) {
    %c0_i32 = arith.constant 0 : i32
    %c0_i32_0 = arith.constant 0 : i32
    return %arg0, %c0_i32 : i32, i32
  }
  func.func @transform_4(%arg0: i32) -> (i32, i32) {
    %c0_i32 = arith.constant 0 : i32
    %c0_i32_0 = arith.constant 0 : i32
    %c0_i32_1 = arith.constant 0 : i32
    return %c0_i32, %c0_i32_0 : i32, i32
  }
  func.func @transform_5(%arg0: i32) -> (i32, i32) {
    %c0_i32 = arith.constant 0 : i32
    %c0_i32_0 = arith.constant 0 : i32
    return %arg0, %c0_i32 : i32, i32
  }
}

module attributes {stable_mosaic.version = 14 : i64} {
  func.func @_tc_c_body(%arg0: i32, %arg1: memref<2x1000x128xf32, #tpu.memory_space<vmem>>, %arg2: memref<1000x128xf32, #tpu.memory_space<vmem>>, %arg3: memref<1000x1xf32, #tpu.memory_space<vmem>>, %arg4: memref<1000x1xf32, #tpu.memory_space<vmem>>, %arg5: memref<4096x128xf32, #tpu.memory_space<vmem>>, %arg6: memref<1x4096xf32, #tpu.memory_space<vmem>>, %arg7: memref<1x4096xf32, #tpu.memory_space<vmem>>, %arg8: memref<1x128xf32, #tpu.memory_space<vmem>>) attributes {dimension_semantics = [#tpu.dimension_semantics<arbitrary>], iteration_bounds = array<i64: 10>, scalar_prefetch = 0 : i64, scratch_operands = 1 : i64, tpu.core_type = #tpu.core_type<tc>, window_params = [{transform_indices = @transform_0, window_bounds = array<i64: 2, 1000, 128>}, {transform_indices = @transform_1, window_bounds = array<i64: 1000, 128>}, {transform_indices = @transform_2, window_bounds = array<i64: 1000, 1>}, {transform_indices = @transform_3, window_bounds = array<i64: 1000, 1>}, {pipeline_mode = #tpu.pipeline_mode<synchronous>, transform_indices = @transform_4, window_bounds = array<i64: 4096, 128>}, {pipeline_mode = #tpu.pipeline_mode<synchronous>, transform_indices = @transform_5, window_bounds = array<i64: 1, 4096>}, {pipeline_mode = #tpu.pipeline_mode<synchronous>, transform_indices = @transform_6, window_bounds = array<i64: 1, 4096>}]} {
    %eq3A = arith.constant 0 : i32
    %eq3A_0 = arith.cmpi eq, %arg0, %eq3A : i32
    %convert_element_type3A = arith.extui %eq3A_0 : i1 to i32
    %cond3A = arith.constant 0 : i32
    %cond3A_1 = arith.cmpi ne, %convert_element_type3A, %cond3A : i32
    scf.if %cond3A_1 {
      %broadcast_in_dim3A_40 = arith.constant 0.000000e+00 : f32
      %broadcast_in_dim3A_41 = vector.broadcast %broadcast_in_dim3A_40 : f32 to vector<1x128xf32>
      %swap3A_42 = arith.constant 0 : index
      %swap3A_43 = arith.constant 0 : index
      %swap3A_44 = vector.load %arg8[%swap3A_42, %swap3A_43] : memref<1x128xf32, #tpu.memory_space<vmem>>, vector<1x128xf32>
      tpu.vector_store %arg8[%swap3A_42, %swap3A_43], %broadcast_in_dim3A_41 {strides = array<i32>} : memref<1x128xf32, #tpu.memory_space<vmem>>, vector<1x128xf32>,
    } else {
    }
    %get3A = arith.constant 0 : index
    %get3A_2 = arith.constant 0 : index
    %get3A_3 = vector.load %arg3[%get3A, %get3A_2] : memref<1000x1xf32, #tpu.memory_space<vmem>>, vector<1000x1xf32>
    %add3A = arith.constant 1.000000e+00 : f32
    %add3A_4 = vector.broadcast %add3A : f32 to vector<1000x1xf32>
    %add3A_5 = arith.addf %add3A_4, %get3A_3 : vector<1000x1xf32>
    %get3A_6 = arith.constant 0 : index
    %get3A_7 = arith.constant 0 : index
    %get3A_8 = vector.load %arg4[%get3A_6, %get3A_7] : memref<1000x1xf32, #tpu.memory_space<vmem>>, vector<1000x1xf32>
    %add3A_9 = arith.addf %add3A_5, %get3A_8 : vector<1000x1xf32>
    %rsqrt3A = math.rsqrt %add3A_9 : vector<1000x1xf32>
    %get3A_10 = arith.constant 0 : index
    %get3A_11 = arith.constant 0 : index
    %get3A_12 = arith.constant 0 : index
    %get3A_13 = vector.load %arg1[%get3A_10, %get3A_11, %get3A_12] : memref<2x1000x128xf32, #tpu.memory_space<vmem>>, vector<1x1000x128xf32>
    %get3A_14 = vector.shape_cast %get3A_13 : vector<1x1000x128xf32> to vector<1000x128xf32>
    %get3A_15 = arith.constant 1 : index
    %get3A_16 = arith.constant 0 : index
    %get3A_17 = arith.constant 0 : index
    %get3A_18 = vector.load %arg1[%get3A_15, %get3A_16, %get3A_17] : memref<2x1000x128xf32, #tpu.memory_space<vmem>>, vector<1x1000x128xf32>
    %get3A_19 = vector.shape_cast %get3A_18 : vector<1x1000x128xf32> to vector<1000x128xf32>
    %add3A_20 = arith.addf %get3A_14, %get3A_19 : vector<1000x128xf32>
    %get3A_21 = arith.constant 0 : index
    %get3A_22 = arith.constant 0 : index
    %get3A_23 = vector.load %arg2[%get3A_21, %get3A_22] : memref<1000x128xf32, #tpu.memory_space<vmem>>, vector<1000x128xf32>
    %add3A_24 = arith.addf %add3A_20, %get3A_23 : vector<1000x128xf32>
    %mul3A = vector.broadcast %rsqrt3A : vector<1000x1xf32> to vector<1000x128xf32>
    %mul3A_25 = arith.mulf %mul3A, %add3A_24 : vector<1000x128xf32>
    %max3A = arith.constant 0.000000e+00 : f32
    %max3A_26 = vector.broadcast %max3A : f32 to vector<1000x128xf32>
    %max3A_27 = arith.maximumf %mul3A_25, %max3A_26 : vector<1000x128xf32>
    %get3A_28 = arith.constant 0 : index
    %get3A_29 = arith.constant 0 : index
    %get3A_30 = vector.load %arg8[%get3A_28, %get3A_29] : memref<1x128xf32, #tpu.memory_space<vmem>>, vector<1x128xf32>
    %reduce_sum3A = arith.constant dense<0.000000e+00> : vector<128xf32>
    %reduce_sum3A_31 = vector.multi_reduction <add>, %max3A_27, %reduce_sum3A [0] : vector<1000x128xf32> to vector<128xf32>
    %broadcast_in_dim3A = vector.shape_cast %reduce_sum3A_31 : vector<128xf32> to vector<1x128xf32>
    %add3A_32 = arith.addf %get3A_30, %broadcast_in_dim3A : vector<1x128xf32>
    %swap3A = arith.constant 0 : index
    %swap3A_33 = arith.constant 0 : index
    %swap3A_34 = vector.load %arg8[%swap3A, %swap3A_33] : memref<1x128xf32, #tpu.memory_space<vmem>>, vector<1x128xf32>
    tpu.vector_store %arg8[%swap3A, %swap3A_33], %add3A_32 {strides = array<i32>} : memref<1x128xf32, #tpu.memory_space<vmem>>, vector<1x128xf32>,
    %eq3A_35 = arith.constant 9 : i32
    %eq3A_36 = arith.cmpi eq, %arg0, %eq3A_35 : i32
    %convert_element_type3A_37 = arith.extui %eq3A_36 : i1 to i32
    %cond3A_38 = arith.constant 0 : i32
    %cond3A_39 = arith.cmpi ne, %convert_element_type3A_37, %cond3A_38 : i32
    scf.if %cond3A_39 {
      %get3A_40 = arith.constant 0 : index
      %get3A_41 = arith.constant 0 : index
      %get3A_42 = vector.load %arg8[%get3A_40, %get3A_41] : memref<1x128xf32, #tpu.memory_space<vmem>>, vector<1x128xf32>
      %mul3A_43 = arith.constant 9.99999974E-5 : f32
      %mul3A_44 = vector.broadcast %mul3A_43 : f32 to vector<1x128xf32>
      %mul3A_45 = arith.mulf %get3A_42, %mul3A_44 : vector<1x128xf32>
      %get3A_46 = arith.constant 0 : index
      %get3A_47 = arith.constant 0 : index
      %get3A_48 = vector.load %arg5[%get3A_46, %get3A_47] : memref<4096x128xf32, #tpu.memory_space<vmem>>, vector<4096x128xf32>
      %dot_general3A = arith.constant dense<0.000000e+00> : vector<1x4096xf32>
      %dot_general3A_49 = tpu.matmul %mul3A_45, %get3A_48, %dot_general3A {dimension_numbers = #tpu.dot_dimension_numbers<[1], [1], [0], [0], [0, 0, 1, 0], [], []>, transpose_lhs_hint = false} : vector<1x128xf32>, vector<4096x128xf32>, vector<1x4096xf32> -> vector<1x4096xf32>
      %get3A_50 = arith.constant 0 : index
      %get3A_51 = arith.constant 0 : index
      %get3A_52 = vector.load %arg6[%get3A_50, %get3A_51] : memref<1x4096xf32, #tpu.memory_space<vmem>>, vector<1x4096xf32>
      %add3A_53 = arith.addf %dot_general3A_49, %get3A_52 : vector<1x4096xf32>
      %swap3A_54 = arith.constant 0 : index
      %swap3A_55 = arith.constant 0 : index
      %swap3A_56 = vector.load %arg7[%swap3A_54, %swap3A_55] : memref<1x4096xf32, #tpu.memory_space<vmem>>, vector<1x4096xf32>
      tpu.vector_store %arg7[%swap3A_54, %swap3A_55], %add3A_53 {strides = array<i32>} : memref<1x4096xf32, #tpu.memory_space<vmem>>, vector<1x4096xf32>,
    } else {
    }
    return
  }
  func.func @transform_0(%arg0: i32) -> (i32, i32, i32) {
    %c0_i32 = arith.constant 0 : i32
    %c0_i32_0 = arith.constant 0 : i32
    %c0_i32_1 = arith.constant 0 : i32
    return %c0_i32, %arg0, %c0_i32_0 : i32, i32, i32
  }
  func.func @transform_1(%arg0: i32) -> (i32, i32) {
    %c0_i32 = arith.constant 0 : i32
    %c0_i32_0 = arith.constant 0 : i32
    return %arg0, %c0_i32 : i32, i32
  }
  func.func @transform_2(%arg0: i32) -> (i32, i32) {
    %c0_i32 = arith.constant 0 : i32
    %c0_i32_0 = arith.constant 0 : i32
    return %arg0, %c0_i32 : i32, i32
  }
  func.func @transform_3(%arg0: i32) -> (i32, i32) {
    %c0_i32 = arith.constant 0 : i32
    %c0_i32_0 = arith.constant 0 : i32
    return %arg0, %c0_i32 : i32, i32
  }
  func.func @transform_4(%arg0: i32) -> (i32, i32) {
    %c0_i32 = arith.constant 0 : i32
    %c0_i32_0 = arith.constant 0 : i32
    %c0_i32_1 = arith.constant 0 : i32
    return %c0_i32, %c0_i32_0 : i32, i32
  }
  func.func @transform_5(%arg0: i32) -> (i32, i32) {
    %c0_i32 = arith.constant 0 : i32
    %c0_i32_0 = arith.constant 0 : i32
    %c0_i32_1 = arith.constant 0 : i32
    return %c0_i32, %c0_i32_0 : i32, i32
  }
  func.func @transform_6(%arg0: i32) -> (i32, i32) {
    %c0_i32 = arith.constant 0 : i32
    %c0_i32_0 = arith.constant 0 : i32
    %c0_i32_1 = arith.constant 0 : i32
    return %c0_i32, %c0_i32_0 : i32, i32
  }
}

</mosaic_0001>

<sc_bundles>
// kernel: kernel.11.cloned.1.call-start
scs
__scs_entry_jumppad:
0x0: {  	(pc) =	sbr.rel $0x88, $3  }
0x1: {  	(tag) =	ssettag $0x0;
	lr =	simm.s32 $0x1  }
0x2: {  	[smem:$0x3F9B] =	sst lr;
	_ =	strace $0xD0000000  }
0x3: {  	_ = 	snop  }
0x4: {  	_ = 	snop  }
0x5: {  	_ = 	snop  }
0x6: {  	_ = 	snop  }
0x7: {  	_ = 	snop  }
__scs_overlays_trampoline_lowered:
0x8: {  	[smem:$0x3FAA] =	sst s0  }
0x9: {  	[smem:$0x3FAB] =	sst s1  }
0xa: {  	[smem:$0x3FAC] =	sst s2  }
0xb: {  	[smem:$0x3FAD] =	sst s3  }
0xc: {  	[smem:$0x3FAE] =	sst s4  }
0xd: {  	[smem:$0x3FAF] =	sst s5  }
0xe: {  	[smem:$0x3FB0] =	sst s6  }
0xf: {  	[smem:$0x3FB1] =	sst s7  }
0x10: {  	[smem:$0x3FB2] =	sst s8  }
0x11: {  	[smem:$0x3FB3] =	sst s9;
	s0 =	simm.s32 @!p0 $0x0  }
0x12: {  	s1 =	sld [smem:$0x3F99];
	s0 =	simm.s32 @p0 $0x1  }
0x13: {  	[smem:$0x3FB4] =	sst s0;
	s0 =	simm.s32 @!p1 $0x0  }
0x14: {  	s2 =	sld [smem:$0x3F98];
	s0 =	simm.s32 @p1 $0x1  }
0x15: {  	[smem:$0x3FB5] =	sst s0;
	s0 =	simm.s32 @!p2 $0x0  }
0x16: {  	s3 =	sld [smem:$0x3FDB];
	s0 =	simm.s32 @p2 $0x1  }
0x17: {  	s4 =	simm.s32 $0x1BF5;
	[smem:$0x3FB7] =	sst s0  }
0x18: {  	s0 =	sld [smem:$0x3F9A];
	_ =	swait.ge [sflag:s4], $0x0  }
0x19: {  	s7 =	sld [smem:$0x3F9B]  }
0x1a: {  	s8 =	sadd.s32 $0xFFFFE003, lr  }
0x1b: {  	s9 =	sadd.s32 $0xFFFFFEF7, lr;
	s5 =	simm.s32 $0xFFFFFFFF;
	p2 =	slt.u32 s8, $0xFFFFF086  }
0x1c: {  	p1 =	slt.u32 s9, $0xF7A;
	s5 =	simm.s32 @!p2 $0x0  }
0x1d: {  	s5 =	simm.s32 @p1 $0x1;
	p0 =	seq.s32 s7, s2  }
0x1e: {  	s7 =	smul.u32 @!p0 $0xF7A, s2;
	p2 =	seq.s32 @!p0 s5, $0x0  }
0x1f: {  	s9 =	smul.u32 $0xF7A, s1;
	s8 =	simm.s32 @!p0 $0x1BF5;
	p2 =	por !p2, p0  }
0x20: {  	[sflag:s8] =	ssyncset.s32 @!p0 $0xFFFFF086;
	s6 =	sadd.s32 @!p0 s3, s7;
	s7 =	simm.s32 @!p0 $0x108  }
0x21: {  	s3 =	sadd.s32 s3, s9;
	s6 =	sadd.s32 @!p0 $0x88, s6;
	s7 =	simm.s32 @p2 $0x1082  }
0x22: {  	[simem:s7], [sflag:s8] =	dma.local @!p0 [hbm:s6], $0xF7A  }
0x23: {  	s9 =	sor.u32 $0xD0000000, s2;
	s6 =	simm.s32 $0x108;
	_ =	swait.ge @!p0 [sflag:s8], $0x0  }
0x24: {  	s3 =	sadd.s32 $0x88, s3;
	s6 =	simm.s32 @!p1 $0x1082;
	[sflag:s4] =	ssyncset.s32 $0xFFFFF086  }
0x25: {  	[simem:s6], [sflag:s4] =	dma.local [hbm:s3], $0xF7A  }
0x26: {  	[smem:$0x3F9B] =	sst s1;
	(tag) =	ssettag s2;
	_ =	strace s9  }
0x27: {  	s1 =	sld [smem:$0x3FAB]  }
0x28: {  	s2 =	sld [smem:$0x3FAC]  }
0x29: {  	s4 =	sld [smem:$0x3FAE]  }
0x2a: {  	p0 =	seq.s32 s5, $0x0;
	s5 =	sld [smem:$0x3FAF]  }
0x2b: {  	s6 =	sld [smem:$0x3FB0]  }
0x2c: {  	s7 =	sld [smem:$0x3FB1]  }
0x2d: {  	s3 =	simm.s32 $0x108;
	s8 =	sld [smem:$0x3FB2]  }
0x2e: {  	s3 =	simm.s32 @!p0 $0x1082;
	s9 =	sld [smem:$0x3FB3]  }
0x2f: {  	lr =	sadd.s32 s0, s3;
	s0 =	sld [smem:$0x3FAA]  }
0x30: {  	s3 =	sld [smem:$0x3FAD]  }
0x31: {  	[smem:$0x3FB6] =	sst s10  }
0x32: {  	s10 =	sld [smem:$0x3FB4];
	_ =	sdelay $0x3  }
0x33: {  	p0 =	seq.s32 s10, $0x1;
	s10 =	sld [smem:$0x3FB6];
	_ =	sdelay $0x3  }
0x34: {  	[smem:$0x3FB6] =	sst s10  }
0x35: {  	s10 =	sld [smem:$0x3FB5];
	_ =	sdelay $0x3  }
0x36: {  	p1 =	seq.s32 s10, $0x1;
	s10 =	sld [smem:$0x3FB6];
	_ =	sdelay $0x3  }
0x37: {  	[smem:$0x3FB6] =	sst s10  }
0x38: {  	s10 =	sld [smem:$0x3FB7]  }
0x39: {  	_ = 	snop;
	(pc) =	sbr.ind lr, $3  }
0x3a: {  	_ = 	snop  }
0x3b: {  	_ = 	snop  }
0x3c: {  	p2 =	seq.s32 s10, $0x1;
	s10 =	sld [smem:$0x3FB6]  }
0x3d: {  	_ =	shalt  }
0x3e: {  	_ =	shalt  }
0x3f: {  	_ =	shalt  }
0x40: {  	_ =	shalt  }
0x41: {  	_ =	shalt  }
0x42: {  	_ =	shalt  }
0x43: {  	_ =	shalt  }
0x44: {  	_ =	shalt  }
0x45: {  	_ =	shalt  }
0x46: {  	_ =	shalt  }
0x47: {  	_ =	shalt  }
0x48: {  	_ =	shalt  }
0x49: {  	_ =	shalt  }
0x4a: {  	_ =	shalt  }
0x4b: {  	_ =	shalt  }
0x4c: {  	_ =	shalt  }
0x4d: {  	_ =	shalt  }
0x4e: {  	_ =	shalt  }
0x4f: {  	_ =	shalt  }
0x50: {  	_ =	shalt  }
0x51: {  	_ =	shalt  }
0x52: {  	_ =	shalt  }
0x53: {  	_ =	shalt  }
0x54: {  	_ =	shalt  }
0x55: {  	_ =	shalt  }
0x56: {  	_ =	shalt  }
0x57: {  	_ =	shalt  }
0x58: {  	_ =	shalt  }
0x59: {  	_ =	shalt  }
0x5a: {  	_ =	shalt  }
0x5b: {  	_ =	shalt  }
0x5c: {  	_ =	shalt  }
0x5d: {  	_ =	shalt  }
0x5e: {  	_ =	shalt  }
0x5f: {  	_ =	shalt  }
0x60: {  	_ =	shalt  }
0x61: {  	_ =	shalt  }
0x62: {  	_ =	shalt  }
0x63: {  	_ =	shalt  }
0x64: {  	_ =	shalt  }
0x65: {  	_ =	shalt  }
0x66: {  	_ =	shalt  }
0x67: {  	_ =	shalt  }
0x68: {  	_ =	shalt  }
0x69: {  	_ =	shalt  }
0x6a: {  	_ =	shalt  }
0x6b: {  	_ =	shalt  }
0x6c: {  	_ =	shalt  }
0x6d: {  	_ =	shalt  }
0x6e: {  	_ =	shalt  }
0x6f: {  	_ =	shalt  }
0x70: {  	_ =	shalt  }
0x71: {  	_ =	shalt  }
0x72: {  	_ =	shalt  }
0x73: {  	_ =	shalt  }
0x74: {  	_ =	shalt  }
0x75: {  	_ =	shalt  }
0x76: {  	_ =	shalt  }
0x77: {  	_ =	shalt  }
0x78: {  	_ =	shalt  }
0x79: {  	_ =	shalt  }
0x7a: {  	_ =	shalt  }
0x7b: {  	_ =	shalt  }
0x7c: {  	_ =	shalt  }
0x7d: {  	_ =	shalt  }
0x7e: {  	_ =	shalt  }
0x7f: {  	_ =	shalt  }
0x80: {  	_ =	shalt  }
0x81: {  	_ =	shalt  }
0x82: {  	_ =	shalt  }
0x83: {  	_ =	shalt  }
0x84: {  	_ =	shalt  }
0x85: {  	_ =	shalt  }
0x86: {  	_ =	shalt  }
0x87: {  	_ =	shalt  }
.Lfunc_end0:
.L_simem_size_0:
called_computation.1_lowered:
.L_overlay_start_0:
0x88: {  	s2 =	sld [smem:$0x3FD9]  }
0x89: {  	s3 =	sld [smem:$0x3FFE];
	_ =	sdelay $0x1  }
0x8a: {  	s1 =	srdreg.scid  }
0x8b: {  	s0 =	sand.u32 $0x1, s1  }
0x8c: {  	s16 =	sshll.u32 s0, $0xA;
	s2 =	sadd.s32 s3, s2  }
0x8d: {  	s2 =	sadd.s32 s2, s16  }
0x8e: {  	[smem:$0x3FC2] =	sst s2  }
0x8f: {  	_ = 	snop  }
0x90: {  	(tm) =	ssettm $0x1  }
0x91: {  	s17 =	sld [smem:$0x3FFB];
	_ =	sdelay $0x3  }
0x92: {  	_ =	strace s17  }
0x93: {  	s2 =	sld [smem:$0x3FFC];
	_ =	sdelay $0x3  }
0x94: {  	_ =	strace s2  }
0x95: {  	s2 =	sld [smem:$0x3FFD];
	_ =	sdelay $0x3  }
0x96: {  	_ =	strace s2  }
0x97: {  	_ =	strace $0x8FFFFFFF  }
0x98: {  	s18 =	sld [smem:$0x3FDB];
	_ =	sdelay $0x1  }
0x99: {  	s19 =	simm.s32 $_scs_section_size  }
0x9a: {  	s4 =	simm.s32 $_size__tile_overlayer_lowered;
	s5 =	simm.s32 $_tile_overlayer_lowered  }
0x9b: {  	s22 =	simm.s32 $0x1BFF;
	s21 =	sshll.u32 s5, $0x1;
	s2 =	sadd.s32 s19, s18  }
0x9c: {  	s6 =	simm.s32 $0x0;
	s20 =	sshll.u32 s4, $0x1;
	s4 =	sadd.s32 s21, s2  }
0x9d: {  	[timem:s6], [sflag:s22] =	dma.local [hbm:s4], s20  }
0x9e: {  	_ =	swait.ge [sflag:s22], s20  }
0x9f: {  	s3 =	ssub.s32 $0x0, s20;
	[sflag:s22] =	ssyncset.done $0x0  }
0xa0: {  	[sflag:s22] =	ssyncadd.s32 s3;
	_ =	sdelay $0x1  }
0xa1: {  	s23 =	simm.s32 $0x1B8B  }
0xa2: {  	_ =	swait.ge [sflag:s23], $0x1  }
0xa3: {  	[sflag:s23] =	ssyncset.done $0x0  }
0xa4: {  	s25 =	simm.s32 $0x1B8E;
	s24 =	sld [smem:$0x3FFE];
	[sflag:s23] =	ssyncadd.s32 $0xFFFFFFFF  }
0xa5: {  	s26 =	simm.s32 $execute0_lowered;
	[smem:$0x3FD2] =	sst s25  }
0xa6: {  	s4 =	sshll.u32 s26, $0x1;
	_ =	strace $0x80000049;
	[dreg:$0x1] =	wrdreg $0xFFFFFFFF  }
0xa7: {  	s28 =	simm.s32 $_size_execute0_lowered;
	s2 =	sadd.s32 s2, s4;
	[dreg:$0x0] =	wrdreg $0x0  }
0xa8: {  	s4 =	sshll.u32 s28, $0x1;
	[dreg:$0x2] =	wrdreg s2  }
0xa9: {  	[dreg:$0x3] =	wrdreg s4  }
0xaa: {  	[dreg:$0x4] =	wrdreg $0xC0  }
0xab: {  	_ =	task [dreg:s6], $0x5FFFF  }
0xac: {  	[dreg:$0x1] =	wrdreg $0xFFFFFFFF  }
0xad: {  	[dreg:$0x0] =	wrdreg $0x60  }
0xae: {  	[dreg:$0x2] =	wrdreg s24  }
0xaf: {  	[dreg:$0x3] =	wrdreg $0xAA000  }
0xb0: {  	[dreg:$0x4] =	wrdreg $0x9  }
0xb1: {  	_ =	task.clear_ibuf [dreg:s6], $0x5FFFF;
	_ =	strace $0x90000049  }
0xb2: {  	s29 =	simm.s32 $0x9;
	_ =	strace $0x8000004B  }
0xb3: {  	_ =	swait.ge [sflag:s29], $0x1  }
0xb4: {  	[sflag:s29] =	ssyncadd.s32 $0xFFFFFFFF  }
0xb5: {  	_ =	strace $0x9000004B  }
0xb6: {  	_ =	sfence  }
0xb7: {  	s30 =	sld [smem:$0x0];
	_ =	sdelay $0x2  }
0xb8: {  	s31 =	sshll.u32 s1, $0xD;
	s1 =	sshrl.u32 s1, $0x2  }
0xb9: {  	s3 =	sand.u32 $0x4000, s31;
	s1 =	sadd.s32 s1, s30  }
0xba: {  	s0 =	sor.u32 s3, s0;
	s1 =	sshll.u32 s1, $0x11  }
0xbb: {  	s0 =	sor.u32 s1, s0  }
0xbc: {  	s0 =	sadd.s32 $0x8F2B, s0  }
0xbd: {  	[sflag:s0] =	ssyncadd.remote.s32 $0x1  }
0xbe: {  	_ =	sfence.sel $0xFFFF  }
0xbf: {  	[dreg:$0x0] =	wrdreg $0xFFFFFFFF;
	(pc) =	sbr.abs _section_cstart, $3  }
0xc0: {  	[dreg:$0x1] =	wrdreg $0xFFFFFFFF  }
0xc1: {  	_ =	task.clear_ibuf [dreg:s6], $0x2FFFF;
	_ =	strace $0x9FFFFFFF  }
0xc2: {  	(tm) =	ssettm $0x7FFFFFFF  }
0xc3: {  	_ =	shalt  }
tec
execute0_lowered:
.L_overlay_start_1:
0x0: {  	(tag) =	ssettag $0x1  }
0x1: {  	s0 =	srdreg.scid;
	s6 =	rddreg [dreg:$0x0]  }
0x2: {  	s23 =	stileid.u32;
	s2 =	rddreg [dreg:$0x1]  }
0x3: {  	s17 =	simm.s32 $0x2800;
	s18 =	simm.s32 $0x2900;
	s19 =	simm.s32 $0x80  }
0x4: {  	s20 =	simm.s32 $0x2A00;
	s21 =	simm.s32 $0x6A00;
	s7 =	smul.u32 $0x13C00, s23  }
0x5: {  	s22 =	simm.s32 $0x5;
	s28 =	simm.s32 $0x4;
	s24 =	smul.u32 $0x4F000, s23  }
0x6: {  	s29 =	simm.s32 $0x0;
	s1 =	sand.u32 $0x1, s0;
	s16 =	smul.u32 $0x500, s23  }
0x7: {  	s5 =	sadd.s32 $0x1A00, s6;
	s3 =	sshll.u32 s1, $0x4;
	s8 =	smul.u32 $0x13C000, s1  }
0x8: {  	s12 =	ssub.s32 $0x2, s1;
	s1 =	smul.u32 $0x5000, s1;
	s4 =	sor.u32 s23, s3  }
0x9: {  	s3 =	simm.s32 $0x0;
	s11 =	sshrl.u32 s7, $0x3;
	s25 =	sshrl.u32 s12, $0x1  }
0xa: {  	s26 =	sshrl.u32 s24, $0x2;
	s24 =	simm.s32 $0x1;
	s10 =	smul.u32 $0x500, s4  }
0xb: {  	[smem:$0x7FF] =	sst s3;
	s4 =	sadd.s32 $0x15A00, s6;
	s7 =	sadd.s32 s7, s8  }
0xc: {  	s11 =	sadd.s32 s11, s6;
	s14 =	ssub.s32 s12, s25;
	s15 =	sadd.s32 s26, s2  }
0xd: {  	s25 =	simm.s32 $0x2;
	s26 =	simm.s32 $0x2880;
	_ =	strace $0x8000004A  }
0xe: {  	s7 =	sshrl.u32 s7, $0x3;
	s30 =	sadd.s32 $0x3CC00, s11;
	s15 =	sshrl.u32 s15, $0x3  }
.Ltmp0:
0xf: {  	s9 =	sadd.s32 s10, s6;
	s13 =	sadd.s32 s7, s6;
	(pc) =	sbr.rel .LBB2_1-.Ltmp0, $4  }
0x10: {  	s6 =	sshll.u32 s23, $0x6;
	[dreg:$0x3] =	wrdreg s30;
	s10 =	sadd.s32 s5, s10  }
0x11: {  	s23 =	simm.s32 $0x3;
	s31 =	sor.u32 $0x1C05, s6;
	s9 =	sadd.s32 $0xBA00, s9  }
0x12: {  	s11 =	sadd.s32 $0x20, s10;
	s12 =	sadd.s32 $0x64400, s13;
	s13 =	smax.u32 s14, $0x1  }
0x13: {  	s14 =	sadd.s32 s16, s1;
	s16 =	simm.s32 $0x6;
	[dreg:$0x4] =	wrdreg s31  }
.LBB2_4:
0x14: {  	s29 =	sadd.s32 $0x1, s29  }
0x15: {  	p0 =	sne.s32 s29, s13  }
.Ltmp1:
0x16: {  	[bflag:$0x0] =	sbarrier.arrive $0xFFFF;
	s0 =	sor.u32 $0x1C06, s6;
	(pc) =	sbr.rel @!p0 .LBB2_5-.Ltmp1, $4  }
0x17: {  	[hbm:s12], [sflag:s0] =	dma.local [spmem:s15], $0x2780  }
0x18: {  	_ =	swait.ge [sflag:s16], $0x2780  }
0x19: {  	[sflag:s16] =	ssyncset.done $0x0  }
0x1a: {  	[sflag:s16] =	ssyncadd.s32 $0xFFFFD880  }
.LBB2_1:
0x1b: {  	s0 =	rddreg [dreg:$0x3]  }
0x1c: {  	s1 =	rddreg [dreg:$0x4]  }
0x1d: {  	[spmem:s15], [sflag:s1] =	dma.local [hbm:s0], $0x2780  }
0x1e: {  	[tilespmem:s3], [sflag:$0x6] =	stream.linear.gather [hbm4b:s9+s3], $0x2800, $0x38;
	[tilespmem:$0x1E600] =	vst v63  }
0x1f: {  	_ =	swait.ge [sflag:s16], $0x2800  }
0x20: {  	[sflag:s16] =	ssyncset.done $0x0  }
0x21: {  	[sflag:s16] =	ssyncadd.s32 $0xFFFFD800  }
0x22: {  	[tilespmem:s17], [sflag:$0x3] =	stream.linear.gather [hbm4b:s10+s3], $0x100, $0x38;
	[tilespmem:$0x1E600] =	vst v63  }
0x23: {  	_ = 	snop  }
0x24: {  	[tilespmem:s18], [sflag:$0x4] =	stream.linear.gather [hbm4b:s11+s3], $0x100, $0x38;
	[tilespmem:$0x1E600] =	vst v63  }
0x25: {  	_ = 	snop  }
0x26: {  	[tilespmem:s20], [sflag:$0x1] =	stream.indirect.gather [hbm4b:s4+s19], $0x80, s3, s19, $0xb8;
	[tilespmem:$0x1E600] =	vst v63  }
0x27: {  	_ = 	snop  }
0x28: {  	[tilespmem:s21], [sflag:$0x2] =	stream.indirect.gather [hbm4b:s4+s19], $0x80, s19, s19, $0xb8;
	[tilespmem:$0x1E600] =	vst v63  }
0x29: {  	_ =	swait.ge [sflag:s22], $0x2780  }
0x2a: {  	[sflag:s22] =	ssyncset.done $0x0  }
0x2b: {  	s30 =	simm.s32 $0x60;
	[sflag:s22] =	ssyncadd.s32 $0xFFFFD880  }
0x2c: {  	s31 =	simm.s32 $0x180;
	s1 =	simm.s32 $0x1;
	[bflag:$0x0] =	sbarrier.arrive $0xFFFF  }
.LBB2_2:
0x2d: {  	_ =	swait.ge [sflag:s23], $0x100  }
0x2e: {  	[sflag:s23] =	ssyncset.done $0x0  }
0x2f: {  	[sflag:s23] =	ssyncadd.s32 $0xFFFFFF00  }
0x30: {  	_ =	swait.ge [sflag:s24], $0x4000  }
0x31: {  	[sflag:s24] =	ssyncset.done $0x0  }
0x32: {  	[sflag:s24] =	ssyncadd.s32 $0xFFFFC000  }
0x33: {  	[spmem:s2] =	stream.indirect.scatter.add.f32 [tilespmem:s20], [sflag:$0x6], $0x80, s17, s19, $0xb8;
	[tilespmem:$0x1E600] =	vst v63  }
0x34: {  	_ =	swait.ge [sflag:s16], $0x4000  }
0x35: {  	[sflag:s16] =	ssyncset.done $0x0  }
0x36: {  	s0 =	sadd.s32 $0xFFFFFF80, s31;
	[sflag:s16] =	ssyncadd.s32 $0xFFFFC000  }
0x37: {  	[tilespmem:s20], [sflag:$0x1] =	stream.indirect.gather [hbm4b:s4+s19], $0x80, s0, s19, $0xb8;
	[tilespmem:$0x1E600] =	vst v63  }
0x38: {  	_ =	swait.ge [sflag:s25], $0x4000  }
0x39: {  	[sflag:s25] =	ssyncset.done $0x0  }
0x3a: {  	p0 =	seq.s32 s30, $0x520;
	[sflag:s25] =	ssyncadd.s32 $0xFFFFC000  }
0x3b: {  	[spmem:s2] =	stream.indirect.scatter.add.f32 [tilespmem:s21], [sflag:$0x6], $0x80, s26, s19, $0xb8;
	[tilespmem:$0x1E600] =	vst v63  }
0x3c: {  	s0 =	sadd.s32 @!p0 $0xFFFFFFE0, s30;
	_ =	swait.ge [sflag:s16], $0x4000  }
0x3d: {  	s7 =	sadd.s32 @!p0 s14, s0;
	s0 =	sand.u32 @!p0 $0x40, s0;
	[sflag:s16] =	ssyncset.done $0x0  }
0x3e: {  	s7 =	sand.u32 @!p0 $0xFFFFF80, s7;
	s0 =	sadd.s32 @!p0 s5, s0;
	[sflag:s16] =	ssyncadd.s32 $0xFFFFC000  }
0x3f: {  	[tilespmem:s21], [sflag:$0x2] =	stream.indirect.gather [hbm4b:s4+s19], $0x80, s31, s19, $0xb8;
	[tilespmem:$0x1E600] =	vst v63  }
0x40: {  	s8 =	simm.s32 @!p0 $0x2800;
	s0 =	sadd.s32 @!p0 s7, s0;
	s7 =	simm.s32 @!p0 $0x0  }
0x41: {  	[tilespmem:s8], [sflag:$0x3] =	stream.linear.gather @!p0 [hbm4b:s0+s7], $0x100, $0x38;
	[tilespmem:$0x1E600] =	vst v63  }
0x42: {  	_ =	swait.ge [sflag:s28], $0x100  }
0x43: {  	[sflag:s28] =	ssyncset.done $0x0  }
0x44: {  	[sflag:s28] =	ssyncadd.s32 $0xFFFFFF00  }
0x45: {  	_ =	swait.ge [sflag:s24], $0x4000  }
0x46: {  	[sflag:s24] =	ssyncset.done $0x0  }
0x47: {  	[sflag:s24] =	ssyncadd.s32 $0xFFFFC000  }
0x48: {  	[spmem:s2] =	stream.indirect.scatter.add.f32 [tilespmem:s20], [sflag:$0x6], $0x80, s18, s19, $0xb8;
	[tilespmem:$0x1E600] =	vst v63  }
0x49: {  	_ =	swait.ge [sflag:s16], $0x4000  }
0x4a: {  	p1 =	sgt.u32 s1, $0x26;
	[sflag:s16] =	ssyncset.done $0x0  }
0x4b: {  	s0 =	simm.s32 @p1 $0x2;
	[sflag:s16] =	ssyncadd.s32 $0xFFFFC000  }
0x4c: {  	_ =	swait.ge @p1 [sflag:s0], $0x4000  }
0x4d: {  	s7 =	simm.s32 @p1 $0x2980;
	[sflag:s0] =	ssyncset.done @p1 $0x0  }
0x4e: {  	s8 =	simm.s32 @p1 $0x6A00;
	[sflag:s0] =	ssyncadd.s32 @p1 $0xFFFFC000;
	s0 =	simm.s32 @p1 $0x80  }
0x4f: {  	[spmem:s2] =	stream.indirect.scatter.add.f32 @p1 [tilespmem:s8], [sflag:$0x6], $0x80, s7, s0, $0xb8;
	[tilespmem:$0x1E600] =	vst v63  }
0x50: {  	s0 =	simm.s32 @p1 $0x6  }
0x51: {  	_ =	swait.ge @p1 [sflag:s0], $0x4000  }
0x52: {  	s7 =	simm.s32 @!p1 $0x80;
	[sflag:s0] =	ssyncset.done @p1 $0x0  }
0x53: {  	s8 =	simm.s32 @!p1 $0x2A00;
	[sflag:s0] =	ssyncadd.s32 @p1 $0xFFFFC000;
	s0 =	sadd.s32 @!p1 $0x80, s31  }
0x54: {  	[tilespmem:s8], [sflag:$0x1] =	stream.indirect.gather @!p1 [hbm4b:s4+s7], $0x80, s0, s7, $0xb8;
	[tilespmem:$0x1E600] =	vst v63  }
0x55: {  	s0 =	simm.s32 @!p1 $0x2  }
0x56: {  	_ =	swait.ge @!p1 [sflag:s0], $0x4000  }
0x57: {  	[sflag:s0] =	ssyncset.done @!p1 $0x0  }
0x58: {  	s8 =	simm.s32 @!p1 $0x6A00;
	[sflag:s0] =	ssyncadd.s32 @!p1 $0xFFFFC000;
	s0 =	simm.s32 @!p1 $0x2980  }
0x59: {  	[spmem:s2] =	stream.indirect.scatter.add.f32 @!p1 [tilespmem:s8], [sflag:$0x6], $0x80, s0, s7, $0xb8;
	[tilespmem:$0x1E600] =	vst v63  }
.Ltmp2:
0x5a: {  	s0 =	simm.s32 @!p1 $0x6;
	(pc) =	sbr.rel @p0 .LBB2_4-.Ltmp2, $4  }
0x5b: {  	_ =	swait.ge @!p1 [sflag:s0], $0x4000  }
0x5c: {  	[sflag:s0] =	ssyncset.done @!p1 $0x0  }
0x5d: {  	[sflag:s0] =	ssyncadd.s32 @!p1 $0xFFFFC000;
	s0 =	sadd.s32 @!p1 $0x100, s31  }
0x5e: {  	[tilespmem:s8], [sflag:$0x2] =	stream.indirect.gather @!p1 [hbm4b:s4+s7], $0x80, s0, s7, $0xb8;
	[tilespmem:$0x1E600] =	vst v63  }
.Ltmp3:
0x5f: {  	(pc) =	sbr.rel .LBB2_2-.Ltmp3, $4  }
0x60: {  	s0 =	sadd.s32 s30, s14;
	s7 =	sand.u32 $0x60, s30  }
0x61: {  	s30 =	sadd.s32 $0x40, s30;
	s0 =	sand.u32 $0xFFFFF80, s0;
	s7 =	sadd.s32 s5, s7  }
0x62: {  	s31 =	sadd.s32 $0x200, s31;
	s1 =	sadd.s32 $0x2, s1;
	s0 =	sadd.s32 s0, s7  }
0x63: {  	[tilespmem:s18], [sflag:$0x4] =	stream.linear.gather [hbm4b:s0+s3], $0x100, $0x38;
	[tilespmem:$0x1E600] =	vst v63  }
.LBB2_5:
0x64: {  	_ =	sfence.sel $0x180000  }
0x65: {  	[bflag:$0x0] =	sbarrier.arrive $0xFFFF  }
0x66: {  	_ =	strace $0x9000004A  }
0x67: {  	s0 =	stileid.u32;
	[bflag:$0x2] =	sbarrier.arrive $0xFFFF  }
0x68: {  	p0 =	sne.s32 s0, $0x0;
	s0 =	rddreg [dreg:$0x2]  }
0x69: {  	s0 =	sadd.s32 @!p0 $0x100000, s0  }
0x6a: {  	[sflag:s0] =	ssyncadd.tile.s32 @!p0 $0x1;
	_ =	shalt  }
.Lfunc_end2:
_tile_overlayer_lowered:
.L_overlay_start_2:
0x6b: {  	(tag) =	ssettag $0x2  }
0x6c: {  	s0 =	rddreg [dreg:$0x0];
	s2 =	stileid.u32  }
0x6d: {  	s1 =	rddreg [dreg:$0x1];
	p0 =	sne.s32 s2, $0x0  }
0x6e: {  	s3 =	rddreg [dreg:$0x2];
	[bflag:$0x3] =	sbarrier.arrive $0xFFFF;
	s2 =	simm.s32 @!p0 $0x1C06  }
0x6f: {  	[timem:s3], [sflag:s2] =	dma.local @!p0 [hbm:s0], s1  }
0x70: {  	s0 =	simm.s32 @!p0 $0x6  }
0x71: {  	_ =	swait.ge @!p0 [sflag:s0], s1  }
0x72: {  	s1 =	ssub.s32 @!p0 $0x0, s1;
	[sflag:s0] =	ssyncset.done @!p0 $0x0  }
0x73: {  	[sflag:s0] =	ssyncadd.s32 @!p0 s1  }
0x74: {  	[bflag:$0x3] =	sbarrier.arrive $0xFFFF  }
0x75: {  	_ =	shalt  }

// kernel: kernel.14.cloned.1.call-start
scs
__scs_entry_jumppad:
0x0: {  	(pc) =	sbr.rel $0x88, $3  }
0x1: {  	(tag) =	ssettag $0x0;
	lr =	simm.s32 $0x1  }
0x2: {  	[smem:$0x3F9B] =	sst lr;
	_ =	strace $0xD0000000  }
0x3: {  	_ = 	snop  }
0x4: {  	_ = 	snop  }
0x5: {  	_ = 	snop  }
0x6: {  	_ = 	snop  }
0x7: {  	_ = 	snop  }
__scs_overlays_trampoline_lowered:
0x8: {  	[smem:$0x3FAA] =	sst s0  }
0x9: {  	[smem:$0x3FAB] =	sst s1  }
0xa: {  	[smem:$0x3FAC] =	sst s2  }
0xb: {  	[smem:$0x3FAD] =	sst s3  }
0xc: {  	[smem:$0x3FAE] =	sst s4  }
0xd: {  	[smem:$0x3FAF] =	sst s5  }
0xe: {  	[smem:$0x3FB0] =	sst s6  }
0xf: {  	[smem:$0x3FB1] =	sst s7  }
0x10: {  	[smem:$0x3FB2] =	sst s8  }
0x11: {  	[smem:$0x3FB3] =	sst s9;
	s0 =	simm.s32 @!p0 $0x0  }
0x12: {  	s1 =	sld [smem:$0x3F99];
	s0 =	simm.s32 @p0 $0x1  }
0x13: {  	[smem:$0x3FB4] =	sst s0;
	s0 =	simm.s32 @!p1 $0x0  }
0x14: {  	s2 =	sld [smem:$0x3F98];
	s0 =	simm.s32 @p1 $0x1  }
0x15: {  	[smem:$0x3FB5] =	sst s0;
	s0 =	simm.s32 @!p2 $0x0  }
0x16: {  	s3 =	sld [smem:$0x3FDB];
	s0 =	simm.s32 @p2 $0x1  }
0x17: {  	s4 =	simm.s32 $0x1BF5;
	[smem:$0x3FB7] =	sst s0  }
0x18: {  	s0 =	sld [smem:$0x3F9A];
	_ =	swait.ge [sflag:s4], $0x0  }
0x19: {  	s7 =	sld [smem:$0x3F9B]  }
0x1a: {  	s8 =	sadd.s32 $0xFFFFE003, lr  }
0x1b: {  	s9 =	sadd.s32 $0xFFFFFEF7, lr;
	s5 =	simm.s32 $0xFFFFFFFF;
	p2 =	slt.u32 s8, $0xFFFFF086  }
0x1c: {  	p1 =	slt.u32 s9, $0xF7A;
	s5 =	simm.s32 @!p2 $0x0  }
0x1d: {  	s5 =	simm.s32 @p1 $0x1;
	p0 =	seq.s32 s7, s2  }
0x1e: {  	s7 =	smul.u32 @!p0 $0xF7A, s2;
	p2 =	seq.s32 @!p0 s5, $0x0  }
0x1f: {  	s9 =	smul.u32 $0xF7A, s1;
	s8 =	simm.s32 @!p0 $0x1BF5;
	p2 =	por !p2, p0  }
0x20: {  	[sflag:s8] =	ssyncset.s32 @!p0 $0xFFFFF086;
	s6 =	sadd.s32 @!p0 s3, s7;
	s7 =	simm.s32 @!p0 $0x108  }
0x21: {  	s3 =	sadd.s32 s3, s9;
	s6 =	sadd.s32 @!p0 $0x88, s6;
	s7 =	simm.s32 @p2 $0x1082  }
0x22: {  	[simem:s7], [sflag:s8] =	dma.local @!p0 [hbm:s6], $0xF7A  }
0x23: {  	s9 =	sor.u32 $0xD0000000, s2;
	s6 =	simm.s32 $0x108;
	_ =	swait.ge @!p0 [sflag:s8], $0x0  }
0x24: {  	s3 =	sadd.s32 $0x88, s3;
	s6 =	simm.s32 @!p1 $0x1082;
	[sflag:s4] =	ssyncset.s32 $0xFFFFF086  }
0x25: {  	[simem:s6], [sflag:s4] =	dma.local [hbm:s3], $0xF7A  }
0x26: {  	[smem:$0x3F9B] =	sst s1;
	(tag) =	ssettag s2;
	_ =	strace s9  }
0x27: {  	s1 =	sld [smem:$0x3FAB]  }
0x28: {  	s2 =	sld [smem:$0x3FAC]  }
0x29: {  	s4 =	sld [smem:$0x3FAE]  }
0x2a: {  	p0 =	seq.s32 s5, $0x0;
	s5 =	sld [smem:$0x3FAF]  }
0x2b: {  	s6 =	sld [smem:$0x3FB0]  }
0x2c: {  	s7 =	sld [smem:$0x3FB1]  }
0x2d: {  	s3 =	simm.s32 $0x108;
	s8 =	sld [smem:$0x3FB2]  }
0x2e: {  	s3 =	simm.s32 @!p0 $0x1082;
	s9 =	sld [smem:$0x3FB3]  }
0x2f: {  	lr =	sadd.s32 s0, s3;
	s0 =	sld [smem:$0x3FAA]  }
0x30: {  	s3 =	sld [smem:$0x3FAD]  }
0x31: {  	[smem:$0x3FB6] =	sst s10  }
0x32: {  	s10 =	sld [smem:$0x3FB4];
	_ =	sdelay $0x3  }
0x33: {  	p0 =	seq.s32 s10, $0x1;
	s10 =	sld [smem:$0x3FB6];
	_ =	sdelay $0x3  }
0x34: {  	[smem:$0x3FB6] =	sst s10  }
0x35: {  	s10 =	sld [smem:$0x3FB5];
	_ =	sdelay $0x3  }
0x36: {  	p1 =	seq.s32 s10, $0x1;
	s10 =	sld [smem:$0x3FB6];
	_ =	sdelay $0x3  }
0x37: {  	[smem:$0x3FB6] =	sst s10  }
0x38: {  	s10 =	sld [smem:$0x3FB7]  }
0x39: {  	_ = 	snop;
	(pc) =	sbr.ind lr, $3  }
0x3a: {  	_ = 	snop  }
0x3b: {  	_ = 	snop  }
0x3c: {  	p2 =	seq.s32 s10, $0x1;
	s10 =	sld [smem:$0x3FB6]  }
0x3d: {  	_ =	shalt  }
0x3e: {  	_ =	shalt  }
0x3f: {  	_ =	shalt  }
0x40: {  	_ =	shalt  }
0x41: {  	_ =	shalt  }
0x42: {  	_ =	shalt  }
0x43: {  	_ =	shalt  }
0x44: {  	_ =	shalt  }
0x45: {  	_ =	shalt  }
0x46: {  	_ =	shalt  }
0x47: {  	_ =	shalt  }
0x48: {  	_ =	shalt  }
0x49: {  	_ =	shalt  }
0x4a: {  	_ =	shalt  }
0x4b: {  	_ =	shalt  }
0x4c: {  	_ =	shalt  }
0x4d: {  	_ =	shalt  }
0x4e: {  	_ =	shalt  }
0x4f: {  	_ =	shalt  }
0x50: {  	_ =	shalt  }
0x51: {  	_ =	shalt  }
0x52: {  	_ =	shalt  }
0x53: {  	_ =	shalt  }
0x54: {  	_ =	shalt  }
0x55: {  	_ =	shalt  }
0x56: {  	_ =	shalt  }
0x57: {  	_ =	shalt  }
0x58: {  	_ =	shalt  }
0x59: {  	_ =	shalt  }
0x5a: {  	_ =	shalt  }
0x5b: {  	_ =	shalt  }
0x5c: {  	_ =	shalt  }
0x5d: {  	_ =	shalt  }
0x5e: {  	_ =	shalt  }
0x5f: {  	_ =	shalt  }
0x60: {  	_ =	shalt  }
0x61: {  	_ =	shalt  }
0x62: {  	_ =	shalt  }
0x63: {  	_ =	shalt  }
0x64: {  	_ =	shalt  }
0x65: {  	_ =	shalt  }
0x66: {  	_ =	shalt  }
0x67: {  	_ =	shalt  }
0x68: {  	_ =	shalt  }
0x69: {  	_ =	shalt  }
0x6a: {  	_ =	shalt  }
0x6b: {  	_ =	shalt  }
0x6c: {  	_ =	shalt  }
0x6d: {  	_ =	shalt  }
0x6e: {  	_ =	shalt  }
0x6f: {  	_ =	shalt  }
0x70: {  	_ =	shalt  }
0x71: {  	_ =	shalt  }
0x72: {  	_ =	shalt  }
0x73: {  	_ =	shalt  }
0x74: {  	_ =	shalt  }
0x75: {  	_ =	shalt  }
0x76: {  	_ =	shalt  }
0x77: {  	_ =	shalt  }
0x78: {  	_ =	shalt  }
0x79: {  	_ =	shalt  }
0x7a: {  	_ =	shalt  }
0x7b: {  	_ =	shalt  }
0x7c: {  	_ =	shalt  }
0x7d: {  	_ =	shalt  }
0x7e: {  	_ =	shalt  }
0x7f: {  	_ =	shalt  }
0x80: {  	_ =	shalt  }
0x81: {  	_ =	shalt  }
0x82: {  	_ =	shalt  }
0x83: {  	_ =	shalt  }
0x84: {  	_ =	shalt  }
0x85: {  	_ =	shalt  }
0x86: {  	_ =	shalt  }
0x87: {  	_ =	shalt  }
.Lfunc_end0:
.L_simem_size_0:
called_computation.2_lowered:
.L_overlay_start_0:
0x88: {  	s2 =	sld [smem:$0x3FD9]  }
0x89: {  	s3 =	sld [smem:$0x3FFE];
	_ =	sdelay $0x1  }
0x8a: {  	s1 =	srdreg.scid  }
0x8b: {  	s0 =	sand.u32 $0x1, s1  }
0x8c: {  	s16 =	sshll.u32 s0, $0xA;
	s2 =	sadd.s32 s3, s2  }
0x8d: {  	s2 =	sadd.s32 s2, s16  }
0x8e: {  	[smem:$0x3FC2] =	sst s2  }
0x8f: {  	_ = 	snop  }
0x90: {  	(tm) =	ssettm $0x1  }
0x91: {  	s17 =	sld [smem:$0x3FFB];
	_ =	sdelay $0x3  }
0x92: {  	_ =	strace s17  }
0x93: {  	s2 =	sld [smem:$0x3FFC];
	_ =	sdelay $0x3  }
0x94: {  	_ =	strace s2  }
0x95: {  	s2 =	sld [smem:$0x3FFD];
	_ =	sdelay $0x3  }
0x96: {  	_ =	strace s2  }
0x97: {  	_ =	strace $0x8FFFFFFF  }
0x98: {  	s18 =	sld [smem:$0x3FDB];
	_ =	sdelay $0x1  }
0x99: {  	s19 =	simm.s32 $_scs_section_size  }
0x9a: {  	s4 =	simm.s32 $_size__tile_overlayer_lowered;
	s5 =	simm.s32 $_tile_overlayer_lowered  }
0x9b: {  	s22 =	simm.s32 $0x1BFF;
	s21 =	sshll.u32 s5, $0x1;
	s2 =	sadd.s32 s19, s18  }
0x9c: {  	s6 =	simm.s32 $0x0;
	s20 =	sshll.u32 s4, $0x1;
	s4 =	sadd.s32 s21, s2  }
0x9d: {  	[timem:s6], [sflag:s22] =	dma.local [hbm:s4], s20  }
0x9e: {  	_ =	swait.ge [sflag:s22], s20  }
0x9f: {  	s3 =	ssub.s32 $0x0, s20;
	[sflag:s22] =	ssyncset.done $0x0  }
0xa0: {  	[sflag:s22] =	ssyncadd.s32 s3;
	_ =	sdelay $0x1  }
0xa1: {  	s23 =	simm.s32 $0x1B8B  }
0xa2: {  	_ =	swait.ge [sflag:s23], $0x1  }
0xa3: {  	[sflag:s23] =	ssyncset.done $0x0  }
0xa4: {  	s25 =	simm.s32 $0x1B8E;
	s24 =	sld [smem:$0x3FFE];
	[sflag:s23] =	ssyncadd.s32 $0xFFFFFFFF  }
0xa5: {  	s26 =	simm.s32 $execute0_lowered;
	[smem:$0x3FD2] =	sst s25  }
0xa6: {  	s4 =	sshll.u32 s26, $0x1;
	_ =	strace $0x8000004C;
	[dreg:$0x1] =	wrdreg $0xFFFFFFFF  }
0xa7: {  	s28 =	simm.s32 $_size_execute0_lowered;
	s2 =	sadd.s32 s2, s4;
	[dreg:$0x0] =	wrdreg $0x0  }
0xa8: {  	s4 =	sshll.u32 s28, $0x1;
	[dreg:$0x2] =	wrdreg s2  }
0xa9: {  	[dreg:$0x3] =	wrdreg s4  }
0xaa: {  	[dreg:$0x4] =	wrdreg $0xC0  }
0xab: {  	_ =	task [dreg:s6], $0x5FFFF  }
0xac: {  	[dreg:$0x1] =	wrdreg $0xFFFFFFFF  }
0xad: {  	[dreg:$0x0] =	wrdreg $0x60  }
0xae: {  	[dreg:$0x2] =	wrdreg s24  }
0xaf: {  	[dreg:$0x3] =	wrdreg $0xAA000  }
0xb0: {  	[dreg:$0x4] =	wrdreg $0x9  }
0xb1: {  	_ =	task.clear_ibuf [dreg:s6], $0x5FFFF;
	_ =	strace $0x9000004C  }
0xb2: {  	s29 =	simm.s32 $0x9;
	_ =	strace $0x8000004E  }
0xb3: {  	_ =	swait.ge [sflag:s29], $0x1  }
0xb4: {  	[sflag:s29] =	ssyncadd.s32 $0xFFFFFFFF  }
0xb5: {  	_ =	strace $0x9000004E  }
0xb6: {  	_ =	sfence  }
0xb7: {  	s30 =	sld [smem:$0x0];
	_ =	sdelay $0x2  }
0xb8: {  	s31 =	sshll.u32 s1, $0xD;
	s1 =	sshrl.u32 s1, $0x2  }
0xb9: {  	s3 =	sand.u32 $0x4000, s31;
	s1 =	sadd.s32 s1, s30  }
0xba: {  	s0 =	sor.u32 s3, s0;
	s1 =	sshll.u32 s1, $0x11  }
0xbb: {  	s0 =	sor.u32 s1, s0  }
0xbc: {  	s0 =	sadd.s32 $0x8F2B, s0  }
0xbd: {  	[sflag:s0] =	ssyncadd.remote.s32 $0x1  }
0xbe: {  	_ =	sfence.sel $0xFFFF  }
0xbf: {  	[dreg:$0x0] =	wrdreg $0xFFFFFFFF;
	(pc) =	sbr.abs _section_cstart, $3  }
0xc0: {  	[dreg:$0x1] =	wrdreg $0xFFFFFFFF  }
0xc1: {  	_ =	task.clear_ibuf [dreg:s6], $0x2FFFF;
	_ =	strace $0x9FFFFFFF  }
0xc2: {  	(tm) =	ssettm $0x7FFFFFFF  }
0xc3: {  	_ =	shalt  }
tec
execute0_lowered:
.L_overlay_start_1:
0x0: {  	(tag) =	ssettag $0x1  }
0x1: {  	s0 =	srdreg.scid;
	s6 =	rddreg [dreg:$0x0]  }
0x2: {  	s23 =	stileid.u32;
	s2 =	rddreg [dreg:$0x1]  }
0x3: {  	s17 =	simm.s32 $0x2800;
	s18 =	simm.s32 $0x2900;
	s19 =	simm.s32 $0x80  }
0x4: {  	s20 =	simm.s32 $0x2A00;
	s21 =	simm.s32 $0x6A00;
	s7 =	smul.u32 $0x13C00, s23  }
0x5: {  	s22 =	simm.s32 $0x5;
	s28 =	simm.s32 $0x4;
	s24 =	smul.u32 $0x4F000, s23  }
0x6: {  	s29 =	simm.s32 $0x0;
	s1 =	sand.u32 $0x1, s0;
	s16 =	smul.u32 $0x500, s23  }
0x7: {  	s5 =	sadd.s32 $0x1A00, s6;
	s3 =	sshll.u32 s1, $0x4;
	s8 =	smul.u32 $0x13C000, s1  }
0x8: {  	s12 =	ssub.s32 $0x2, s1;
	s1 =	smul.u32 $0x5000, s1;
	s4 =	sor.u32 s23, s3  }
0x9: {  	s3 =	simm.s32 $0x0;
	s11 =	sshrl.u32 s7, $0x3;
	s25 =	sshrl.u32 s12, $0x1  }
0xa: {  	s26 =	sshrl.u32 s24, $0x2;
	s24 =	simm.s32 $0x1;
	s10 =	smul.u32 $0x500, s4  }
0xb: {  	[smem:$0x7FF] =	sst s3;
	s4 =	sadd.s32 $0x15A00, s6;
	s7 =	sadd.s32 s7, s8  }
0xc: {  	s11 =	sadd.s32 s11, s6;
	s14 =	ssub.s32 s12, s25;
	s15 =	sadd.s32 s26, s2  }
0xd: {  	s25 =	simm.s32 $0x2;
	s26 =	simm.s32 $0x2880;
	_ =	strace $0x8000004D  }
0xe: {  	s7 =	sshrl.u32 s7, $0x3;
	s30 =	sadd.s32 $0x3CC00, s11;
	s15 =	sshrl.u32 s15, $0x3  }
.Ltmp0:
0xf: {  	s9 =	sadd.s32 s10, s6;
	s13 =	sadd.s32 s7, s6;
	(pc) =	sbr.rel .LBB2_1-.Ltmp0, $4  }
0x10: {  	s6 =	sshll.u32 s23, $0x6;
	[dreg:$0x3] =	wrdreg s30;
	s10 =	sadd.s32 s5, s10  }
0x11: {  	s23 =	simm.s32 $0x3;
	s31 =	sor.u32 $0x1C05, s6;
	s9 =	sadd.s32 $0xBA00, s9  }
0x12: {  	s11 =	sadd.s32 $0x20, s10;
	s12 =	sadd.s32 $0x64400, s13;
	s13 =	smax.u32 s14, $0x1  }
0x13: {  	s14 =	sadd.s32 s16, s1;
	s16 =	simm.s32 $0x6;
	[dreg:$0x4] =	wrdreg s31  }
.LBB2_4:
0x14: {  	s29 =	sadd.s32 $0x1, s29  }
0x15: {  	p0 =	sne.s32 s29, s13  }
.Ltmp1:
0x16: {  	[bflag:$0x0] =	sbarrier.arrive $0xFFFF;
	s0 =	sor.u32 $0x1C06, s6;
	(pc) =	sbr.rel @!p0 .LBB2_5-.Ltmp1, $4  }
0x17: {  	[hbm:s12], [sflag:s0] =	dma.local [spmem:s15], $0x2780  }
0x18: {  	_ =	swait.ge [sflag:s16], $0x2780  }
0x19: {  	[sflag:s16] =	ssyncset.done $0x0  }
0x1a: {  	[sflag:s16] =	ssyncadd.s32 $0xFFFFD880  }
.LBB2_1:
0x1b: {  	s0 =	rddreg [dreg:$0x3]  }
0x1c: {  	s1 =	rddreg [dreg:$0x4]  }
0x1d: {  	[spmem:s15], [sflag:s1] =	dma.local [hbm:s0], $0x2780  }
0x1e: {  	[tilespmem:s3], [sflag:$0x6] =	stream.linear.gather [hbm4b:s9+s3], $0x2800, $0x38;
	[tilespmem:$0x1E600] =	vst v63  }
0x1f: {  	_ =	swait.ge [sflag:s16], $0x2800  }
0x20: {  	[sflag:s16] =	ssyncset.done $0x0  }
0x21: {  	[sflag:s16] =	ssyncadd.s32 $0xFFFFD800  }
0x22: {  	[tilespmem:s17], [sflag:$0x3] =	stream.linear.gather [hbm4b:s10+s3], $0x100, $0x38;
	[tilespmem:$0x1E600] =	vst v63  }
0x23: {  	_ = 	snop  }
0x24: {  	[tilespmem:s18], [sflag:$0x4] =	stream.linear.gather [hbm4b:s11+s3], $0x100, $0x38;
	[tilespmem:$0x1E600] =	vst v63  }
0x25: {  	_ = 	snop  }
0x26: {  	[tilespmem:s20], [sflag:$0x1] =	stream.indirect.gather [hbm4b:s4+s19], $0x80, s3, s19, $0xb8;
	[tilespmem:$0x1E600] =	vst v63  }
0x27: {  	_ = 	snop  }
0x28: {  	[tilespmem:s21], [sflag:$0x2] =	stream.indirect.gather [hbm4b:s4+s19], $0x80, s19, s19, $0xb8;
	[tilespmem:$0x1E600] =	vst v63  }
0x29: {  	_ =	swait.ge [sflag:s22], $0x2780  }
0x2a: {  	[sflag:s22] =	ssyncset.done $0x0  }
0x2b: {  	s30 =	simm.s32 $0x60;
	[sflag:s22] =	ssyncadd.s32 $0xFFFFD880  }
0x2c: {  	s31 =	simm.s32 $0x180;
	s1 =	simm.s32 $0x1;
	[bflag:$0x0] =	sbarrier.arrive $0xFFFF  }
.LBB2_2:
0x2d: {  	_ =	swait.ge [sflag:s23], $0x100  }
0x2e: {  	[sflag:s23] =	ssyncset.done $0x0  }
0x2f: {  	[sflag:s23] =	ssyncadd.s32 $0xFFFFFF00  }
0x30: {  	_ =	swait.ge [sflag:s24], $0x4000  }
0x31: {  	[sflag:s24] =	ssyncset.done $0x0  }
0x32: {  	[sflag:s24] =	ssyncadd.s32 $0xFFFFC000  }
0x33: {  	[spmem:s2] =	stream.indirect.scatter.add.f32 [tilespmem:s20], [sflag:$0x6], $0x80, s17, s19, $0xb8;
	[tilespmem:$0x1E600] =	vst v63  }
0x34: {  	_ =	swait.ge [sflag:s16], $0x4000  }
0x35: {  	[sflag:s16] =	ssyncset.done $0x0  }
0x36: {  	s0 =	sadd.s32 $0xFFFFFF80, s31;
	[sflag:s16] =	ssyncadd.s32 $0xFFFFC000  }
0x37: {  	[tilespmem:s20], [sflag:$0x1] =	stream.indirect.gather [hbm4b:s4+s19], $0x80, s0, s19, $0xb8;
	[tilespmem:$0x1E600] =	vst v63  }
0x38: {  	_ =	swait.ge [sflag:s25], $0x4000  }
0x39: {  	[sflag:s25] =	ssyncset.done $0x0  }
0x3a: {  	p0 =	seq.s32 s30, $0x520;
	[sflag:s25] =	ssyncadd.s32 $0xFFFFC000  }
0x3b: {  	[spmem:s2] =	stream.indirect.scatter.add.f32 [tilespmem:s21], [sflag:$0x6], $0x80, s26, s19, $0xb8;
	[tilespmem:$0x1E600] =	vst v63  }
0x3c: {  	s0 =	sadd.s32 @!p0 $0xFFFFFFE0, s30;
	_ =	swait.ge [sflag:s16], $0x4000  }
0x3d: {  	s7 =	sadd.s32 @!p0 s14, s0;
	s0 =	sand.u32 @!p0 $0x40, s0;
	[sflag:s16] =	ssyncset.done $0x0  }
0x3e: {  	s7 =	sand.u32 @!p0 $0xFFFFF80, s7;
	s0 =	sadd.s32 @!p0 s5, s0;
	[sflag:s16] =	ssyncadd.s32 $0xFFFFC000  }
0x3f: {  	[tilespmem:s21], [sflag:$0x2] =	stream.indirect.gather [hbm4b:s4+s19], $0x80, s31, s19, $0xb8;
	[tilespmem:$0x1E600] =	vst v63  }
0x40: {  	s8 =	simm.s32 @!p0 $0x2800;
	s0 =	sadd.s32 @!p0 s7, s0;
	s7 =	simm.s32 @!p0 $0x0  }
0x41: {  	[tilespmem:s8], [sflag:$0x3] =	stream.linear.gather @!p0 [hbm4b:s0+s7], $0x100, $0x38;
	[tilespmem:$0x1E600] =	vst v63  }
0x42: {  	_ =	swait.ge [sflag:s28], $0x100  }
0x43: {  	[sflag:s28] =	ssyncset.done $0x0  }
0x44: {  	[sflag:s28] =	ssyncadd.s32 $0xFFFFFF00  }
0x45: {  	_ =	swait.ge [sflag:s24], $0x4000  }
0x46: {  	[sflag:s24] =	ssyncset.done $0x0  }
0x47: {  	[sflag:s24] =	ssyncadd.s32 $0xFFFFC000  }
0x48: {  	[spmem:s2] =	stream.indirect.scatter.add.f32 [tilespmem:s20], [sflag:$0x6], $0x80, s18, s19, $0xb8;
	[tilespmem:$0x1E600] =	vst v63  }
0x49: {  	_ =	swait.ge [sflag:s16], $0x4000  }
0x4a: {  	p1 =	sgt.u32 s1, $0x26;
	[sflag:s16] =	ssyncset.done $0x0  }
0x4b: {  	s0 =	simm.s32 @p1 $0x2;
	[sflag:s16] =	ssyncadd.s32 $0xFFFFC000  }
0x4c: {  	_ =	swait.ge @p1 [sflag:s0], $0x4000  }
0x4d: {  	s7 =	simm.s32 @p1 $0x2980;
	[sflag:s0] =	ssyncset.done @p1 $0x0  }
0x4e: {  	s8 =	simm.s32 @p1 $0x6A00;
	[sflag:s0] =	ssyncadd.s32 @p1 $0xFFFFC000;
	s0 =	simm.s32 @p1 $0x80  }
0x4f: {  	[spmem:s2] =	stream.indirect.scatter.add.f32 @p1 [tilespmem:s8], [sflag:$0x6], $0x80, s7, s0, $0xb8;
	[tilespmem:$0x1E600] =	vst v63  }
0x50: {  	s0 =	simm.s32 @p1 $0x6  }
0x51: {  	_ =	swait.ge @p1 [sflag:s0], $0x4000  }
0x52: {  	s7 =	simm.s32 @!p1 $0x80;
	[sflag:s0] =	ssyncset.done @p1 $0x0  }
0x53: {  	s8 =	simm.s32 @!p1 $0x2A00;
	[sflag:s0] =	ssyncadd.s32 @p1 $0xFFFFC000;
	s0 =	sadd.s32 @!p1 $0x80, s31  }
0x54: {  	[tilespmem:s8], [sflag:$0x1] =	stream.indirect.gather @!p1 [hbm4b:s4+s7], $0x80, s0, s7, $0xb8;
	[tilespmem:$0x1E600] =	vst v63  }
0x55: {  	s0 =	simm.s32 @!p1 $0x2  }
0x56: {  	_ =	swait.ge @!p1 [sflag:s0], $0x4000  }
0x57: {  	[sflag:s0] =	ssyncset.done @!p1 $0x0  }
0x58: {  	s8 =	simm.s32 @!p1 $0x6A00;
	[sflag:s0] =	ssyncadd.s32 @!p1 $0xFFFFC000;
	s0 =	simm.s32 @!p1 $0x2980  }
0x59: {  	[spmem:s2] =	stream.indirect.scatter.add.f32 @!p1 [tilespmem:s8], [sflag:$0x6], $0x80, s0, s7, $0xb8;
	[tilespmem:$0x1E600] =	vst v63  }
.Ltmp2:
0x5a: {  	s0 =	simm.s32 @!p1 $0x6;
	(pc) =	sbr.rel @p0 .LBB2_4-.Ltmp2, $4  }
0x5b: {  	_ =	swait.ge @!p1 [sflag:s0], $0x4000  }
0x5c: {  	[sflag:s0] =	ssyncset.done @!p1 $0x0  }
0x5d: {  	[sflag:s0] =	ssyncadd.s32 @!p1 $0xFFFFC000;
	s0 =	sadd.s32 @!p1 $0x100, s31  }
0x5e: {  	[tilespmem:s8], [sflag:$0x2] =	stream.indirect.gather @!p1 [hbm4b:s4+s7], $0x80, s0, s7, $0xb8;
	[tilespmem:$0x1E600] =	vst v63  }
.Ltmp3:
0x5f: {  	(pc) =	sbr.rel .LBB2_2-.Ltmp3, $4  }
0x60: {  	s0 =	sadd.s32 s30, s14;
	s7 =	sand.u32 $0x60, s30  }
0x61: {  	s30 =	sadd.s32 $0x40, s30;
	s0 =	sand.u32 $0xFFFFF80, s0;
	s7 =	sadd.s32 s5, s7  }
0x62: {  	s31 =	sadd.s32 $0x200, s31;
	s1 =	sadd.s32 $0x2, s1;
	s0 =	sadd.s32 s0, s7  }
0x63: {  	[tilespmem:s18], [sflag:$0x4] =	stream.linear.gather [hbm4b:s0+s3], $0x100, $0x38;
	[tilespmem:$0x1E600] =	vst v63  }
.LBB2_5:
0x64: {  	_ =	sfence.sel $0x180000  }
0x65: {  	[bflag:$0x0] =	sbarrier.arrive $0xFFFF  }
0x66: {  	_ =	strace $0x9000004D  }
0x67: {  	s0 =	stileid.u32;
	[bflag:$0x2] =	sbarrier.arrive $0xFFFF  }
0x68: {  	p0 =	sne.s32 s0, $0x0;
	s0 =	rddreg [dreg:$0x2]  }
0x69: {  	s0 =	sadd.s32 @!p0 $0x100000, s0  }
0x6a: {  	[sflag:s0] =	ssyncadd.tile.s32 @!p0 $0x1;
	_ =	shalt  }
.Lfunc_end2:
_tile_overlayer_lowered:
.L_overlay_start_2:
0x6b: {  	(tag) =	ssettag $0x2  }
0x6c: {  	s0 =	rddreg [dreg:$0x0];
	s2 =	stileid.u32  }
0x6d: {  	s1 =	rddreg [dreg:$0x1];
	p0 =	sne.s32 s2, $0x0  }
0x6e: {  	s3 =	rddreg [dreg:$0x2];
	[bflag:$0x3] =	sbarrier.arrive $0xFFFF;
	s2 =	simm.s32 @!p0 $0x1C06  }
0x6f: {  	[timem:s3], [sflag:s2] =	dma.local @!p0 [hbm:s0], s1  }
0x70: {  	s0 =	simm.s32 @!p0 $0x6  }
0x71: {  	_ =	swait.ge @!p0 [sflag:s0], s1  }
0x72: {  	s1 =	ssub.s32 @!p0 $0x0, s1;
	[sflag:s0] =	ssyncset.done @!p0 $0x0  }
0x73: {  	[sflag:s0] =	ssyncadd.s32 @!p0 s1  }
0x74: {  	[bflag:$0x3] =	sbarrier.arrive $0xFFFF  }
0x75: {  	_ =	shalt  }

// kernel: kernel.8.cloned.1.call-start
scs
__scs_entry_jumppad:
0x0: {  	(pc) =	sbr.rel $0x88, $3  }
0x1: {  	(tag) =	ssettag $0x0;
	lr =	simm.s32 $0x1  }
0x2: {  	[smem:$0x3F9B] =	sst lr;
	_ =	strace $0xD0000000  }
0x3: {  	_ = 	snop  }
0x4: {  	_ = 	snop  }
0x5: {  	_ = 	snop  }
0x6: {  	_ = 	snop  }
0x7: {  	_ = 	snop  }
__scs_overlays_trampoline_lowered:
0x8: {  	[smem:$0x3FAA] =	sst s0  }
0x9: {  	[smem:$0x3FAB] =	sst s1  }
0xa: {  	[smem:$0x3FAC] =	sst s2  }
0xb: {  	[smem:$0x3FAD] =	sst s3  }
0xc: {  	[smem:$0x3FAE] =	sst s4  }
0xd: {  	[smem:$0x3FAF] =	sst s5  }
0xe: {  	[smem:$0x3FB0] =	sst s6  }
0xf: {  	[smem:$0x3FB1] =	sst s7  }
0x10: {  	[smem:$0x3FB2] =	sst s8  }
0x11: {  	[smem:$0x3FB3] =	sst s9;
	s0 =	simm.s32 @!p0 $0x0  }
0x12: {  	s1 =	sld [smem:$0x3F99];
	s0 =	simm.s32 @p0 $0x1  }
0x13: {  	[smem:$0x3FB4] =	sst s0;
	s0 =	simm.s32 @!p1 $0x0  }
0x14: {  	s2 =	sld [smem:$0x3F98];
	s0 =	simm.s32 @p1 $0x1  }
0x15: {  	[smem:$0x3FB5] =	sst s0;
	s0 =	simm.s32 @!p2 $0x0  }
0x16: {  	s3 =	sld [smem:$0x3FDB];
	s0 =	simm.s32 @p2 $0x1  }
0x17: {  	s4 =	simm.s32 $0x1BF5;
	[smem:$0x3FB7] =	sst s0  }
0x18: {  	s0 =	sld [smem:$0x3F9A];
	_ =	swait.ge [sflag:s4], $0x0  }
0x19: {  	s7 =	sld [smem:$0x3F9B]  }
0x1a: {  	s8 =	sadd.s32 $0xFFFFE003, lr  }
0x1b: {  	s9 =	sadd.s32 $0xFFFFFEF7, lr;
	s5 =	simm.s32 $0xFFFFFFFF;
	p2 =	slt.u32 s8, $0xFFFFF086  }
0x1c: {  	p1 =	slt.u32 s9, $0xF7A;
	s5 =	simm.s32 @!p2 $0x0  }
0x1d: {  	s5 =	simm.s32 @p1 $0x1;
	p0 =	seq.s32 s7, s2  }
0x1e: {  	s7 =	smul.u32 @!p0 $0xF7A, s2;
	p2 =	seq.s32 @!p0 s5, $0x0  }
0x1f: {  	s9 =	smul.u32 $0xF7A, s1;
	s8 =	simm.s32 @!p0 $0x1BF5;
	p2 =	por !p2, p0  }
0x20: {  	[sflag:s8] =	ssyncset.s32 @!p0 $0xFFFFF086;
	s6 =	sadd.s32 @!p0 s3, s7;
	s7 =	simm.s32 @!p0 $0x108  }
0x21: {  	s3 =	sadd.s32 s3, s9;
	s6 =	sadd.s32 @!p0 $0x88, s6;
	s7 =	simm.s32 @p2 $0x1082  }
0x22: {  	[simem:s7], [sflag:s8] =	dma.local @!p0 [hbm:s6], $0xF7A  }
0x23: {  	s9 =	sor.u32 $0xD0000000, s2;
	s6 =	simm.s32 $0x108;
	_ =	swait.ge @!p0 [sflag:s8], $0x0  }
0x24: {  	s3 =	sadd.s32 $0x88, s3;
	s6 =	simm.s32 @!p1 $0x1082;
	[sflag:s4] =	ssyncset.s32 $0xFFFFF086  }
0x25: {  	[simem:s6], [sflag:s4] =	dma.local [hbm:s3], $0xF7A  }
0x26: {  	[smem:$0x3F9B] =	sst s1;
	(tag) =	ssettag s2;
	_ =	strace s9  }
0x27: {  	s1 =	sld [smem:$0x3FAB]  }
0x28: {  	s2 =	sld [smem:$0x3FAC]  }
0x29: {  	s4 =	sld [smem:$0x3FAE]  }
0x2a: {  	p0 =	seq.s32 s5, $0x0;
	s5 =	sld [smem:$0x3FAF]  }
0x2b: {  	s6 =	sld [smem:$0x3FB0]  }
0x2c: {  	s7 =	sld [smem:$0x3FB1]  }
0x2d: {  	s3 =	simm.s32 $0x108;
	s8 =	sld [smem:$0x3FB2]  }
0x2e: {  	s3 =	simm.s32 @!p0 $0x1082;
	s9 =	sld [smem:$0x3FB3]  }
0x2f: {  	lr =	sadd.s32 s0, s3;
	s0 =	sld [smem:$0x3FAA]  }
0x30: {  	s3 =	sld [smem:$0x3FAD]  }
0x31: {  	[smem:$0x3FB6] =	sst s10  }
0x32: {  	s10 =	sld [smem:$0x3FB4];
	_ =	sdelay $0x3  }
0x33: {  	p0 =	seq.s32 s10, $0x1;
	s10 =	sld [smem:$0x3FB6];
	_ =	sdelay $0x3  }
0x34: {  	[smem:$0x3FB6] =	sst s10  }
0x35: {  	s10 =	sld [smem:$0x3FB5];
	_ =	sdelay $0x3  }
0x36: {  	p1 =	seq.s32 s10, $0x1;
	s10 =	sld [smem:$0x3FB6];
	_ =	sdelay $0x3  }
0x37: {  	[smem:$0x3FB6] =	sst s10  }
0x38: {  	s10 =	sld [smem:$0x3FB7]  }
0x39: {  	_ = 	snop;
	(pc) =	sbr.ind lr, $3  }
0x3a: {  	_ = 	snop  }
0x3b: {  	_ = 	snop  }
0x3c: {  	p2 =	seq.s32 s10, $0x1;
	s10 =	sld [smem:$0x3FB6]  }
0x3d: {  	_ =	shalt  }
0x3e: {  	_ =	shalt  }
0x3f: {  	_ =	shalt  }
0x40: {  	_ =	shalt  }
0x41: {  	_ =	shalt  }
0x42: {  	_ =	shalt  }
0x43: {  	_ =	shalt  }
0x44: {  	_ =	shalt  }
0x45: {  	_ =	shalt  }
0x46: {  	_ =	shalt  }
0x47: {  	_ =	shalt  }
0x48: {  	_ =	shalt  }
0x49: {  	_ =	shalt  }
0x4a: {  	_ =	shalt  }
0x4b: {  	_ =	shalt  }
0x4c: {  	_ =	shalt  }
0x4d: {  	_ =	shalt  }
0x4e: {  	_ =	shalt  }
0x4f: {  	_ =	shalt  }
0x50: {  	_ =	shalt  }
0x51: {  	_ =	shalt  }
0x52: {  	_ =	shalt  }
0x53: {  	_ =	shalt  }
0x54: {  	_ =	shalt  }
0x55: {  	_ =	shalt  }
0x56: {  	_ =	shalt  }
0x57: {  	_ =	shalt  }
0x58: {  	_ =	shalt  }
0x59: {  	_ =	shalt  }
0x5a: {  	_ =	shalt  }
0x5b: {  	_ =	shalt  }
0x5c: {  	_ =	shalt  }
0x5d: {  	_ =	shalt  }
0x5e: {  	_ =	shalt  }
0x5f: {  	_ =	shalt  }
0x60: {  	_ =	shalt  }
0x61: {  	_ =	shalt  }
0x62: {  	_ =	shalt  }
0x63: {  	_ =	shalt  }
0x64: {  	_ =	shalt  }
0x65: {  	_ =	shalt  }
0x66: {  	_ =	shalt  }
0x67: {  	_ =	shalt  }
0x68: {  	_ =	shalt  }
0x69: {  	_ =	shalt  }
0x6a: {  	_ =	shalt  }
0x6b: {  	_ =	shalt  }
0x6c: {  	_ =	shalt  }
0x6d: {  	_ =	shalt  }
0x6e: {  	_ =	shalt  }
0x6f: {  	_ =	shalt  }
0x70: {  	_ =	shalt  }
0x71: {  	_ =	shalt  }
0x72: {  	_ =	shalt  }
0x73: {  	_ =	shalt  }
0x74: {  	_ =	shalt  }
0x75: {  	_ =	shalt  }
0x76: {  	_ =	shalt  }
0x77: {  	_ =	shalt  }
0x78: {  	_ =	shalt  }
0x79: {  	_ =	shalt  }
0x7a: {  	_ =	shalt  }
0x7b: {  	_ =	shalt  }
0x7c: {  	_ =	shalt  }
0x7d: {  	_ =	shalt  }
0x7e: {  	_ =	shalt  }
0x7f: {  	_ =	shalt  }
0x80: {  	_ =	shalt  }
0x81: {  	_ =	shalt  }
0x82: {  	_ =	shalt  }
0x83: {  	_ =	shalt  }
0x84: {  	_ =	shalt  }
0x85: {  	_ =	shalt  }
0x86: {  	_ =	shalt  }
0x87: {  	_ =	shalt  }
.Lfunc_end0:
.L_simem_size_0:
called_computation_lowered:
.L_overlay_start_0:
0x88: {  	s2 =	sld [smem:$0x3FD9]  }
0x89: {  	s3 =	sld [smem:$0x3FFE];
	_ =	sdelay $0x1  }
0x8a: {  	s1 =	srdreg.scid  }
0x8b: {  	s0 =	sand.u32 $0x1, s1  }
0x8c: {  	s16 =	sshll.u32 s0, $0xA;
	s2 =	sadd.s32 s3, s2  }
0x8d: {  	s2 =	sadd.s32 s2, s16  }
0x8e: {  	[smem:$0x3FC2] =	sst s2  }
0x8f: {  	_ = 	snop  }
0x90: {  	(tm) =	ssettm $0x1  }
0x91: {  	s17 =	sld [smem:$0x3FFB];
	_ =	sdelay $0x3  }
0x92: {  	_ =	strace s17  }
0x93: {  	s2 =	sld [smem:$0x3FFC];
	_ =	sdelay $0x3  }
0x94: {  	_ =	strace s2  }
0x95: {  	s2 =	sld [smem:$0x3FFD];
	_ =	sdelay $0x3  }
0x96: {  	_ =	strace s2  }
0x97: {  	_ =	strace $0x8FFFFFFF  }
0x98: {  	s18 =	sld [smem:$0x3FDB];
	_ =	sdelay $0x1  }
0x99: {  	s19 =	simm.s32 $_scs_section_size  }
0x9a: {  	s4 =	simm.s32 $_size__tile_overlayer_lowered;
	s5 =	simm.s32 $_tile_overlayer_lowered  }
0x9b: {  	s22 =	simm.s32 $0x1BFF;
	s21 =	sshll.u32 s5, $0x1;
	s2 =	sadd.s32 s19, s18  }
0x9c: {  	s6 =	simm.s32 $0x0;
	s20 =	sshll.u32 s4, $0x1;
	s4 =	sadd.s32 s21, s2  }
0x9d: {  	[timem:s6], [sflag:s22] =	dma.local [hbm:s4], s20  }
0x9e: {  	_ =	swait.ge [sflag:s22], s20  }
0x9f: {  	s3 =	ssub.s32 $0x0, s20;
	[sflag:s22] =	ssyncset.done $0x0  }
0xa0: {  	[sflag:s22] =	ssyncadd.s32 s3;
	_ =	sdelay $0x1  }
0xa1: {  	s23 =	simm.s32 $0x1B8B  }
0xa2: {  	_ =	swait.ge [sflag:s23], $0x1  }
0xa3: {  	[sflag:s23] =	ssyncset.done $0x0  }
0xa4: {  	s25 =	simm.s32 $0x1B8E;
	s24 =	sld [smem:$0x3FFE];
	[sflag:s23] =	ssyncadd.s32 $0xFFFFFFFF  }
0xa5: {  	s26 =	simm.s32 $execute0_lowered;
	[smem:$0x3FD2] =	sst s25  }
0xa6: {  	s4 =	sshll.u32 s26, $0x1;
	_ =	strace $0x80000046;
	[dreg:$0x1] =	wrdreg $0xFFFFFFFF  }
0xa7: {  	s28 =	simm.s32 $_size_execute0_lowered;
	s2 =	sadd.s32 s2, s4;
	[dreg:$0x0] =	wrdreg $0x0  }
0xa8: {  	s4 =	sshll.u32 s28, $0x1;
	[dreg:$0x2] =	wrdreg s2  }
0xa9: {  	[dreg:$0x3] =	wrdreg s4  }
0xaa: {  	[dreg:$0x4] =	wrdreg $0xC0  }
0xab: {  	_ =	task [dreg:s6], $0x5FFFF  }
0xac: {  	[dreg:$0x1] =	wrdreg $0xFFFFFFFF  }
0xad: {  	[dreg:$0x0] =	wrdreg $0x60  }
0xae: {  	[dreg:$0x2] =	wrdreg s24  }
0xaf: {  	[dreg:$0x3] =	wrdreg $0x2C800  }
0xb0: {  	[dreg:$0x4] =	wrdreg $0x9  }
0xb1: {  	_ =	task.clear_ibuf [dreg:s6], $0x5FFFF;
	_ =	strace $0x90000046  }
0xb2: {  	s29 =	simm.s32 $0x9;
	_ =	strace $0x80000048  }
0xb3: {  	_ =	swait.ge [sflag:s29], $0x1  }
0xb4: {  	[sflag:s29] =	ssyncadd.s32 $0xFFFFFFFF  }
0xb5: {  	_ =	strace $0x90000048  }
0xb6: {  	_ =	sfence  }
0xb7: {  	s30 =	sld [smem:$0x0];
	_ =	sdelay $0x2  }
0xb8: {  	s31 =	sshll.u32 s1, $0xD;
	s1 =	sshrl.u32 s1, $0x2  }
0xb9: {  	s3 =	sand.u32 $0x4000, s31;
	s1 =	sadd.s32 s1, s30  }
0xba: {  	s0 =	sor.u32 s3, s0;
	s1 =	sshll.u32 s1, $0x11  }
0xbb: {  	s0 =	sor.u32 s1, s0  }
0xbc: {  	s0 =	sadd.s32 $0x8F2B, s0  }
0xbd: {  	[sflag:s0] =	ssyncadd.remote.s32 $0x1  }
0xbe: {  	_ =	sfence.sel $0xFFFF  }
0xbf: {  	[dreg:$0x0] =	wrdreg $0xFFFFFFFF;
	(pc) =	sbr.abs _section_cstart, $3  }
0xc0: {  	[dreg:$0x1] =	wrdreg $0xFFFFFFFF  }
0xc1: {  	_ =	task.clear_ibuf [dreg:s6], $0x2FFFF;
	_ =	strace $0x9FFFFFFF  }
0xc2: {  	(tm) =	ssettm $0x7FFFFFFF  }
0xc3: {  	_ =	shalt  }
tec
execute0_lowered:
.L_overlay_start_1:
0x0: {  	(tag) =	ssettag $0x1  }
0x1: {  	s0 =	srdreg.scid;
	s5 =	rddreg [dreg:$0x0]  }
0x2: {  	s2 =	rddreg [dreg:$0x1];
	s3 =	simm.s32 $0x0;
	s14 =	simm.s32 $0x2880  }
0x3: {  	s15 =	simm.s32 $0x2;
	s16 =	simm.s32 $0x80;
	s17 =	simm.s32 $0x2800  }
0x4: {  	s18 =	simm.s32 $0x1;
	s19 =	simm.s32 $0x2900;
	s20 =	simm.s32 $0x0  }
0x5: {  	s4 =	sand.u32 $0x1, s0;
	s0 =	stileid.u32;
	[smem:$0x7FF] =	sst s3  }
0x6: {  	s1 =	sshll.u32 s4, $0x4;
	s7 =	smul.u32 $0x320, s0;
	s31 =	ssub.s32 $0x2, s4  }
0x7: {  	s8 =	smul.u32 $0x3200, s4;
	s1 =	sor.u32 s0, s1;
	s9 =	sshrl.u32 s31, $0x1  }
0x8: {  	s6 =	smul.u32 $0x500, s1;
	s1 =	rddreg [dreg:$0x2];
	_ =	strace $0x80000047  }
0x9: {  	s30 =	sadd.s32 s7, s8;
	s4 =	sadd.s32 s7, s2;
	s13 =	ssub.s32 s31, s9  }
0xa: {  	s7 =	sadd.s32 $0x180, s4;
	s8 =	sadd.s32 $0x200, s4;
	s9 =	sadd.s32 $0x280, s4  }
0xb: {  	s10 =	sadd.s32 $0x300, s4;
	s11 =	sadd.s32 s6, s5;
	s6 =	sshrl.u32 s30, $0x3  }
0xc: {  	s13 =	smax.u32 s13, $0x1;
	s12 =	sadd.s32 s6, s5;
	s5 =	sadd.s32 $0x80, s4  }
0xd: {  	v0 =	vimm.f32 $1.000000000e+00;
	v1 =	vimm.f32 $0.0e+00;
	s6 =	sadd.s32 $0x100, s4;
	s11 =	sadd.s32 $0x1A00, s11;
	s12 =	sadd.s32 $0x15A00, s12  }
.LBB2_1:
0xe: {  	[tilespmem:$0x2800] =	vst v0  }
0xf: {  	[tilespmem:$0x2880] =	vst v1  }
0x10: {  	[tilespmem:$0x2810] =	vst v0  }
0x11: {  	[tilespmem:$0x2890] =	vst v1  }
0x12: {  	[tilespmem:$0x2820] =	vst v0  }
0x13: {  	[tilespmem:$0x28A0] =	vst v1  }
0x14: {  	[tilespmem:$0x2830] =	vst v0  }
0x15: {  	[tilespmem:$0x28B0] =	vst v1  }
0x16: {  	[tilespmem:$0x2840] =	vst v0  }
0x17: {  	[tilespmem:$0x28C0] =	vst v1  }
0x18: {  	[tilespmem:$0x2850] =	vst v0  }
0x19: {  	[tilespmem:$0x28D0] =	vst v1  }
0x1a: {  	[tilespmem:$0x2860] =	vst v0  }
0x1b: {  	[tilespmem:$0x28E0] =	vst v1  }
0x1c: {  	[tilespmem:$0x2870] =	vst v0  }
0x1d: {  	[tilespmem:$0x28F0] =	vst v1  }
0x1e: {  	[spmem:s4] =	stream.linear.scatter [tilespmem:s14], [sflag:$0x2], $0x80, $0x38;
	[tilespmem:$0x2FA0] =	vst v63  }
0x1f: {  	_ =	swait.ge [sflag:s15], $0x80  }
0x20: {  	[sflag:s15] =	ssyncset.done $0x0  }
0x21: {  	[sflag:s15] =	ssyncadd.s32 $0xFFFFFF80  }
0x22: {  	[spmem:s5] =	stream.linear.scatter [tilespmem:s14], [sflag:$0x2], $0x80, $0x38;
	[tilespmem:$0x2FA0] =	vst v63  }
0x23: {  	_ =	swait.ge [sflag:s15], $0x80  }
0x24: {  	[sflag:s15] =	ssyncset.done $0x0  }
0x25: {  	[sflag:s15] =	ssyncadd.s32 $0xFFFFFF80  }
0x26: {  	[spmem:s6] =	stream.linear.scatter [tilespmem:s14], [sflag:$0x2], $0x80, $0x38;
	[tilespmem:$0x2FA0] =	vst v63  }
0x27: {  	_ =	swait.ge [sflag:s15], $0x80  }
0x28: {  	[sflag:s15] =	ssyncset.done $0x0  }
0x29: {  	[sflag:s15] =	ssyncadd.s32 $0xFFFFFF80  }
0x2a: {  	[spmem:s7] =	stream.linear.scatter [tilespmem:s14], [sflag:$0x2], $0x80, $0x38;
	[tilespmem:$0x2FA0] =	vst v63  }
0x2b: {  	_ =	swait.ge [sflag:s15], $0x80  }
0x2c: {  	[sflag:s15] =	ssyncset.done $0x0  }
0x2d: {  	[sflag:s15] =	ssyncadd.s32 $0xFFFFFF80  }
0x2e: {  	[spmem:s8] =	stream.linear.scatter [tilespmem:s14], [sflag:$0x2], $0x80, $0x38;
	[tilespmem:$0x2FA0] =	vst v63  }
0x2f: {  	_ =	swait.ge [sflag:s15], $0x80  }
0x30: {  	[sflag:s15] =	ssyncset.done $0x0  }
0x31: {  	[sflag:s15] =	ssyncadd.s32 $0xFFFFFF80  }
0x32: {  	[spmem:s9] =	stream.linear.scatter [tilespmem:s14], [sflag:$0x2], $0x80, $0x38;
	[tilespmem:$0x2FA0] =	vst v63  }
0x33: {  	_ =	swait.ge [sflag:s15], $0x80  }
0x34: {  	[sflag:s15] =	ssyncset.done $0x0  }
0x35: {  	[sflag:s15] =	ssyncadd.s32 $0xFFFFFF80  }
0x36: {  	[spmem:s10] =	stream.linear.scatter [tilespmem:s14], [sflag:$0x2], $0x20, $0x38;
	[tilespmem:$0x2FA0] =	vst v63  }
0x37: {  	_ =	swait.ge [sflag:s15], $0x20  }
0x38: {  	[sflag:s15] =	ssyncset.done $0x0  }
0x39: {  	[sflag:s15] =	ssyncadd.s32 $0xFFFFFFE0  }
0x3a: {  	[tilespmem:s3], [sflag:$0x2] =	stream.linear.gather [hbm4b:s11+s3], $0x2800, $0x38;
	[tilespmem:$0x2FA0] =	vst v63  }
0x3b: {  	_ =	swait.ge [sflag:s15], $0x2800  }
0x3c: {  	[sflag:s15] =	ssyncset.done $0x0  }
0x3d: {  	p0 =	por $0x1, $0x1;
	[sflag:s15] =	ssyncadd.s32 $0xFFFFD800  }
0x3e: {  	s23 =	simm.s32 @!p0 $0x1;
	[bflag:$0x0] =	sbarrier.arrive $0xFFFF  }
0x3f: {  	[spmem:s2] =	stream.indirect.scatter.add.f32 [tilespmem:s17], [sflag:$0x1], $0x1, s3, s16, $0xb8;
	[tilespmem:$0x2FA0] =	vst v63  }
0x40: {  	_ =	swait.ge @!p0 [sflag:s23], $0x80  }
0x41: {  	s21 =	simm.s32 $0x1;
	s22 =	simm.s32 $0x0;
	[sflag:s23] =	ssyncset.done @!p0 $0x0  }
.LBB2_2:
0x42: {  	[sflag:s23] =	ssyncadd.s32 @!p0 $0xFFFFFF80  }
0x43: {  	s22 =	sadd.s32 $0x80, s22;
	s23 =	smov.u32 s21;
	s21 =	sadd.s32 $0x1, s21  }
0x44: {  	p1 =	sne.s32 s21, $0x50  }
0x45: {  	[spmem:s2] =	stream.indirect.scatter.add.f32 [tilespmem:s17], [sflag:$0x1], $0x1, s22, s16, $0xb8;
	[tilespmem:$0x2FA0] =	vst v63  }
.Ltmp0:
0x46: {  	_ = 	snop;
	(pc) =	sbr.rel @p1 .LBB2_2-.Ltmp0, $4  }
0x47: {  	p0 =	slt.u32 s23, $0x8  }
0x48: {  	s23 =	simm.s32 @!p0 $0x1  }
0x49: {  	_ =	swait.ge @!p0 [sflag:s23], $0x80  }
0x4a: {  	[sflag:s23] =	ssyncset.done @!p0 $0x0  }
0x4b: {  	[sflag:s23] =	ssyncadd.s32 @!p0 $0xFFFFFF80  }
0x4c: {  	_ =	swait.ge [sflag:s18], $0x80  }
0x4d: {  	[sflag:s18] =	ssyncset.done $0x0  }
0x4e: {  	[sflag:s18] =	ssyncadd.s32 $0xFFFFFF80  }
0x4f: {  	_ =	swait.ge [sflag:s18], $0x80  }
0x50: {  	[sflag:s18] =	ssyncset.done $0x0  }
0x51: {  	[sflag:s18] =	ssyncadd.s32 $0xFFFFFF80  }
0x52: {  	_ =	swait.ge [sflag:s18], $0x80  }
0x53: {  	[sflag:s18] =	ssyncset.done $0x0  }
0x54: {  	[sflag:s18] =	ssyncadd.s32 $0xFFFFFF80  }
0x55: {  	_ =	swait.ge [sflag:s18], $0x80  }
0x56: {  	[sflag:s18] =	ssyncset.done $0x0  }
0x57: {  	[sflag:s18] =	ssyncadd.s32 $0xFFFFFF80  }
0x58: {  	_ =	swait.ge [sflag:s18], $0x80  }
0x59: {  	[sflag:s18] =	ssyncset.done $0x0  }
0x5a: {  	[sflag:s18] =	ssyncadd.s32 $0xFFFFFF80  }
0x5b: {  	_ =	swait.ge [sflag:s18], $0x80  }
0x5c: {  	[sflag:s18] =	ssyncset.done $0x0  }
0x5d: {  	[sflag:s18] =	ssyncadd.s32 $0xFFFFFF80  }
0x5e: {  	_ =	swait.ge [sflag:s18], $0x80  }
0x5f: {  	[sflag:s18] =	ssyncset.done $0x0  }
0x60: {  	[sflag:s18] =	ssyncadd.s32 $0xFFFFFF80  }
0x61: {  	_ =	swait.ge [sflag:s18], $0x80  }
0x62: {  	[sflag:s18] =	ssyncset.done $0x0  }
0x63: {  	[sflag:s18] =	ssyncadd.s32 $0xFFFFFF80  }
0x64: {  	[bflag:$0x0] =	sbarrier.arrive $0xFFFF  }
0x65: {  	[tilespmem:s19], [sflag:$0x2] =	stream.linear.gather [spmem:s4], $0x320, $0x38;
	[tilespmem:$0x2FA0] =	vst v63  }
0x66: {  	s20 =	sadd.s32 $0x1, s20;
	_ =	swait.ge [sflag:s15], $0x320  }
0x67: {  	p0 =	sne.s32 s20, s13;
	[sflag:s15] =	ssyncset.done $0x0  }
.Ltmp1:
0x68: {  	[sflag:s15] =	ssyncadd.s32 $0xFFFFFCE0;
	(pc) =	sbr.rel @p0 .LBB2_1-.Ltmp1, $4  }
0x69: {  	[hbm4b:s12+s3] =	stream.linear.scatter [tilespmem:s19], [sflag:$0x2], $0x320, $0x38;
	[tilespmem:$0x2FA0] =	vst v63  }
0x6a: {  	_ =	swait.ge [sflag:s15], $0x320  }
0x6b: {  	[sflag:s15] =	ssyncset.done $0x0  }
0x6c: {  	[sflag:s15] =	ssyncadd.s32 $0xFFFFFCE0  }
0x6d: {  	_ =	sfence.sel $0x180000  }
0x6e: {  	[bflag:$0x0] =	sbarrier.arrive $0xFFFF  }
0x6f: {  	p0 =	sne.s32 s0, $0x0;
	_ =	strace $0x90000047  }
0x70: {  	s0 =	sadd.s32 @!p0 $0x100000, s1;
	[bflag:$0x2] =	sbarrier.arrive $0xFFFF  }
0x71: {  	[sflag:s0] =	ssyncadd.tile.s32 @!p0 $0x1;
	_ =	shalt  }
.Lfunc_end2:
_tile_overlayer_lowered:
.L_overlay_start_2:
0x72: {  	(tag) =	ssettag $0x2  }
0x73: {  	s0 =	rddreg [dreg:$0x0];
	s2 =	stileid.u32  }
0x74: {  	s1 =	rddreg [dreg:$0x1];
	p0 =	sne.s32 s2, $0x0  }
0x75: {  	s3 =	rddreg [dreg:$0x2];
	[bflag:$0x3] =	sbarrier.arrive $0xFFFF;
	s2 =	simm.s32 @!p0 $0x1C02  }
0x76: {  	[timem:s3], [sflag:s2] =	dma.local @!p0 [hbm:s0], s1  }
0x77: {  	s0 =	simm.s32 @!p0 $0x2  }
0x78: {  	_ =	swait.ge @!p0 [sflag:s0], s1  }
0x79: {  	s1 =	ssub.s32 @!p0 $0x0, s1;
	[sflag:s0] =	ssyncset.done @!p0 $0x0  }
0x7a: {  	[sflag:s0] =	ssyncadd.s32 @!p0 s1  }
0x7b: {  	[bflag:$0x3] =	sbarrier.arrive $0xFFFF  }
0x7c: {  	_ =	shalt  }

</sc_bundles>
